<compile_context>
chip_gen: v7x
topology: tpu7x:2x2x1
jax: 0.10.2.dev20260603
libtpu: 0.0.44.dev20260713+nightly
codegen_flags: <defaults>
</compile_context>

<pallas_src>
import functools

import jax
import jax.numpy as jnp
from jax import lax
from jax.experimental import pallas as pl
from jax.experimental.pallas import tpu as pltpu
from jax.experimental.pallas import tpu_sc as plsc

_N = 50000
_E = 800000
_D = 48
_H = 64
_NP = 51200
_NR = 51200
_NSUB = 16
_NCORE = 2
_EP = 802816

_DEG_K = 64
_DEG_NBLK = _EP // (_NCORE * _NSUB * _DEG_K)
_DEG_ZCHUNK = _NP // _NSUB


def _deg_body(dst_hbm, out_hbm, didx_all, ones_v, zbuf, deg_sh, sem):
    c = lax.axis_index("c")
    s = lax.axis_index("s")
    wid = c * _NSUB + s

    zeros16 = jnp.zeros((16,), jnp.float32)
    ones16 = jnp.ones((16,), jnp.float32)

    def zfill(i, _):
        zbuf[pl.ds(i * 16, 16)] = zeros16
        return 0

    lax.fori_loop(0, _DEG_ZCHUNK // 16, zfill, 0)
    for j in range(_DEG_K // 16):
        ones_v[pl.ds(j * 16, 16)] = ones16

    pltpu.sync_copy(zbuf, deg_sh.at[pl.ds(s * _DEG_ZCHUNK, _DEG_ZCHUNK)])
    pltpu.sync_copy(dst_hbm.at[pl.ds(wid * _DEG_NBLK, _DEG_NBLK)], didx_all)
    plsc.subcore_barrier()

    def fire(j, _):
        pltpu.async_copy(ones_v, deg_sh.at[didx_all.at[j]], sem, add=True)
        return 0

    lax.fori_loop(0, _DEG_NBLK, fire, 0)

    def drain(j, _):
        pltpu.make_async_copy(ones_v, deg_sh.at[didx_all.at[j]], sem).wait()
        return 0

    lax.fori_loop(0, _DEG_NBLK, drain, 0)
    plsc.subcore_barrier()

    @pl.when(s == 0)
    def _():
        pltpu.sync_copy(deg_sh, out_hbm.at[pl.ds(c * _NP, _NP)])


def _deg_call(dst2d):
    mesh = plsc.VectorSubcoreMesh(core_axis_name="c", subcore_axis_name="s")
    fn = functools.partial(
        pl.kernel,
        mesh=mesh,
        out_type=jax.ShapeDtypeStruct((_NCORE * _NP,), jnp.float32),
        compiler_params=pltpu.CompilerParams(use_tc_tiling_on_sc=False),
        scratch_types=[
            pltpu.VMEM((_DEG_NBLK, _DEG_K), jnp.int32),
            pltpu.VMEM((_DEG_K,), jnp.float32),
            pltpu.VMEM((_DEG_ZCHUNK,), jnp.float32),
            pltpu.VMEM_SHARED((_NP,), jnp.float32),
            pltpu.SemaphoreType.DMA,
        ],
    )(_deg_body)
    return fn(dst2d)


_MSG_K = 128
_MSG_NBLK = _EP // (_NSUB * _MSG_K)
_MSG_ROWS_PER_TILE = _NR // _NSUB
_MSG_DEPTH = 4
_MSG_SUP = 8
_MSG_NSUP = _MSG_NBLK // _MSG_SUP


def _msg_body(xs0_hbm, xs1_hbm, src_hbm, dst_hbm, acc_hbm,
              sidx_a, didx_a, sidx_b, didx_b, rows0, rows1, rows2, rows3,
              acc_sh, isem, sem0, sem1, sem2, sem3):
    c = lax.axis_index("c")
    s = lax.axis_index("s")
    rows = (rows0, rows1, rows2, rows3)
    sems = (sem0, sem1, sem2, sem3)
    cc = c * 32

    zoff = s * _MSG_ROWS_PER_TILE

    @pl.when(c == 0)
    def _():
        pltpu.sync_copy(xs0_hbm.at[pl.ds(zoff, _MSG_ROWS_PER_TILE)],
                        acc_sh.at[pl.ds(zoff, _MSG_ROWS_PER_TILE)])

    @pl.when(c == 1)
    def _():
        pltpu.sync_copy(xs1_hbm.at[pl.ds(zoff, _MSG_ROWS_PER_TILE)],
                        acc_sh.at[pl.ds(zoff, _MSG_ROWS_PER_TILE)])

    ebase = s * _MSG_NBLK

    def idx_fire(g, sb, db):
        pltpu.async_copy(src_hbm.at[pl.ds(ebase + g * _MSG_SUP, _MSG_SUP)],
                         sb, isem)
        pltpu.async_copy(dst_hbm.at[pl.ds(ebase + g * _MSG_SUP, _MSG_SUP)],
                         db, isem)

    def idx_wait(g, sb, db):
        pltpu.make_async_copy(
            src_hbm.at[pl.ds(ebase + g * _MSG_SUP, _MSG_SUP)], sb,
            isem).wait()
        pltpu.make_async_copy(
            dst_hbm.at[pl.ds(ebase + g * _MSG_SUP, _MSG_SUP)], db,
            isem).wait()

    def gather(idx_row, r):
        @pl.when(c == 0)
        def _():
            pltpu.async_copy(xs0_hbm.at[idx_row], rows[r], sems[r])

        @pl.when(c == 1)
        def _():
            pltpu.async_copy(xs1_hbm.at[idx_row], rows[r], sems[r])

    def gather_wait(idx_row, r):
        @pl.when(c == 0)
        def _():
            pltpu.make_async_copy(xs0_hbm.at[idx_row], rows[r],
                                  sems[r]).wait()

        @pl.when(c == 1)
        def _():
            pltpu.make_async_copy(xs1_hbm.at[idx_row], rows[r],
                                  sems[r]).wait()

    idx_fire(0, sidx_a, didx_a)
    idx_wait(0, sidx_a, didx_a)
    plsc.subcore_barrier()
    for t in range(_MSG_DEPTH):
        gather(sidx_a.at[t], t)

    def superblock(g, sidx_cur, didx_cur, sidx_nxt, didx_nxt):
        @pl.when(g + 1 < _MSG_NSUP)
        def _():
            idx_fire(g + 1, sidx_nxt, didx_nxt)

        for t in range(_MSG_SUP):
            if t == _MSG_DEPTH:
                @pl.when(g + 1 < _MSG_NSUP)
                def _():
                    idx_wait(g + 1, sidx_nxt, didx_nxt)
            r = t % _MSG_DEPTH
            gather_wait(sidx_cur.at[t], r)
            pltpu.sync_copy(rows[r], acc_sh.at[didx_cur.at[t]], add=True)
            if t < _MSG_DEPTH:
                gather(sidx_cur.at[t + _MSG_DEPTH], r)
            else:
                @pl.when(g + 1 < _MSG_NSUP)
                def _(t=t, r=r):
                    gather(sidx_nxt.at[t - _MSG_DEPTH], r)

    def sup_step(g, _):
        @pl.when(lax.rem(g, 2) == 0)
        def _():
            superblock(g, sidx_a, didx_a, sidx_b, didx_b)

        @pl.when(lax.rem(g, 2) == 1)
        def _():
            superblock(g, sidx_b, didx_b, sidx_a, didx_a)

        return 0

    lax.fori_loop(0, _MSG_NSUP, sup_step, 0)
    plsc.subcore_barrier()

    r0 = s * _MSG_ROWS_PER_TILE
    pltpu.sync_copy(acc_sh.at[pl.ds(r0, _MSG_ROWS_PER_TILE)],
                    acc_hbm.at[pl.ds(r0, _MSG_ROWS_PER_TILE),
                               pl.ds(cc, 32)])


def _msg_call(xs0, xs1, src2d, dst2d):
    mesh = plsc.VectorSubcoreMesh(core_axis_name="c", subcore_axis_name="s")
    fn = functools.partial(
        pl.kernel,
        mesh=mesh,
        out_type=jax.ShapeDtypeStruct((_NR, 128), jnp.float32),
        compiler_params=pltpu.CompilerParams(use_tc_tiling_on_sc=False),
        scratch_types=[
            pltpu.VMEM((_MSG_SUP, _MSG_K), jnp.int32),
            pltpu.VMEM((_MSG_SUP, _MSG_K), jnp.int32),
            pltpu.VMEM((_MSG_SUP, _MSG_K), jnp.int32),
            pltpu.VMEM((_MSG_SUP, _MSG_K), jnp.int32),
            pltpu.VMEM((_MSG_K, 32), jnp.float32),
            pltpu.VMEM((_MSG_K, 32), jnp.float32),
            pltpu.VMEM((_MSG_K, 32), jnp.float32),
            pltpu.VMEM((_MSG_K, 32), jnp.float32),
            pltpu.VMEM_SHARED((_NR, 32), jnp.float32),
            pltpu.SemaphoreType.DMA,
            pltpu.SemaphoreType.DMA,
            pltpu.SemaphoreType.DMA,
            pltpu.SemaphoreType.DMA,
            pltpu.SemaphoreType.DMA,
        ],
    )(_msg_body)
    return fn(xs0, xs1, src2d, dst2d)


_BRP = 2048
_NBLK_TC = 25


def _expand_col(v):
    rep = jnp.reshape(jnp.broadcast_to(v[:, None, :], (16, 128, 128)),
                      (_BRP, 128))
    row128 = lax.broadcasted_iota(jnp.int32, (_BRP, 128), 0)
    lane = lax.broadcasted_iota(jnp.int32, (_BRP, 128), 1)
    picked = jnp.where(lane == row128 % 128, rep, 0.0)
    return jnp.sum(picked, axis=1, keepdims=True)


def _xform_body(x_ref, g_ref, bt_ref, w_ref, d0_ref, d1_ref,
                o0_ref, o1_ref, st_ref):
    phase = pl.program_id(0)
    i = pl.program_id(1)

    @pl.when(phase == 0)
    def _():
        rows = lax.broadcasted_iota(jnp.int32, (_BRP, 1), 0) + i * _BRP
        xb = jnp.where(rows < _N, x_ref[...], 0.0)
        blk = jnp.concatenate(
            [jnp.sum(xb, axis=0, keepdims=True),
             jnp.sum(xb * xb, axis=0, keepdims=True)], axis=0)

        @pl.when(i == 0)
        def _():
            st_ref[...] = blk

        @pl.when(i > 0)
        def _():
            st_ref[...] += blk

    @pl.when(phase == 1)
    def _():
        st = st_ref[...]
        mean = st[0:1, :] * (1.0 / _N)
        var = st[1:2, :] * (1.0 / _N) - mean * mean
        rstd = lax.rsqrt(var + 1e-5)
        scale = g_ref[...] * rstd
        shift = bt_ref[...] - mean * scale
        xn = x_ref[...] * scale + shift
        xw = jnp.dot(xn, w_ref[...], preferred_element_type=jnp.float32)
        deg = d0_ref[...] + d1_ref[...] + 1.0
        dinv = _expand_col(lax.rsqrt(deg))
        xs = xw * dinv
        o0_ref[...] = xs[:, :32]
        o1_ref[...] = xs[:, 32:]


def _xform_call(x, g, bt, w, d0v, d1v):
    return pl.pallas_call(
        _xform_body,
        grid=(2, _NBLK_TC),
        in_specs=[
            pl.BlockSpec((_BRP, _D), lambda p, i: (i, 0)),
            pl.BlockSpec((1, _D), lambda p, i: (0, 0)),
            pl.BlockSpec((1, _D), lambda p, i: (0, 0)),
            pl.BlockSpec((_D, _H), lambda p, i: (0, 0)),
            pl.BlockSpec((16, 128), lambda p, i: (i, 0)),
            pl.BlockSpec((16, 128), lambda p, i: (i, 0)),
        ],
        out_specs=(pl.BlockSpec((_BRP, 32), lambda p, i: (p * i, 0)),
                   pl.BlockSpec((_BRP, 32), lambda p, i: (p * i, 0))),
        out_shape=(jax.ShapeDtypeStruct((_NR, 32), jnp.float32),
                   jax.ShapeDtypeStruct((_NR, 32), jnp.float32)),
        scratch_shapes=[pltpu.VMEM((2, _D), jnp.float32)],
    )(x, g, bt, w, d0v, d1v)


def _final_body(a_ref, d0_ref, d1_ref, b_ref, o_ref):
    deg = d0_ref[...] + d1_ref[...] + 1.0
    dinv = _expand_col(lax.rsqrt(deg))
    pre = a_ref[...][:, :_H] * dinv + b_ref[...]
    o_ref[...] = jnp.maximum(pre, 0.0)


def _final_call(a, d0v, d1v, b):
    return pl.pallas_call(
        _final_body,
        grid=(_NBLK_TC,),
        in_specs=[
            pl.BlockSpec((_BRP, 128), lambda i: (i, 0)),
            pl.BlockSpec((16, 128), lambda i: (i, 0)),
            pl.BlockSpec((16, 128), lambda i: (i, 0)),
            pl.BlockSpec((1, _H), lambda i: (0, 0)),
        ],
        out_specs=pl.BlockSpec((_BRP, _H), lambda i: (i, 0)),
        out_shape=jax.ShapeDtypeStruct((_N, _H), jnp.float32),
    )(a, d0v, d1v, b)


def kernel(x, edge_index, bn_gamma, bn_beta, W, b):
    npad = _EP - _E
    src = jnp.concatenate(
        [edge_index[0], jnp.zeros((npad,), jnp.int32)])
    dst = jnp.concatenate(
        [edge_index[1], jnp.full((npad,), _N, jnp.int32)])
    src_msg = src.reshape(_NSUB * _MSG_NBLK, _MSG_K)
    dst_msg = dst.reshape(_NSUB * _MSG_NBLK, _MSG_K)
    dst_deg = dst.reshape(_NCORE * _NSUB * _DEG_NBLK, _DEG_K)

    degp = _deg_call(dst_deg)

    d0v = degp[:_NP].reshape(_NP // 128, 128)
    d1v = degp[_NP:].reshape(_NP // 128, 128)

    xs0, xs1 = _xform_call(x, bn_gamma.reshape(1, _D),
                           bn_beta.reshape(1, _D), W, d0v, d1v)
    acc = _msg_call(xs0, xs1, src_msg, dst_msg)
    return _final_call(acc, d0v, d1v, b.reshape(1, _H))

# --- scband reference (transcript-rebuilt; emitter-appended) ---
"""Pipeline reference for scband-res-gcn-15882789060986 (READ-ONLY COPY).

The authoritative reference and input builder live on the scoring server;
editing this copy changes nothing except your own understanding.
"""

import jax, jax.numpy as jnp
import numpy as np

N = 50000
E = 800000
D_IN = 48
HIDDEN = 64

def setup_inputs(seed: int = 0) -> dict:
    key = jax.random.key(seed)
    k1, k2, k3 = jax.random.split(key, 3)
    x = jax.random.normal(k1, (N, D_IN), dtype=jnp.float32)
    edge_index = jax.random.randint(k2, (2, E), 0, N, dtype=jnp.int32)
    # BatchNorm1d(48) params (training-mode batch stats used in forward)
    bn_gamma = jnp.ones((D_IN,), dtype=jnp.float32)
    bn_beta = jnp.zeros((D_IN,), dtype=jnp.float32)
    # GCNConv(48 -> 64) params
    W = jax.random.normal(k3, (D_IN, HIDDEN), dtype=jnp.float32) * 0.1
    b = jnp.zeros((HIDDEN,), dtype=jnp.float32)
    return {"x": x, "edge_index": edge_index, "bn_gamma": bn_gamma, "bn_beta": bn_beta, "W": W, "b": b}

def reference(x, edge_index, bn_gamma, bn_beta, W, b):
    # BatchNorm1d (training mode: batch statistics, biased variance)
    eps = 1e-5
    mean = jnp.mean(x, axis=0)
    var = jnp.var(x, axis=0)
    xn = (x - mean) / jnp.sqrt(var + eps) * bn_gamma + bn_beta
    # GCNConv with self-loops and symmetric normalization (PyG gcn_norm)
    n = x.shape[0]
    loop = jnp.arange(n, dtype=edge_index.dtype)
    src = jnp.concatenate([edge_index[0], loop])
    dst = jnp.concatenate([edge_index[1], loop])
    xw = xn @ W
    ones = jnp.ones(src.shape[0], dtype=xw.dtype)
    deg = jnp.zeros((n,), dtype=xw.dtype).at[dst].add(ones)
    dinv = jnp.where(deg > 0, 1.0 / jnp.sqrt(deg), 0.0)
    norm = dinv[src] * dinv[dst]
    msg = xw[src] * norm[:, None]
    out = jnp.zeros((n, xw.shape[1]), dtype=xw.dtype).at[dst].add(msg) + b
    return jax.nn.relu(out)

if __name__ == "__main__":
    import jax
    _d = setup_inputs()
    print(jax.jit(kernel)(*tuple(_d.values())))

</pallas_src>

<mosaic_0001>
#map = affine_map<(d0, d1) -> (0, 0)>
module attributes {stable_mosaic.version = 14 : i64} {
  func.func @_msg_body(%arg0: i32, %arg1: i32, %arg2: memref<51200x32xf32, #tpu.memory_space<hbm>>, %arg3: memref<51200x32xf32, #tpu.memory_space<hbm>>, %arg4: memref<6272x128xi32, #tpu.memory_space<hbm>>, %arg5: memref<6272x128xi32, #tpu.memory_space<hbm>>, %arg6: memref<51200x128xf32, #tpu.memory_space<hbm>>, %arg7: memref<8x128xi32, #tpu.memory_space<vmem>>, %arg8: memref<8x128xi32, #tpu.memory_space<vmem>>, %arg9: memref<8x128xi32, #tpu.memory_space<vmem>>, %arg10: memref<8x128xi32, #tpu.memory_space<vmem>>, %arg11: memref<128x32xf32, #tpu.memory_space<vmem>>, %arg12: memref<128x32xf32, #tpu.memory_space<vmem>>, %arg13: memref<128x32xf32, #tpu.memory_space<vmem>>, %arg14: memref<128x32xf32, #tpu.memory_space<vmem>>, %arg15: memref<51200x32xf32, #tpu.memory_space<vmem_shared>>, %arg16: memref<!tpu.dma_semaphore, #tpu.memory_space<semaphore_mem>>, %arg17: memref<!tpu.dma_semaphore, #tpu.memory_space<semaphore_mem>>, %arg18: memref<!tpu.dma_semaphore, #tpu.memory_space<semaphore_mem>>, %arg19: memref<!tpu.dma_semaphore, #tpu.memory_space<semaphore_mem>>, %arg20: memref<!tpu.dma_semaphore, #tpu.memory_space<semaphore_mem>>) attributes {dimension_semantics = [#tpu.dimension_semantics<core_parallel>, #tpu.dimension_semantics<subcore_parallel>], iteration_bounds = array<i64: 2, 16>, scalar_prefetch = 0 : i64, scratch_operands = 14 : i64, tpu.core_type = #tpu.core_type<sc_vector_subcore>, window_params = [{transform_indices = #map}, {transform_indices = #map}, {transform_indices = #map}, {transform_indices = #map}, {transform_indices = #map}]} {
    %mul3A = arith.constant 32 : i32
    %mul3A_0 = arith.muli %arg0, %mul3A : i32
    %mul3A_1 = arith.constant 3200 : i32
    %mul3A_2 = arith.muli %arg1, %mul3A_1 : i32
    %eq3A = arith.constant 0 : i32
    %eq3A_3 = arith.cmpi eq, %arg0, %eq3A : i32
    %convert_element_type3A = arith.extui %eq3A_3 : i1 to i32
    %cond3A = arith.constant 0 : i32
    %cond3A_4 = arith.cmpi ne, %convert_element_type3A, %cond3A : i32
    scf.if %cond3A_4 {
      "tpu.region"() ({
        %run_scoped3A = tpu.sem_alloc : memref<!tpu.dma_semaphore, #tpu.memory_space<semaphore_mem>>
        %dma_start3A_90 = arith.constant 0 : i32
        %dma_start3A_91 = tpu.memref_slice %arg15[%mul3A_2, %dma_start3A_90] : memref<51200x32xf32, #tpu.memory_space<vmem_shared>> -> memref<3200x32xf32, #tpu.memory_space<vmem_shared>>
        %dma_start3A_92 = arith.constant 0 : i32
        %dma_start3A_93 = tpu.memref_slice %arg2[%mul3A_2, %dma_start3A_92] : memref<51200x32xf32, #tpu.memory_space<hbm>> -> memref<3200x32xf32, #tpu.memory_space<hbm>>
        tpu.enqueue_dma source(%dma_start3A_93 : memref<3200x32xf32, #tpu.memory_space<hbm>>) target(%dma_start3A_91 : memref<3200x32xf32, #tpu.memory_space<vmem_shared>>) target_semaphore(%run_scoped3A : memref<!tpu.dma_semaphore, #tpu.memory_space<semaphore_mem>>)
        %dma_wait3A_94 = arith.constant 0 : i32
        %dma_wait3A_95 = tpu.memref_slice %arg15[%mul3A_2, %dma_wait3A_94] : memref<51200x32xf32, #tpu.memory_space<vmem_shared>> -> memref<3200x32xf32, #tpu.memory_space<vmem_shared>>
        %dma_wait3A_96 = arith.constant 0 : i32
        %dma_wait3A_97 = tpu.memref_slice %arg2[%mul3A_2, %dma_wait3A_96] : memref<51200x32xf32, #tpu.memory_space<hbm>> -> memref<3200x32xf32, #tpu.memory_space<hbm>>
        tpu.wait_dma2 semaphore(%run_scoped3A : memref<!tpu.dma_semaphore, #tpu.memory_space<semaphore_mem>>) src(%dma_wait3A_97 : memref<3200x32xf32, #tpu.memory_space<hbm>>) dst(%dma_wait3A_95 : memref<3200x32xf32, #tpu.memory_space<vmem_shared>>)
        tpu.yield
      }) : () -> ()
    } else {
    }
    %eq3A_5 = arith.constant 1 : i32
    %eq3A_6 = arith.cmpi eq, %arg0, %eq3A_5 : i32
    %convert_element_type3A_7 = arith.extui %eq3A_6 : i1 to i32
    %cond3A_8 = arith.constant 0 : i32
    %cond3A_9 = arith.cmpi ne, %convert_element_type3A_7, %cond3A_8 : i32
    scf.if %cond3A_9 {
      "tpu.region"() ({
        %run_scoped3A = tpu.sem_alloc : memref<!tpu.dma_semaphore, #tpu.memory_space<semaphore_mem>>
        %dma_start3A_90 = arith.constant 0 : i32
        %dma_start3A_91 = tpu.memref_slice %arg15[%mul3A_2, %dma_start3A_90] : memref<51200x32xf32, #tpu.memory_space<vmem_shared>> -> memref<3200x32xf32, #tpu.memory_space<vmem_shared>>
        %dma_start3A_92 = arith.constant 0 : i32
        %dma_start3A_93 = tpu.memref_slice %arg3[%mul3A_2, %dma_start3A_92] : memref<51200x32xf32, #tpu.memory_space<hbm>> -> memref<3200x32xf32, #tpu.memory_space<hbm>>
        tpu.enqueue_dma source(%dma_start3A_93 : memref<3200x32xf32, #tpu.memory_space<hbm>>) target(%dma_start3A_91 : memref<3200x32xf32, #tpu.memory_space<vmem_shared>>) target_semaphore(%run_scoped3A : memref<!tpu.dma_semaphore, #tpu.memory_space<semaphore_mem>>)
        %dma_wait3A_94 = arith.constant 0 : i32
        %dma_wait3A_95 = tpu.memref_slice %arg15[%mul3A_2, %dma_wait3A_94] : memref<51200x32xf32, #tpu.memory_space<vmem_shared>> -> memref<3200x32xf32, #tpu.memory_space<vmem_shared>>
        %dma_wait3A_96 = arith.constant 0 : i32
        %dma_wait3A_97 = tpu.memref_slice %arg3[%mul3A_2, %dma_wait3A_96] : memref<51200x32xf32, #tpu.memory_space<hbm>> -> memref<3200x32xf32, #tpu.memory_space<hbm>>
        tpu.wait_dma2 semaphore(%run_scoped3A : memref<!tpu.dma_semaphore, #tpu.memory_space<semaphore_mem>>) src(%dma_wait3A_97 : memref<3200x32xf32, #tpu.memory_space<hbm>>) dst(%dma_wait3A_95 : memref<3200x32xf32, #tpu.memory_space<vmem_shared>>)
        tpu.yield
      }) : () -> ()
    } else {
    }
    %mul3A_10 = arith.constant 392 : i32
    %mul3A_11 = arith.muli %arg1, %mul3A_10 : i32
    %add3A = arith.constant 0 : i32
    %add3A_12 = arith.addi %mul3A_11, %add3A : i32
    %dma_start3A = arith.constant 0 : i32
    %dma_start3A_13 = tpu.memref_slice %arg4[%add3A_12, %dma_start3A] : memref<6272x128xi32, #tpu.memory_space<hbm>> -> memref<8x128xi32, #tpu.memory_space<hbm>>
    %dma_start3A_14 = arith.constant 0 : i32
    %dma_start3A_15 = tpu.memref_slice %arg4[%add3A_12, %dma_start3A_14] : memref<6272x128xi32, #tpu.memory_space<hbm>> -> memref<8x128xi32, #tpu.memory_space<hbm>>
    tpu.enqueue_dma source(%dma_start3A_15 : memref<8x128xi32, #tpu.memory_space<hbm>>) target(%arg7 : memref<8x128xi32, #tpu.memory_space<vmem>>) target_semaphore(%arg16 : memref<!tpu.dma_semaphore, #tpu.memory_space<semaphore_mem>>)
    %add3A_16 = arith.constant 0 : i32
    %add3A_17 = arith.addi %mul3A_11, %add3A_16 : i32
    %dma_start3A_18 = arith.constant 0 : i32
    %dma_start3A_19 = tpu.memref_slice %arg5[%add3A_17, %dma_start3A_18] : memref<6272x128xi32, #tpu.memory_space<hbm>> -> memref<8x128xi32, #tpu.memory_space<hbm>>
    %dma_start3A_20 = arith.constant 0 : i32
    %dma_start3A_21 = tpu.memref_slice %arg5[%add3A_17, %dma_start3A_20] : memref<6272x128xi32, #tpu.memory_space<hbm>> -> memref<8x128xi32, #tpu.memory_space<hbm>>
    tpu.enqueue_dma source(%dma_start3A_21 : memref<8x128xi32, #tpu.memory_space<hbm>>) target(%arg8 : memref<8x128xi32, #tpu.memory_space<vmem>>) target_semaphore(%arg16 : memref<!tpu.dma_semaphore, #tpu.memory_space<semaphore_mem>>)
    %add3A_22 = arith.constant 0 : i32
    %add3A_23 = arith.addi %mul3A_11, %add3A_22 : i32
    %dma_wait3A = arith.constant 0 : i32
    %dma_wait3A_24 = tpu.memref_slice %arg4[%add3A_23, %dma_wait3A] : memref<6272x128xi32, #tpu.memory_space<hbm>> -> memref<8x128xi32, #tpu.memory_space<hbm>>
    %dma_wait3A_25 = arith.constant 0 : i32
    %dma_wait3A_26 = tpu.memref_slice %arg4[%add3A_23, %dma_wait3A_25] : memref<6272x128xi32, #tpu.memory_space<hbm>> -> memref<8x128xi32, #tpu.memory_space<hbm>>
    tpu.wait_dma2 semaphore(%arg16 : memref<!tpu.dma_semaphore, #tpu.memory_space<semaphore_mem>>) src(%dma_wait3A_26 : memref<8x128xi32, #tpu.memory_space<hbm>>) dst(%arg7 : memref<8x128xi32, #tpu.memory_space<vmem>>)
    %add3A_27 = arith.constant 0 : i32
    %add3A_28 = arith.addi %mul3A_11, %add3A_27 : i32
    %dma_wait3A_29 = arith.constant 0 : i32
    %dma_wait3A_30 = tpu.memref_slice %arg5[%add3A_28, %dma_wait3A_29] : memref<6272x128xi32, #tpu.memory_space<hbm>> -> memref<8x128xi32, #tpu.memory_space<hbm>>
    %dma_wait3A_31 = arith.constant 0 : i32
    %dma_wait3A_32 = tpu.memref_slice %arg5[%add3A_28, %dma_wait3A_31] : memref<6272x128xi32, #tpu.memory_space<hbm>> -> memref<8x128xi32, #tpu.memory_space<hbm>>
    tpu.wait_dma2 semaphore(%arg16 : memref<!tpu.dma_semaphore, #tpu.memory_space<semaphore_mem>>) src(%dma_wait3A_32 : memref<8x128xi32, #tpu.memory_space<hbm>>) dst(%arg8 : memref<8x128xi32, #tpu.memory_space<vmem>>)
    %barrier3A = arith.constant 0 : index
    tpu.barrier barrier_id(%barrier3A)
    %eq3A_33 = arith.constant 0 : i32
    %eq3A_34 = arith.cmpi eq, %arg0, %eq3A_33 : i32
    %convert_element_type3A_35 = arith.extui %eq3A_34 : i1 to i32
    %cond3A_36 = arith.constant 0 : i32
    %cond3A_37 = arith.constant 0 : i32
    %cond3A_38 = arith.cmpi ne, %convert_element_type3A_35, %cond3A_37 : i32
    scf.if %cond3A_38 {
      %dma_start3A_90 = arith.constant 0 : i32
      %dma_start3A_91 = tpu.memref_slice %arg7[%cond3A_36, %dma_start3A_90] : memref<8x128xi32, #tpu.memory_space<vmem>> -> memref<1x128xi32, #tpu.memory_space<vmem>>
      %dma_start3A_92 = tpu.memref_squeeze %dma_start3A_91 : memref<1x128xi32, #tpu.memory_space<vmem>> -> memref<128xi32, #tpu.memory_space<vmem>>
      %dma_start3A_93 = arith.constant 0 : i32
      %dma_start3A_94 = arith.constant 0 : i32
      %dma_start3A_95 = tpu.memref_slice %arg2[%dma_start3A_93, %dma_start3A_94] : memref<51200x32xf32, #tpu.memory_space<hbm>> -> memref<51200x32xf32, #tpu.memory_space<hbm>>
      tpu.enqueue_indirect_dma source(%dma_start3A_95 : memref<51200x32xf32, #tpu.memory_space<hbm>>) target(%arg11 : memref<128x32xf32, #tpu.memory_space<vmem>>) offsets(%dma_start3A_92 : memref<128xi32, #tpu.memory_space<vmem>>) semaphore(%arg17 : memref<!tpu.dma_semaphore, #tpu.memory_space<semaphore_mem>>)
    } else {
    }
    %eq3A_39 = arith.constant 1 : i32
    %eq3A_40 = arith.cmpi eq, %arg0, %eq3A_39 : i32
    %convert_element_type3A_41 = arith.extui %eq3A_40 : i1 to i32
    %cond3A_42 = arith.constant 0 : i32
    %cond3A_43 = arith.constant 0 : i32
    %cond3A_44 = arith.cmpi ne, %convert_element_type3A_41, %cond3A_43 : i32
    scf.if %cond3A_44 {
      %dma_start3A_90 = arith.constant 0 : i32
      %dma_start3A_91 = tpu.memref_slice %arg7[%cond3A_42, %dma_start3A_90] : memref<8x128xi32, #tpu.memory_space<vmem>> -> memref<1x128xi32, #tpu.memory_space<vmem>>
      %dma_start3A_92 = tpu.memref_squeeze %dma_start3A_91 : memref<1x128xi32, #tpu.memory_space<vmem>> -> memref<128xi32, #tpu.memory_space<vmem>>
      %dma_start3A_93 = arith.constant 0 : i32
      %dma_start3A_94 = arith.constant 0 : i32
      %dma_start3A_95 = tpu.memref_slice %arg3[%dma_start3A_93, %dma_start3A_94] : memref<51200x32xf32, #tpu.memory_space<hbm>> -> memref<51200x32xf32, #tpu.memory_space<hbm>>
      tpu.enqueue_indirect_dma source(%dma_start3A_95 : memref<51200x32xf32, #tpu.memory_space<hbm>>) target(%arg11 : memref<128x32xf32, #tpu.memory_space<vmem>>) offsets(%dma_start3A_92 : memref<128xi32, #tpu.memory_space<vmem>>) semaphore(%arg17 : memref<!tpu.dma_semaphore, #tpu.memory_space<semaphore_mem>>)
    } else {
    }
    %eq3A_45 = arith.constant 0 : i32
    %eq3A_46 = arith.cmpi eq, %arg0, %eq3A_45 : i32
    %convert_element_type3A_47 = arith.extui %eq3A_46 : i1 to i32
    %cond3A_48 = arith.constant 1 : i32
    %cond3A_49 = arith.constant 0 : i32
    %cond3A_50 = arith.cmpi ne, %convert_element_type3A_47, %cond3A_49 : i32
    scf.if %cond3A_50 {
      %dma_start3A_90 = arith.constant 0 : i32
      %dma_start3A_91 = tpu.memref_slice %arg7[%cond3A_48, %dma_start3A_90] : memref<8x128xi32, #tpu.memory_space<vmem>> -> memref<1x128xi32, #tpu.memory_space<vmem>>
      %dma_start3A_92 = tpu.memref_squeeze %dma_start3A_91 : memref<1x128xi32, #tpu.memory_space<vmem>> -> memref<128xi32, #tpu.memory_space<vmem>>
      %dma_start3A_93 = arith.constant 0 : i32
      %dma_start3A_94 = arith.constant 0 : i32
      %dma_start3A_95 = tpu.memref_slice %arg2[%dma_start3A_93, %dma_start3A_94] : memref<51200x32xf32, #tpu.memory_space<hbm>> -> memref<51200x32xf32, #tpu.memory_space<hbm>>
      tpu.enqueue_indirect_dma source(%dma_start3A_95 : memref<51200x32xf32, #tpu.memory_space<hbm>>) target(%arg12 : memref<128x32xf32, #tpu.memory_space<vmem>>) offsets(%dma_start3A_92 : memref<128xi32, #tpu.memory_space<vmem>>) semaphore(%arg18 : memref<!tpu.dma_semaphore, #tpu.memory_space<semaphore_mem>>)
    } else {
    }
    %eq3A_51 = arith.constant 1 : i32
    %eq3A_52 = arith.cmpi eq, %arg0, %eq3A_51 : i32
    %convert_element_type3A_53 = arith.extui %eq3A_52 : i1 to i32
    %cond3A_54 = arith.constant 1 : i32
    %cond3A_55 = arith.constant 0 : i32
    %cond3A_56 = arith.cmpi ne, %convert_element_type3A_53, %cond3A_55 : i32
    scf.if %cond3A_56 {
      %dma_start3A_90 = arith.constant 0 : i32
      %dma_start3A_91 = tpu.memref_slice %arg7[%cond3A_54, %dma_start3A_90] : memref<8x128xi32, #tpu.memory_space<vmem>> -> memref<1x128xi32, #tpu.memory_space<vmem>>
      %dma_start3A_92 = tpu.memref_squeeze %dma_start3A_91 : memref<1x128xi32, #tpu.memory_space<vmem>> -> memref<128xi32, #tpu.memory_space<vmem>>
      %dma_start3A_93 = arith.constant 0 : i32
      %dma_start3A_94 = arith.constant 0 : i32
      %dma_start3A_95 = tpu.memref_slice %arg3[%dma_start3A_93, %dma_start3A_94] : memref<51200x32xf32, #tpu.memory_space<hbm>> -> memref<51200x32xf32, #tpu.memory_space<hbm>>
      tpu.enqueue_indirect_dma source(%dma_start3A_95 : memref<51200x32xf32, #tpu.memory_space<hbm>>) target(%arg12 : memref<128x32xf32, #tpu.memory_space<vmem>>) offsets(%dma_start3A_92 : memref<128xi32, #tpu.memory_space<vmem>>) semaphore(%arg18 : memref<!tpu.dma_semaphore, #tpu.memory_space<semaphore_mem>>)
    } else {
    }
    %eq3A_57 = arith.constant 0 : i32
    %eq3A_58 = arith.cmpi eq, %arg0, %eq3A_57 : i32
    %convert_element_type3A_59 = arith.extui %eq3A_58 : i1 to i32
    %cond3A_60 = arith.constant 2 : i32
    %cond3A_61 = arith.constant 0 : i32
    %cond3A_62 = arith.cmpi ne, %convert_element_type3A_59, %cond3A_61 : i32
    scf.if %cond3A_62 {
      %dma_start3A_90 = arith.constant 0 : i32
      %dma_start3A_91 = tpu.memref_slice %arg7[%cond3A_60, %dma_start3A_90] : memref<8x128xi32, #tpu.memory_space<vmem>> -> memref<1x128xi32, #tpu.memory_space<vmem>>
      %dma_start3A_92 = tpu.memref_squeeze %dma_start3A_91 : memref<1x128xi32, #tpu.memory_space<vmem>> -> memref<128xi32, #tpu.memory_space<vmem>>
      %dma_start3A_93 = arith.constant 0 : i32
      %dma_start3A_94 = arith.constant 0 : i32
      %dma_start3A_95 = tpu.memref_slice %arg2[%dma_start3A_93, %dma_start3A_94] : memref<51200x32xf32, #tpu.memory_space<hbm>> -> memref<51200x32xf32, #tpu.memory_space<hbm>>
      tpu.enqueue_indirect_dma source(%dma_start3A_95 : memref<51200x32xf32, #tpu.memory_space<hbm>>) target(%arg13 : memref<128x32xf32, #tpu.memory_space<vmem>>) offsets(%dma_start3A_92 : memref<128xi32, #tpu.memory_space<vmem>>) semaphore(%arg19 : memref<!tpu.dma_semaphore, #tpu.memory_space<semaphore_mem>>)
    } else {
    }
    %eq3A_63 = arith.constant 1 : i32
    %eq3A_64 = arith.cmpi eq, %arg0, %eq3A_63 : i32
    %convert_element_type3A_65 = arith.extui %eq3A_64 : i1 to i32
    %cond3A_66 = arith.constant 2 : i32
    %cond3A_67 = arith.constant 0 : i32
    %cond3A_68 = arith.cmpi ne, %convert_element_type3A_65, %cond3A_67 : i32
    scf.if %cond3A_68 {
      %dma_start3A_90 = arith.constant 0 : i32
      %dma_start3A_91 = tpu.memref_slice %arg7[%cond3A_66, %dma_start3A_90] : memref<8x128xi32, #tpu.memory_space<vmem>> -> memref<1x128xi32, #tpu.memory_space<vmem>>
      %dma_start3A_92 = tpu.memref_squeeze %dma_start3A_91 : memref<1x128xi32, #tpu.memory_space<vmem>> -> memref<128xi32, #tpu.memory_space<vmem>>
      %dma_start3A_93 = arith.constant 0 : i32
      %dma_start3A_94 = arith.constant 0 : i32
      %dma_start3A_95 = tpu.memref_slice %arg3[%dma_start3A_93, %dma_start3A_94] : memref<51200x32xf32, #tpu.memory_space<hbm>> -> memref<51200x32xf32, #tpu.memory_space<hbm>>
      tpu.enqueue_indirect_dma source(%dma_start3A_95 : memref<51200x32xf32, #tpu.memory_space<hbm>>) target(%arg13 : memref<128x32xf32, #tpu.memory_space<vmem>>) offsets(%dma_start3A_92 : memref<128xi32, #tpu.memory_space<vmem>>) semaphore(%arg19 : memref<!tpu.dma_semaphore, #tpu.memory_space<semaphore_mem>>)
    } else {
    }
    %eq3A_69 = arith.constant 0 : i32
    %eq3A_70 = arith.cmpi eq, %arg0, %eq3A_69 : i32
    %convert_element_type3A_71 = arith.extui %eq3A_70 : i1 to i32
    %cond3A_72 = arith.constant 3 : i32
    %cond3A_73 = arith.constant 0 : i32
    %cond3A_74 = arith.cmpi ne, %convert_element_type3A_71, %cond3A_73 : i32
    scf.if %cond3A_74 {
      %dma_start3A_90 = arith.constant 0 : i32
      %dma_start3A_91 = tpu.memref_slice %arg7[%cond3A_72, %dma_start3A_90] : memref<8x128xi32, #tpu.memory_space<vmem>> -> memref<1x128xi32, #tpu.memory_space<vmem>>
      %dma_start3A_92 = tpu.memref_squeeze %dma_start3A_91 : memref<1x128xi32, #tpu.memory_space<vmem>> -> memref<128xi32, #tpu.memory_space<vmem>>
      %dma_start3A_93 = arith.constant 0 : i32
      %dma_start3A_94 = arith.constant 0 : i32
      %dma_start3A_95 = tpu.memref_slice %arg2[%dma_start3A_93, %dma_start3A_94] : memref<51200x32xf32, #tpu.memory_space<hbm>> -> memref<51200x32xf32, #tpu.memory_space<hbm>>
      tpu.enqueue_indirect_dma source(%dma_start3A_95 : memref<51200x32xf32, #tpu.memory_space<hbm>>) target(%arg14 : memref<128x32xf32, #tpu.memory_space<vmem>>) offsets(%dma_start3A_92 : memref<128xi32, #tpu.memory_space<vmem>>) semaphore(%arg20 : memref<!tpu.dma_semaphore, #tpu.memory_space<semaphore_mem>>)
    } else {
    }
    %eq3A_75 = arith.constant 1 : i32
    %eq3A_76 = arith.cmpi eq, %arg0, %eq3A_75 : i32
    %convert_element_type3A_77 = arith.extui %eq3A_76 : i1 to i32
    %cond3A_78 = arith.constant 3 : i32
    %cond3A_79 = arith.constant 0 : i32
    %cond3A_80 = arith.cmpi ne, %convert_element_type3A_77, %cond3A_79 : i32
    scf.if %cond3A_80 {
      %dma_start3A_90 = arith.constant 0 : i32
      %dma_start3A_91 = tpu.memref_slice %arg7[%cond3A_78, %dma_start3A_90] : memref<8x128xi32, #tpu.memory_space<vmem>> -> memref<1x128xi32, #tpu.memory_space<vmem>>
      %dma_start3A_92 = tpu.memref_squeeze %dma_start3A_91 : memref<1x128xi32, #tpu.memory_space<vmem>> -> memref<128xi32, #tpu.memory_space<vmem>>
      %dma_start3A_93 = arith.constant 0 : i32
      %dma_start3A_94 = arith.constant 0 : i32
      %dma_start3A_95 = tpu.memref_slice %arg3[%dma_start3A_93, %dma_start3A_94] : memref<51200x32xf32, #tpu.memory_space<hbm>> -> memref<51200x32xf32, #tpu.memory_space<hbm>>
      tpu.enqueue_indirect_dma source(%dma_start3A_95 : memref<51200x32xf32, #tpu.memory_space<hbm>>) target(%arg14 : memref<128x32xf32, #tpu.memory_space<vmem>>) offsets(%dma_start3A_92 : memref<128xi32, #tpu.memory_space<vmem>>) semaphore(%arg20 : memref<!tpu.dma_semaphore, #tpu.memory_space<semaphore_mem>>)
    } else {
    }
    %scan3A = arith.constant 0 : i32
    %scan3A_81 = arith.constant 0 : i32
    %scan3A_82 = arith.constant 49 : i32
    %scan3A_83 = arith.addi %scan3A_81, %scan3A_82 : i32
    %scan3A_84 = arith.constant 1 : i32
    %scan3A_85 = scf.for %scan3A_90 = %scan3A_81 to %scan3A_83 step %scan3A_84 iter_args(%scan3A_91 = %scan3A) -> (i32)  : i32 {
      %rem3A = arith.constant 2 : i32
      %rem3A_92 = arith.remsi %scan3A_90, %rem3A : i32
      %eq3A_93 = arith.constant 0 : i32
      %eq3A_94 = arith.cmpi eq, %rem3A_92, %eq3A_93 : i32
      %convert_element_type3A_95 = arith.extui %eq3A_94 : i1 to i32
      %cond3A_96 = arith.constant 0 : i32
      %cond3A_97 = arith.cmpi ne, %convert_element_type3A_95, %cond3A_96 : i32
      scf.if %cond3A_97 {
        %add3A_106 = arith.constant 1 : i32
        %add3A_107 = arith.addi %scan3A_90, %add3A_106 : i32
        %lt3A = arith.constant 49 : i32
        %lt3A_108 = arith.cmpi slt, %add3A_107, %lt3A : i32
        %convert_element_type3A_109 = arith.extui %lt3A_108 : i1 to i32
        %cond3A_110 = arith.constant 0 : i32
        %cond3A_111 = arith.cmpi ne, %convert_element_type3A_109, %cond3A_110 : i32
        scf.if %cond3A_111 {
          %add3A_298 = arith.constant 1 : i32
          %add3A_299 = arith.addi %scan3A_90, %add3A_298 : i32
          %mul3A_300 = arith.constant 8 : i32
          %mul3A_301 = arith.muli %add3A_299, %mul3A_300 : i32
          %add3A_302 = arith.addi %mul3A_11, %mul3A_301 : i32
          %dma_start3A_303 = arith.constant 0 : i32
          %dma_start3A_304 = tpu.memref_slice %arg4[%add3A_302, %dma_start3A_303] : memref<6272x128xi32, #tpu.memory_space<hbm>> -> memref<8x128xi32, #tpu.memory_space<hbm>>
          %dma_start3A_305 = arith.constant 0 : i32
          %dma_start3A_306 = tpu.memref_slice %arg4[%add3A_302, %dma_start3A_305] : memref<6272x128xi32, #tpu.memory_space<hbm>> -> memref<8x128xi32, #tpu.memory_space<hbm>>
          tpu.enqueue_dma source(%dma_start3A_306 : memref<8x128xi32, #tpu.memory_space<hbm>>) target(%arg9 : memref<8x128xi32, #tpu.memory_space<vmem>>) target_semaphore(%arg16 : memref<!tpu.dma_semaphore, #tpu.memory_space<semaphore_mem>>)
          %mul3A_307 = arith.constant 8 : i32
          %mul3A_308 = arith.muli %add3A_299, %mul3A_307 : i32
          %add3A_309 = arith.addi %mul3A_11, %mul3A_308 : i32
          %dma_start3A_310 = arith.constant 0 : i32
          %dma_start3A_311 = tpu.memref_slice %arg5[%add3A_309, %dma_start3A_310] : memref<6272x128xi32, #tpu.memory_space<hbm>> -> memref<8x128xi32, #tpu.memory_space<hbm>>
          %dma_start3A_312 = arith.constant 0 : i32
          %dma_start3A_313 = tpu.memref_slice %arg5[%add3A_309, %dma_start3A_312] : memref<6272x128xi32, #tpu.memory_space<hbm>> -> memref<8x128xi32, #tpu.memory_space<hbm>>
          tpu.enqueue_dma source(%dma_start3A_313 : memref<8x128xi32, #tpu.memory_space<hbm>>) target(%arg10 : memref<8x128xi32, #tpu.memory_space<vmem>>) target_semaphore(%arg16 : memref<!tpu.dma_semaphore, #tpu.memory_space<semaphore_mem>>)
        } else {
        }
        %eq3A_112 = arith.constant 0 : i32
        %eq3A_113 = arith.cmpi eq, %arg0, %eq3A_112 : i32
        %convert_element_type3A_114 = arith.extui %eq3A_113 : i1 to i32
        %cond3A_115 = arith.constant 0 : i32
        %cond3A_116 = arith.constant 0 : i32
        %cond3A_117 = arith.cmpi ne, %convert_element_type3A_114, %cond3A_116 : i32
        scf.if %cond3A_117 {
          %dma_wait3A_298 = arith.constant 0 : i32
          %dma_wait3A_299 = tpu.memref_slice %arg7[%cond3A_115, %dma_wait3A_298] : memref<8x128xi32, #tpu.memory_space<vmem>> -> memref<1x128xi32, #tpu.memory_space<vmem>>
          %dma_wait3A_300 = tpu.memref_squeeze %dma_wait3A_299 : memref<1x128xi32, #tpu.memory_space<vmem>> -> memref<128xi32, #tpu.memory_space<vmem>>
          %dma_wait3A_301 = arith.constant 0 : i32
          %dma_wait3A_302 = arith.constant 0 : i32
          %dma_wait3A_303 = tpu.memref_slice %arg2[%dma_wait3A_301, %dma_wait3A_302] : memref<51200x32xf32, #tpu.memory_space<hbm>> -> memref<51200x32xf32, #tpu.memory_space<hbm>>
          tpu.wait_indirect_dma semaphore(%arg17 : memref<!tpu.dma_semaphore, #tpu.memory_space<semaphore_mem>>) src(%dma_wait3A_303 : memref<51200x32xf32, #tpu.memory_space<hbm>>) dst(%arg11 : memref<128x32xf32, #tpu.memory_space<vmem>>)
        } else {
        }
        %eq3A_118 = arith.constant 1 : i32
        %eq3A_119 = arith.cmpi eq, %arg0, %eq3A_118 : i32
        %convert_element_type3A_120 = arith.extui %eq3A_119 : i1 to i32
        %cond3A_121 = arith.constant 0 : i32
        %cond3A_122 = arith.constant 0 : i32
        %cond3A_123 = arith.cmpi ne, %convert_element_type3A_120, %cond3A_122 : i32
        scf.if %cond3A_123 {
          %dma_wait3A_298 = arith.constant 0 : i32
          %dma_wait3A_299 = tpu.memref_slice %arg7[%cond3A_121, %dma_wait3A_298] : memref<8x128xi32, #tpu.memory_space<vmem>> -> memref<1x128xi32, #tpu.memory_space<vmem>>
          %dma_wait3A_300 = tpu.memref_squeeze %dma_wait3A_299 : memref<1x128xi32, #tpu.memory_space<vmem>> -> memref<128xi32, #tpu.memory_space<vmem>>
          %dma_wait3A_301 = arith.constant 0 : i32
          %dma_wait3A_302 = arith.constant 0 : i32
          %dma_wait3A_303 = tpu.memref_slice %arg3[%dma_wait3A_301, %dma_wait3A_302] : memref<51200x32xf32, #tpu.memory_space<hbm>> -> memref<51200x32xf32, #tpu.memory_space<hbm>>
          tpu.wait_indirect_dma semaphore(%arg17 : memref<!tpu.dma_semaphore, #tpu.memory_space<semaphore_mem>>) src(%dma_wait3A_303 : memref<51200x32xf32, #tpu.memory_space<hbm>>) dst(%arg11 : memref<128x32xf32, #tpu.memory_space<vmem>>)
        } else {
        }
        %run_scoped3A = arith.constant 0 : i32
        "tpu.region"() ({
          %run_scoped3A_298 = tpu.sem_alloc : memref<!tpu.dma_semaphore, #tpu.memory_space<semaphore_mem>>
          %dma_start3A_299 = arith.constant 0 : i32
          %dma_start3A_300 = tpu.memref_slice %arg8[%run_scoped3A, %dma_start3A_299] : memref<8x128xi32, #tpu.memory_space<vmem>> -> memref<1x128xi32, #tpu.memory_space<vmem>>
          %dma_start3A_301 = tpu.memref_squeeze %dma_start3A_300 : memref<1x128xi32, #tpu.memory_space<vmem>> -> memref<128xi32, #tpu.memory_space<vmem>>
          %dma_start3A_302 = arith.constant 0 : i32
          %dma_start3A_303 = arith.constant 0 : i32
          %dma_start3A_304 = tpu.memref_slice %arg15[%dma_start3A_302, %dma_start3A_303] : memref<51200x32xf32, #tpu.memory_space<vmem_shared>> -> memref<51200x32xf32, #tpu.memory_space<vmem_shared>>
          tpu.enqueue_indirect_dma source(%arg11 : memref<128x32xf32, #tpu.memory_space<vmem>>) target(%dma_start3A_304 : memref<51200x32xf32, #tpu.memory_space<vmem_shared>>) offsets(%dma_start3A_301 : memref<128xi32, #tpu.memory_space<vmem>>) semaphore(%run_scoped3A_298 : memref<!tpu.dma_semaphore, #tpu.memory_space<semaphore_mem>>) {add = true}
          %dma_wait3A_305 = arith.constant 0 : i32
          %dma_wait3A_306 = tpu.memref_slice %arg8[%run_scoped3A, %dma_wait3A_305] : memref<8x128xi32, #tpu.memory_space<vmem>> -> memref<1x128xi32, #tpu.memory_space<vmem>>
          %dma_wait3A_307 = tpu.memref_squeeze %dma_wait3A_306 : memref<1x128xi32, #tpu.memory_space<vmem>> -> memref<128xi32, #tpu.memory_space<vmem>>
          %dma_wait3A_308 = arith.constant 0 : i32
          %dma_wait3A_309 = arith.constant 0 : i32
          %dma_wait3A_310 = tpu.memref_slice %arg15[%dma_wait3A_308, %dma_wait3A_309] : memref<51200x32xf32, #tpu.memory_space<vmem_shared>> -> memref<51200x32xf32, #tpu.memory_space<vmem_shared>>
          tpu.wait_indirect_dma semaphore(%run_scoped3A_298 : memref<!tpu.dma_semaphore, #tpu.memory_space<semaphore_mem>>) src(%arg11 : memref<128x32xf32, #tpu.memory_space<vmem>>) dst(%dma_wait3A_310 : memref<51200x32xf32, #tpu.memory_space<vmem_shared>>)
          tpu.yield
        }) : () -> ()
        %eq3A_124 = arith.constant 0 : i32
        %eq3A_125 = arith.cmpi eq, %arg0, %eq3A_124 : i32
        %convert_element_type3A_126 = arith.extui %eq3A_125 : i1 to i32
        %cond3A_127 = arith.constant 4 : i32
        %cond3A_128 = arith.constant 0 : i32
        %cond3A_129 = arith.cmpi ne, %convert_element_type3A_126, %cond3A_128 : i32
        scf.if %cond3A_129 {
          %dma_start3A_298 = arith.constant 0 : i32
          %dma_start3A_299 = tpu.memref_slice %arg7[%cond3A_127, %dma_start3A_298] : memref<8x128xi32, #tpu.memory_space<vmem>> -> memref<1x128xi32, #tpu.memory_space<vmem>>
          %dma_start3A_300 = tpu.memref_squeeze %dma_start3A_299 : memref<1x128xi32, #tpu.memory_space<vmem>> -> memref<128xi32, #tpu.memory_space<vmem>>
          %dma_start3A_301 = arith.constant 0 : i32
          %dma_start3A_302 = arith.constant 0 : i32
          %dma_start3A_303 = tpu.memref_slice %arg2[%dma_start3A_301, %dma_start3A_302] : memref<51200x32xf32, #tpu.memory_space<hbm>> -> memref<51200x32xf32, #tpu.memory_space<hbm>>
          tpu.enqueue_indirect_dma source(%dma_start3A_303 : memref<51200x32xf32, #tpu.memory_space<hbm>>) target(%arg11 : memref<128x32xf32, #tpu.memory_space<vmem>>) offsets(%dma_start3A_300 : memref<128xi32, #tpu.memory_space<vmem>>) semaphore(%arg17 : memref<!tpu.dma_semaphore, #tpu.memory_space<semaphore_mem>>)
        } else {
        }
        %eq3A_130 = arith.constant 1 : i32
        %eq3A_131 = arith.cmpi eq, %arg0, %eq3A_130 : i32
        %convert_element_type3A_132 = arith.extui %eq3A_131 : i1 to i32
        %cond3A_133 = arith.constant 4 : i32
        %cond3A_134 = arith.constant 0 : i32
        %cond3A_135 = arith.cmpi ne, %convert_element_type3A_132, %cond3A_134 : i32
        scf.if %cond3A_135 {
          %dma_start3A_298 = arith.constant 0 : i32
          %dma_start3A_299 = tpu.memref_slice %arg7[%cond3A_133, %dma_start3A_298] : memref<8x128xi32, #tpu.memory_space<vmem>> -> memref<1x128xi32, #tpu.memory_space<vmem>>
          %dma_start3A_300 = tpu.memref_squeeze %dma_start3A_299 : memref<1x128xi32, #tpu.memory_space<vmem>> -> memref<128xi32, #tpu.memory_space<vmem>>
          %dma_start3A_301 = arith.constant 0 : i32
          %dma_start3A_302 = arith.constant 0 : i32
          %dma_start3A_303 = tpu.memref_slice %arg3[%dma_start3A_301, %dma_start3A_302] : memref<51200x32xf32, #tpu.memory_space<hbm>> -> memref<51200x32xf32, #tpu.memory_space<hbm>>
          tpu.enqueue_indirect_dma source(%dma_start3A_303 : memref<51200x32xf32, #tpu.memory_space<hbm>>) target(%arg11 : memref<128x32xf32, #tpu.memory_space<vmem>>) offsets(%dma_start3A_300 : memref<128xi32, #tpu.memory_space<vmem>>) semaphore(%arg17 : memref<!tpu.dma_semaphore, #tpu.memory_space<semaphore_mem>>)
        } else {
        }
        %eq3A_136 = arith.constant 0 : i32
        %eq3A_137 = arith.cmpi eq, %arg0, %eq3A_136 : i32
        %convert_element_type3A_138 = arith.extui %eq3A_137 : i1 to i32
        %cond3A_139 = arith.constant 1 : i32
        %cond3A_140 = arith.constant 0 : i32
        %cond3A_141 = arith.cmpi ne, %convert_element_type3A_138, %cond3A_140 : i32
        scf.if %cond3A_141 {
          %dma_wait3A_298 = arith.constant 0 : i32
          %dma_wait3A_299 = tpu.memref_slice %arg7[%cond3A_139, %dma_wait3A_298] : memref<8x128xi32, #tpu.memory_space<vmem>> -> memref<1x128xi32, #tpu.memory_space<vmem>>
          %dma_wait3A_300 = tpu.memref_squeeze %dma_wait3A_299 : memref<1x128xi32, #tpu.memory_space<vmem>> -> memref<128xi32, #tpu.memory_space<vmem>>
          %dma_wait3A_301 = arith.constant 0 : i32
          %dma_wait3A_302 = arith.constant 0 : i32
          %dma_wait3A_303 = tpu.memref_slice %arg2[%dma_wait3A_301, %dma_wait3A_302] : memref<51200x32xf32, #tpu.memory_space<hbm>> -> memref<51200x32xf32, #tpu.memory_space<hbm>>
          tpu.wait_indirect_dma semaphore(%arg18 : memref<!tpu.dma_semaphore, #tpu.memory_space<semaphore_mem>>) src(%dma_wait3A_303 : memref<51200x32xf32, #tpu.memory_space<hbm>>) dst(%arg12 : memref<128x32xf32, #tpu.memory_space<vmem>>)
        } else {
        }
        %eq3A_142 = arith.constant 1 : i32
        %eq3A_143 = arith.cmpi eq, %arg0, %eq3A_142 : i32
        %convert_element_type3A_144 = arith.extui %eq3A_143 : i1 to i32
        %cond3A_145 = arith.constant 1 : i32
        %cond3A_146 = arith.constant 0 : i32
        %cond3A_147 = arith.cmpi ne, %convert_element_type3A_144, %cond3A_146 : i32
        scf.if %cond3A_147 {
          %dma_wait3A_298 = arith.constant 0 : i32
          %dma_wait3A_299 = tpu.memref_slice %arg7[%cond3A_145, %dma_wait3A_298] : memref<8x128xi32, #tpu.memory_space<vmem>> -> memref<1x128xi32, #tpu.memory_space<vmem>>
          %dma_wait3A_300 = tpu.memref_squeeze %dma_wait3A_299 : memref<1x128xi32, #tpu.memory_space<vmem>> -> memref<128xi32, #tpu.memory_space<vmem>>
          %dma_wait3A_301 = arith.constant 0 : i32
          %dma_wait3A_302 = arith.constant 0 : i32
          %dma_wait3A_303 = tpu.memref_slice %arg3[%dma_wait3A_301, %dma_wait3A_302] : memref<51200x32xf32, #tpu.memory_space<hbm>> -> memref<51200x32xf32, #tpu.memory_space<hbm>>
          tpu.wait_indirect_dma semaphore(%arg18 : memref<!tpu.dma_semaphore, #tpu.memory_space<semaphore_mem>>) src(%dma_wait3A_303 : memref<51200x32xf32, #tpu.memory_space<hbm>>) dst(%arg12 : memref<128x32xf32, #tpu.memory_space<vmem>>)
        } else {
        }
        %run_scoped3A_148 = arith.constant 1 : i32
        "tpu.region"() ({
          %run_scoped3A_298 = tpu.sem_alloc : memref<!tpu.dma_semaphore, #tpu.memory_space<semaphore_mem>>
          %dma_start3A_299 = arith.constant 0 : i32
          %dma_start3A_300 = tpu.memref_slice %arg8[%run_scoped3A_148, %dma_start3A_299] : memref<8x128xi32, #tpu.memory_space<vmem>> -> memref<1x128xi32, #tpu.memory_space<vmem>>
          %dma_start3A_301 = tpu.memref_squeeze %dma_start3A_300 : memref<1x128xi32, #tpu.memory_space<vmem>> -> memref<128xi32, #tpu.memory_space<vmem>>
          %dma_start3A_302 = arith.constant 0 : i32
          %dma_start3A_303 = arith.constant 0 : i32
          %dma_start3A_304 = tpu.memref_slice %arg15[%dma_start3A_302, %dma_start3A_303] : memref<51200x32xf32, #tpu.memory_space<vmem_shared>> -> memref<51200x32xf32, #tpu.memory_space<vmem_shared>>
          tpu.enqueue_indirect_dma source(%arg12 : memref<128x32xf32, #tpu.memory_space<vmem>>) target(%dma_start3A_304 : memref<51200x32xf32, #tpu.memory_space<vmem_shared>>) offsets(%dma_start3A_301 : memref<128xi32, #tpu.memory_space<vmem>>) semaphore(%run_scoped3A_298 : memref<!tpu.dma_semaphore, #tpu.memory_space<semaphore_mem>>) {add = true}
          %dma_wait3A_305 = arith.constant 0 : i32
          %dma_wait3A_306 = tpu.memref_slice %arg8[%run_scoped3A_148, %dma_wait3A_305] : memref<8x128xi32, #tpu.memory_space<vmem>> -> memref<1x128xi32, #tpu.memory_space<vmem>>
          %dma_wait3A_307 = tpu.memref_squeeze %dma_wait3A_306 : memref<1x128xi32, #tpu.memory_space<vmem>> -> memref<128xi32, #tpu.memory_space<vmem>>
          %dma_wait3A_308 = arith.constant 0 : i32
          %dma_wait3A_309 = arith.constant 0 : i32
          %dma_wait3A_310 = tpu.memref_slice %arg15[%dma_wait3A_308, %dma_wait3A_309] : memref<51200x32xf32, #tpu.memory_space<vmem_shared>> -> memref<51200x32xf32, #tpu.memory_space<vmem_shared>>
          tpu.wait_indirect_dma semaphore(%run_scoped3A_298 : memref<!tpu.dma_semaphore, #tpu.memory_space<semaphore_mem>>) src(%arg12 : memref<128x32xf32, #tpu.memory_space<vmem>>) dst(%dma_wait3A_310 : memref<51200x32xf32, #tpu.memory_space<vmem_shared>>)
          tpu.yield
        }) : () -> ()
        %eq3A_149 = arith.constant 0 : i32
        %eq3A_150 = arith.cmpi eq, %arg0, %eq3A_149 : i32
        %convert_element_type3A_151 = arith.extui %eq3A_150 : i1 to i32
        %cond3A_152 = arith.constant 5 : i32
        %cond3A_153 = arith.constant 0 : i32
        %cond3A_154 = arith.cmpi ne, %convert_element_type3A_151, %cond3A_153 : i32
        scf.if %cond3A_154 {
          %dma_start3A_298 = arith.constant 0 : i32
          %dma_start3A_299 = tpu.memref_slice %arg7[%cond3A_152, %dma_start3A_298] : memref<8x128xi32, #tpu.memory_space<vmem>> -> memref<1x128xi32, #tpu.memory_space<vmem>>
          %dma_start3A_300 = tpu.memref_squeeze %dma_start3A_299 : memref<1x128xi32, #tpu.memory_space<vmem>> -> memref<128xi32, #tpu.memory_space<vmem>>
          %dma_start3A_301 = arith.constant 0 : i32
          %dma_start3A_302 = arith.constant 0 : i32
          %dma_start3A_303 = tpu.memref_slice %arg2[%dma_start3A_301, %dma_start3A_302] : memref<51200x32xf32, #tpu.memory_space<hbm>> -> memref<51200x32xf32, #tpu.memory_space<hbm>>
          tpu.enqueue_indirect_dma source(%dma_start3A_303 : memref<51200x32xf32, #tpu.memory_space<hbm>>) target(%arg12 : memref<128x32xf32, #tpu.memory_space<vmem>>) offsets(%dma_start3A_300 : memref<128xi32, #tpu.memory_space<vmem>>) semaphore(%arg18 : memref<!tpu.dma_semaphore, #tpu.memory_space<semaphore_mem>>)
        } else {
        }
        %eq3A_155 = arith.constant 1 : i32
        %eq3A_156 = arith.cmpi eq, %arg0, %eq3A_155 : i32
        %convert_element_type3A_157 = arith.extui %eq3A_156 : i1 to i32
        %cond3A_158 = arith.constant 5 : i32
        %cond3A_159 = arith.constant 0 : i32
        %cond3A_160 = arith.cmpi ne, %convert_element_type3A_157, %cond3A_159 : i32
        scf.if %cond3A_160 {
          %dma_start3A_298 = arith.constant 0 : i32
          %dma_start3A_299 = tpu.memref_slice %arg7[%cond3A_158, %dma_start3A_298] : memref<8x128xi32, #tpu.memory_space<vmem>> -> memref<1x128xi32, #tpu.memory_space<vmem>>
          %dma_start3A_300 = tpu.memref_squeeze %dma_start3A_299 : memref<1x128xi32, #tpu.memory_space<vmem>> -> memref<128xi32, #tpu.memory_space<vmem>>
          %dma_start3A_301 = arith.constant 0 : i32
          %dma_start3A_302 = arith.constant 0 : i32
          %dma_start3A_303 = tpu.memref_slice %arg3[%dma_start3A_301, %dma_start3A_302] : memref<51200x32xf32, #tpu.memory_space<hbm>> -> memref<51200x32xf32, #tpu.memory_space<hbm>>
          tpu.enqueue_indirect_dma source(%dma_start3A_303 : memref<51200x32xf32, #tpu.memory_space<hbm>>) target(%arg12 : memref<128x32xf32, #tpu.memory_space<vmem>>) offsets(%dma_start3A_300 : memref<128xi32, #tpu.memory_space<vmem>>) semaphore(%arg18 : memref<!tpu.dma_semaphore, #tpu.memory_space<semaphore_mem>>)
        } else {
        }
        %eq3A_161 = arith.constant 0 : i32
        %eq3A_162 = arith.cmpi eq, %arg0, %eq3A_161 : i32
        %convert_element_type3A_163 = arith.extui %eq3A_162 : i1 to i32
        %cond3A_164 = arith.constant 2 : i32
        %cond3A_165 = arith.constant 0 : i32
        %cond3A_166 = arith.cmpi ne, %convert_element_type3A_163, %cond3A_165 : i32
        scf.if %cond3A_166 {
          %dma_wait3A_298 = arith.constant 0 : i32
          %dma_wait3A_299 = tpu.memref_slice %arg7[%cond3A_164, %dma_wait3A_298] : memref<8x128xi32, #tpu.memory_space<vmem>> -> memref<1x128xi32, #tpu.memory_space<vmem>>
          %dma_wait3A_300 = tpu.memref_squeeze %dma_wait3A_299 : memref<1x128xi32, #tpu.memory_space<vmem>> -> memref<128xi32, #tpu.memory_space<vmem>>
          %dma_wait3A_301 = arith.constant 0 : i32
          %dma_wait3A_302 = arith.constant 0 : i32
          %dma_wait3A_303 = tpu.memref_slice %arg2[%dma_wait3A_301, %dma_wait3A_302] : memref<51200x32xf32, #tpu.memory_space<hbm>> -> memref<51200x32xf32, #tpu.memory_space<hbm>>
          tpu.wait_indirect_dma semaphore(%arg19 : memref<!tpu.dma_semaphore, #tpu.memory_space<semaphore_mem>>) src(%dma_wait3A_303 : memref<51200x32xf32, #tpu.memory_space<hbm>>) dst(%arg13 : memref<128x32xf32, #tpu.memory_space<vmem>>)
        } else {
        }
        %eq3A_167 = arith.constant 1 : i32
        %eq3A_168 = arith.cmpi eq, %arg0, %eq3A_167 : i32
        %convert_element_type3A_169 = arith.extui %eq3A_168 : i1 to i32
        %cond3A_170 = arith.constant 2 : i32
        %cond3A_171 = arith.constant 0 : i32
        %cond3A_172 = arith.cmpi ne, %convert_element_type3A_169, %cond3A_171 : i32
        scf.if %cond3A_172 {
          %dma_wait3A_298 = arith.constant 0 : i32
          %dma_wait3A_299 = tpu.memref_slice %arg7[%cond3A_170, %dma_wait3A_298] : memref<8x128xi32, #tpu.memory_space<vmem>> -> memref<1x128xi32, #tpu.memory_space<vmem>>
          %dma_wait3A_300 = tpu.memref_squeeze %dma_wait3A_299 : memref<1x128xi32, #tpu.memory_space<vmem>> -> memref<128xi32, #tpu.memory_space<vmem>>
          %dma_wait3A_301 = arith.constant 0 : i32
          %dma_wait3A_302 = arith.constant 0 : i32
          %dma_wait3A_303 = tpu.memref_slice %arg3[%dma_wait3A_301, %dma_wait3A_302] : memref<51200x32xf32, #tpu.memory_space<hbm>> -> memref<51200x32xf32, #tpu.memory_space<hbm>>
          tpu.wait_indirect_dma semaphore(%arg19 : memref<!tpu.dma_semaphore, #tpu.memory_space<semaphore_mem>>) src(%dma_wait3A_303 : memref<51200x32xf32, #tpu.memory_space<hbm>>) dst(%arg13 : memref<128x32xf32, #tpu.memory_space<vmem>>)
        } else {
        }
        %run_scoped3A_173 = arith.constant 2 : i32
        "tpu.region"() ({
          %run_scoped3A_298 = tpu.sem_alloc : memref<!tpu.dma_semaphore, #tpu.memory_space<semaphore_mem>>
          %dma_start3A_299 = arith.constant 0 : i32
          %dma_start3A_300 = tpu.memref_slice %arg8[%run_scoped3A_173, %dma_start3A_299] : memref<8x128xi32, #tpu.memory_space<vmem>> -> memref<1x128xi32, #tpu.memory_space<vmem>>
          %dma_start3A_301 = tpu.memref_squeeze %dma_start3A_300 : memref<1x128xi32, #tpu.memory_space<vmem>> -> memref<128xi32, #tpu.memory_space<vmem>>
          %dma_start3A_302 = arith.constant 0 : i32
          %dma_start3A_303 = arith.constant 0 : i32
          %dma_start3A_304 = tpu.memref_slice %arg15[%dma_start3A_302, %dma_start3A_303] : memref<51200x32xf32, #tpu.memory_space<vmem_shared>> -> memref<51200x32xf32, #tpu.memory_space<vmem_shared>>
          tpu.enqueue_indirect_dma source(%arg13 : memref<128x32xf32, #tpu.memory_space<vmem>>) target(%dma_start3A_304 : memref<51200x32xf32, #tpu.memory_space<vmem_shared>>) offsets(%dma_start3A_301 : memref<128xi32, #tpu.memory_space<vmem>>) semaphore(%run_scoped3A_298 : memref<!tpu.dma_semaphore, #tpu.memory_space<semaphore_mem>>) {add = true}
          %dma_wait3A_305 = arith.constant 0 : i32
          %dma_wait3A_306 = tpu.memref_slice %arg8[%run_scoped3A_173, %dma_wait3A_305] : memref<8x128xi32, #tpu.memory_space<vmem>> -> memref<1x128xi32, #tpu.memory_space<vmem>>
          %dma_wait3A_307 = tpu.memref_squeeze %dma_wait3A_306 : memref<1x128xi32, #tpu.memory_space<vmem>> -> memref<128xi32, #tpu.memory_space<vmem>>
          %dma_wait3A_308 = arith.constant 0 : i32
          %dma_wait3A_309 = arith.constant 0 : i32
          %dma_wait3A_310 = tpu.memref_slice %arg15[%dma_wait3A_308, %dma_wait3A_309] : memref<51200x32xf32, #tpu.memory_space<vmem_shared>> -> memref<51200x32xf32, #tpu.memory_space<vmem_shared>>
          tpu.wait_indirect_dma semaphore(%run_scoped3A_298 : memref<!tpu.dma_semaphore, #tpu.memory_space<semaphore_mem>>) src(%arg13 : memref<128x32xf32, #tpu.memory_space<vmem>>) dst(%dma_wait3A_310 : memref<51200x32xf32, #tpu.memory_space<vmem_shared>>)
          tpu.yield
        }) : () -> ()
        %eq3A_174 = arith.constant 0 : i32
        %eq3A_175 = arith.cmpi eq, %arg0, %eq3A_174 : i32
        %convert_element_type3A_176 = arith.extui %eq3A_175 : i1 to i32
        %cond3A_177 = arith.constant 6 : i32
        %cond3A_178 = arith.constant 0 : i32
        %cond3A_179 = arith.cmpi ne, %convert_element_type3A_176, %cond3A_178 : i32
        scf.if %cond3A_179 {
          %dma_start3A_298 = arith.constant 0 : i32
          %dma_start3A_299 = tpu.memref_slice %arg7[%cond3A_177, %dma_start3A_298] : memref<8x128xi32, #tpu.memory_space<vmem>> -> memref<1x128xi32, #tpu.memory_space<vmem>>
          %dma_start3A_300 = tpu.memref_squeeze %dma_start3A_299 : memref<1x128xi32, #tpu.memory_space<vmem>> -> memref<128xi32, #tpu.memory_space<vmem>>
          %dma_start3A_301 = arith.constant 0 : i32
          %dma_start3A_302 = arith.constant 0 : i32
          %dma_start3A_303 = tpu.memref_slice %arg2[%dma_start3A_301, %dma_start3A_302] : memref<51200x32xf32, #tpu.memory_space<hbm>> -> memref<51200x32xf32, #tpu.memory_space<hbm>>
          tpu.enqueue_indirect_dma source(%dma_start3A_303 : memref<51200x32xf32, #tpu.memory_space<hbm>>) target(%arg13 : memref<128x32xf32, #tpu.memory_space<vmem>>) offsets(%dma_start3A_300 : memref<128xi32, #tpu.memory_space<vmem>>) semaphore(%arg19 : memref<!tpu.dma_semaphore, #tpu.memory_space<semaphore_mem>>)
        } else {
        }
        %eq3A_180 = arith.constant 1 : i32
        %eq3A_181 = arith.cmpi eq, %arg0, %eq3A_180 : i32
        %convert_element_type3A_182 = arith.extui %eq3A_181 : i1 to i32
        %cond3A_183 = arith.constant 6 : i32
        %cond3A_184 = arith.constant 0 : i32
        %cond3A_185 = arith.cmpi ne, %convert_element_type3A_182, %cond3A_184 : i32
        scf.if %cond3A_185 {
          %dma_start3A_298 = arith.constant 0 : i32
          %dma_start3A_299 = tpu.memref_slice %arg7[%cond3A_183, %dma_start3A_298] : memref<8x128xi32, #tpu.memory_space<vmem>> -> memref<1x128xi32, #tpu.memory_space<vmem>>
          %dma_start3A_300 = tpu.memref_squeeze %dma_start3A_299 : memref<1x128xi32, #tpu.memory_space<vmem>> -> memref<128xi32, #tpu.memory_space<vmem>>
          %dma_start3A_301 = arith.constant 0 : i32
          %dma_start3A_302 = arith.constant 0 : i32
          %dma_start3A_303 = tpu.memref_slice %arg3[%dma_start3A_301, %dma_start3A_302] : memref<51200x32xf32, #tpu.memory_space<hbm>> -> memref<51200x32xf32, #tpu.memory_space<hbm>>
          tpu.enqueue_indirect_dma source(%dma_start3A_303 : memref<51200x32xf32, #tpu.memory_space<hbm>>) target(%arg13 : memref<128x32xf32, #tpu.memory_space<vmem>>) offsets(%dma_start3A_300 : memref<128xi32, #tpu.memory_space<vmem>>) semaphore(%arg19 : memref<!tpu.dma_semaphore, #tpu.memory_space<semaphore_mem>>)
        } else {
        }
        %eq3A_186 = arith.constant 0 : i32
        %eq3A_187 = arith.cmpi eq, %arg0, %eq3A_186 : i32
        %convert_element_type3A_188 = arith.extui %eq3A_187 : i1 to i32
        %cond3A_189 = arith.constant 3 : i32
        %cond3A_190 = arith.constant 0 : i32
        %cond3A_191 = arith.cmpi ne, %convert_element_type3A_188, %cond3A_190 : i32
        scf.if %cond3A_191 {
          %dma_wait3A_298 = arith.constant 0 : i32
          %dma_wait3A_299 = tpu.memref_slice %arg7[%cond3A_189, %dma_wait3A_298] : memref<8x128xi32, #tpu.memory_space<vmem>> -> memref<1x128xi32, #tpu.memory_space<vmem>>
          %dma_wait3A_300 = tpu.memref_squeeze %dma_wait3A_299 : memref<1x128xi32, #tpu.memory_space<vmem>> -> memref<128xi32, #tpu.memory_space<vmem>>
          %dma_wait3A_301 = arith.constant 0 : i32
          %dma_wait3A_302 = arith.constant 0 : i32
          %dma_wait3A_303 = tpu.memref_slice %arg2[%dma_wait3A_301, %dma_wait3A_302] : memref<51200x32xf32, #tpu.memory_space<hbm>> -> memref<51200x32xf32, #tpu.memory_space<hbm>>
          tpu.wait_indirect_dma semaphore(%arg20 : memref<!tpu.dma_semaphore, #tpu.memory_space<semaphore_mem>>) src(%dma_wait3A_303 : memref<51200x32xf32, #tpu.memory_space<hbm>>) dst(%arg14 : memref<128x32xf32, #tpu.memory_space<vmem>>)
        } else {
        }
        %eq3A_192 = arith.constant 1 : i32
        %eq3A_193 = arith.cmpi eq, %arg0, %eq3A_192 : i32
        %convert_element_type3A_194 = arith.extui %eq3A_193 : i1 to i32
        %cond3A_195 = arith.constant 3 : i32
        %cond3A_196 = arith.constant 0 : i32
        %cond3A_197 = arith.cmpi ne, %convert_element_type3A_194, %cond3A_196 : i32
        scf.if %cond3A_197 {
          %dma_wait3A_298 = arith.constant 0 : i32
          %dma_wait3A_299 = tpu.memref_slice %arg7[%cond3A_195, %dma_wait3A_298] : memref<8x128xi32, #tpu.memory_space<vmem>> -> memref<1x128xi32, #tpu.memory_space<vmem>>
          %dma_wait3A_300 = tpu.memref_squeeze %dma_wait3A_299 : memref<1x128xi32, #tpu.memory_space<vmem>> -> memref<128xi32, #tpu.memory_space<vmem>>
          %dma_wait3A_301 = arith.constant 0 : i32
          %dma_wait3A_302 = arith.constant 0 : i32
          %dma_wait3A_303 = tpu.memref_slice %arg3[%dma_wait3A_301, %dma_wait3A_302] : memref<51200x32xf32, #tpu.memory_space<hbm>> -> memref<51200x32xf32, #tpu.memory_space<hbm>>
          tpu.wait_indirect_dma semaphore(%arg20 : memref<!tpu.dma_semaphore, #tpu.memory_space<semaphore_mem>>) src(%dma_wait3A_303 : memref<51200x32xf32, #tpu.memory_space<hbm>>) dst(%arg14 : memref<128x32xf32, #tpu.memory_space<vmem>>)
        } else {
        }
        %run_scoped3A_198 = arith.constant 3 : i32
        "tpu.region"() ({
          %run_scoped3A_298 = tpu.sem_alloc : memref<!tpu.dma_semaphore, #tpu.memory_space<semaphore_mem>>
          %dma_start3A_299 = arith.constant 0 : i32
          %dma_start3A_300 = tpu.memref_slice %arg8[%run_scoped3A_198, %dma_start3A_299] : memref<8x128xi32, #tpu.memory_space<vmem>> -> memref<1x128xi32, #tpu.memory_space<vmem>>
          %dma_start3A_301 = tpu.memref_squeeze %dma_start3A_300 : memref<1x128xi32, #tpu.memory_space<vmem>> -> memref<128xi32, #tpu.memory_space<vmem>>
          %dma_start3A_302 = arith.constant 0 : i32
          %dma_start3A_303 = arith.constant 0 : i32
          %dma_start3A_304 = tpu.memref_slice %arg15[%dma_start3A_302, %dma_start3A_303] : memref<51200x32xf32, #tpu.memory_space<vmem_shared>> -> memref<51200x32xf32, #tpu.memory_space<vmem_shared>>
          tpu.enqueue_indirect_dma source(%arg14 : memref<128x32xf32, #tpu.memory_space<vmem>>) target(%dma_start3A_304 : memref<51200x32xf32, #tpu.memory_space<vmem_shared>>) offsets(%dma_start3A_301 : memref<128xi32, #tpu.memory_space<vmem>>) semaphore(%run_scoped3A_298 : memref<!tpu.dma_semaphore, #tpu.memory_space<semaphore_mem>>) {add = true}
          %dma_wait3A_305 = arith.constant 0 : i32
          %dma_wait3A_306 = tpu.memref_slice %arg8[%run_scoped3A_198, %dma_wait3A_305] : memref<8x128xi32, #tpu.memory_space<vmem>> -> memref<1x128xi32, #tpu.memory_space<vmem>>
          %dma_wait3A_307 = tpu.memref_squeeze %dma_wait3A_306 : memref<1x128xi32, #tpu.memory_space<vmem>> -> memref<128xi32, #tpu.memory_space<vmem>>
          %dma_wait3A_308 = arith.constant 0 : i32
          %dma_wait3A_309 = arith.constant 0 : i32
          %dma_wait3A_310 = tpu.memref_slice %arg15[%dma_wait3A_308, %dma_wait3A_309] : memref<51200x32xf32, #tpu.memory_space<vmem_shared>> -> memref<51200x32xf32, #tpu.memory_space<vmem_shared>>
          tpu.wait_indirect_dma semaphore(%run_scoped3A_298 : memref<!tpu.dma_semaphore, #tpu.memory_space<semaphore_mem>>) src(%arg14 : memref<128x32xf32, #tpu.memory_space<vmem>>) dst(%dma_wait3A_310 : memref<51200x32xf32, #tpu.memory_space<vmem_shared>>)
          tpu.yield
        }) : () -> ()
        %eq3A_199 = arith.constant 0 : i32
        %eq3A_200 = arith.cmpi eq, %arg0, %eq3A_199 : i32
        %convert_element_type3A_201 = arith.extui %eq3A_200 : i1 to i32
        %cond3A_202 = arith.constant 7 : i32
        %cond3A_203 = arith.constant 0 : i32
        %cond3A_204 = arith.cmpi ne, %convert_element_type3A_201, %cond3A_203 : i32
        scf.if %cond3A_204 {
          %dma_start3A_298 = arith.constant 0 : i32
          %dma_start3A_299 = tpu.memref_slice %arg7[%cond3A_202, %dma_start3A_298] : memref<8x128xi32, #tpu.memory_space<vmem>> -> memref<1x128xi32, #tpu.memory_space<vmem>>
          %dma_start3A_300 = tpu.memref_squeeze %dma_start3A_299 : memref<1x128xi32, #tpu.memory_space<vmem>> -> memref<128xi32, #tpu.memory_space<vmem>>
          %dma_start3A_301 = arith.constant 0 : i32
          %dma_start3A_302 = arith.constant 0 : i32
          %dma_start3A_303 = tpu.memref_slice %arg2[%dma_start3A_301, %dma_start3A_302] : memref<51200x32xf32, #tpu.memory_space<hbm>> -> memref<51200x32xf32, #tpu.memory_space<hbm>>
          tpu.enqueue_indirect_dma source(%dma_start3A_303 : memref<51200x32xf32, #tpu.memory_space<hbm>>) target(%arg14 : memref<128x32xf32, #tpu.memory_space<vmem>>) offsets(%dma_start3A_300 : memref<128xi32, #tpu.memory_space<vmem>>) semaphore(%arg20 : memref<!tpu.dma_semaphore, #tpu.memory_space<semaphore_mem>>)
        } else {
        }
        %eq3A_205 = arith.constant 1 : i32
        %eq3A_206 = arith.cmpi eq, %arg0, %eq3A_205 : i32
        %convert_element_type3A_207 = arith.extui %eq3A_206 : i1 to i32
        %cond3A_208 = arith.constant 7 : i32
        %cond3A_209 = arith.constant 0 : i32
        %cond3A_210 = arith.cmpi ne, %convert_element_type3A_207, %cond3A_209 : i32
        scf.if %cond3A_210 {
          %dma_start3A_298 = arith.constant 0 : i32
          %dma_start3A_299 = tpu.memref_slice %arg7[%cond3A_208, %dma_start3A_298] : memref<8x128xi32, #tpu.memory_space<vmem>> -> memref<1x128xi32, #tpu.memory_space<vmem>>
          %dma_start3A_300 = tpu.memref_squeeze %dma_start3A_299 : memref<1x128xi32, #tpu.memory_space<vmem>> -> memref<128xi32, #tpu.memory_space<vmem>>
          %dma_start3A_301 = arith.constant 0 : i32
          %dma_start3A_302 = arith.constant 0 : i32
          %dma_start3A_303 = tpu.memref_slice %arg3[%dma_start3A_301, %dma_start3A_302] : memref<51200x32xf32, #tpu.memory_space<hbm>> -> memref<51200x32xf32, #tpu.memory_space<hbm>>
          tpu.enqueue_indirect_dma source(%dma_start3A_303 : memref<51200x32xf32, #tpu.memory_space<hbm>>) target(%arg14 : memref<128x32xf32, #tpu.memory_space<vmem>>) offsets(%dma_start3A_300 : memref<128xi32, #tpu.memory_space<vmem>>) semaphore(%arg20 : memref<!tpu.dma_semaphore, #tpu.memory_space<semaphore_mem>>)
        } else {
        }
        %add3A_211 = arith.constant 1 : i32
        %add3A_212 = arith.addi %scan3A_90, %add3A_211 : i32
        %lt3A_213 = arith.constant 49 : i32
        %lt3A_214 = arith.cmpi slt, %add3A_212, %lt3A_213 : i32
        %convert_element_type3A_215 = arith.extui %lt3A_214 : i1 to i32
        %cond3A_216 = arith.constant 0 : i32
        %cond3A_217 = arith.cmpi ne, %convert_element_type3A_215, %cond3A_216 : i32
        scf.if %cond3A_217 {
          %add3A_298 = arith.constant 1 : i32
          %add3A_299 = arith.addi %scan3A_90, %add3A_298 : i32
          %mul3A_300 = arith.constant 8 : i32
          %mul3A_301 = arith.muli %add3A_299, %mul3A_300 : i32
          %add3A_302 = arith.addi %mul3A_11, %mul3A_301 : i32
          %dma_wait3A_303 = arith.constant 0 : i32
          %dma_wait3A_304 = tpu.memref_slice %arg4[%add3A_302, %dma_wait3A_303] : memref<6272x128xi32, #tpu.memory_space<hbm>> -> memref<8x128xi32, #tpu.memory_space<hbm>>
          %dma_wait3A_305 = arith.constant 0 : i32
          %dma_wait3A_306 = tpu.memref_slice %arg4[%add3A_302, %dma_wait3A_305] : memref<6272x128xi32, #tpu.memory_space<hbm>> -> memref<8x128xi32, #tpu.memory_space<hbm>>
          tpu.wait_dma2 semaphore(%arg16 : memref<!tpu.dma_semaphore, #tpu.memory_space<semaphore_mem>>) src(%dma_wait3A_306 : memref<8x128xi32, #tpu.memory_space<hbm>>) dst(%arg9 : memref<8x128xi32, #tpu.memory_space<vmem>>)
          %mul3A_307 = arith.constant 8 : i32
          %mul3A_308 = arith.muli %add3A_299, %mul3A_307 : i32
          %add3A_309 = arith.addi %mul3A_11, %mul3A_308 : i32
          %dma_wait3A_310 = arith.constant 0 : i32
          %dma_wait3A_311 = tpu.memref_slice %arg5[%add3A_309, %dma_wait3A_310] : memref<6272x128xi32, #tpu.memory_space<hbm>> -> memref<8x128xi32, #tpu.memory_space<hbm>>
          %dma_wait3A_312 = arith.constant 0 : i32
          %dma_wait3A_313 = tpu.memref_slice %arg5[%add3A_309, %dma_wait3A_312] : memref<6272x128xi32, #tpu.memory_space<hbm>> -> memref<8x128xi32, #tpu.memory_space<hbm>>
          tpu.wait_dma2 semaphore(%arg16 : memref<!tpu.dma_semaphore, #tpu.memory_space<semaphore_mem>>) src(%dma_wait3A_313 : memref<8x128xi32, #tpu.memory_space<hbm>>) dst(%arg10 : memref<8x128xi32, #tpu.memory_space<vmem>>)
        } else {
        }
        %eq3A_218 = arith.constant 0 : i32
        %eq3A_219 = arith.cmpi eq, %arg0, %eq3A_218 : i32
        %convert_element_type3A_220 = arith.extui %eq3A_219 : i1 to i32
        %cond3A_221 = arith.constant 4 : i32
        %cond3A_222 = arith.constant 0 : i32
        %cond3A_223 = arith.cmpi ne, %convert_element_type3A_220, %cond3A_222 : i32
        scf.if %cond3A_223 {
          %dma_wait3A_298 = arith.constant 0 : i32
          %dma_wait3A_299 = tpu.memref_slice %arg7[%cond3A_221, %dma_wait3A_298] : memref<8x128xi32, #tpu.memory_space<vmem>> -> memref<1x128xi32, #tpu.memory_space<vmem>>
          %dma_wait3A_300 = tpu.memref_squeeze %dma_wait3A_299 : memref<1x128xi32, #tpu.memory_space<vmem>> -> memref<128xi32, #tpu.memory_space<vmem>>
          %dma_wait3A_301 = arith.constant 0 : i32
          %dma_wait3A_302 = arith.constant 0 : i32
          %dma_wait3A_303 = tpu.memref_slice %arg2[%dma_wait3A_301, %dma_wait3A_302] : memref<51200x32xf32, #tpu.memory_space<hbm>> -> memref<51200x32xf32, #tpu.memory_space<hbm>>
          tpu.wait_indirect_dma semaphore(%arg17 : memref<!tpu.dma_semaphore, #tpu.memory_space<semaphore_mem>>) src(%dma_wait3A_303 : memref<51200x32xf32, #tpu.memory_space<hbm>>) dst(%arg11 : memref<128x32xf32, #tpu.memory_space<vmem>>)
        } else {
        }
        %eq3A_224 = arith.constant 1 : i32
        %eq3A_225 = arith.cmpi eq, %arg0, %eq3A_224 : i32
        %convert_element_type3A_226 = arith.extui %eq3A_225 : i1 to i32
        %cond3A_227 = arith.constant 4 : i32
        %cond3A_228 = arith.constant 0 : i32
        %cond3A_229 = arith.cmpi ne, %convert_element_type3A_226, %cond3A_228 : i32
        scf.if %cond3A_229 {
          %dma_wait3A_298 = arith.constant 0 : i32
          %dma_wait3A_299 = tpu.memref_slice %arg7[%cond3A_227, %dma_wait3A_298] : memref<8x128xi32, #tpu.memory_space<vmem>> -> memref<1x128xi32, #tpu.memory_space<vmem>>
          %dma_wait3A_300 = tpu.memref_squeeze %dma_wait3A_299 : memref<1x128xi32, #tpu.memory_space<vmem>> -> memref<128xi32, #tpu.memory_space<vmem>>
          %dma_wait3A_301 = arith.constant 0 : i32
          %dma_wait3A_302 = arith.constant 0 : i32
          %dma_wait3A_303 = tpu.memref_slice %arg3[%dma_wait3A_301, %dma_wait3A_302] : memref<51200x32xf32, #tpu.memory_space<hbm>> -> memref<51200x32xf32, #tpu.memory_space<hbm>>
          tpu.wait_indirect_dma semaphore(%arg17 : memref<!tpu.dma_semaphore, #tpu.memory_space<semaphore_mem>>) src(%dma_wait3A_303 : memref<51200x32xf32, #tpu.memory_space<hbm>>) dst(%arg11 : memref<128x32xf32, #tpu.memory_space<vmem>>)
        } else {
        }
        %run_scoped3A_230 = arith.constant 4 : i32
        "tpu.region"() ({
          %run_scoped3A_298 = tpu.sem_alloc : memref<!tpu.dma_semaphore, #tpu.memory_space<semaphore_mem>>
          %dma_start3A_299 = arith.constant 0 : i32
          %dma_start3A_300 = tpu.memref_slice %arg8[%run_scoped3A_230, %dma_start3A_299] : memref<8x128xi32, #tpu.memory_space<vmem>> -> memref<1x128xi32, #tpu.memory_space<vmem>>
          %dma_start3A_301 = tpu.memref_squeeze %dma_start3A_300 : memref<1x128xi32, #tpu.memory_space<vmem>> -> memref<128xi32, #tpu.memory_space<vmem>>
          %dma_start3A_302 = arith.constant 0 : i32
          %dma_start3A_303 = arith.constant 0 : i32
          %dma_start3A_304 = tpu.memref_slice %arg15[%dma_start3A_302, %dma_start3A_303] : memref<51200x32xf32, #tpu.memory_space<vmem_shared>> -> memref<51200x32xf32, #tpu.memory_space<vmem_shared>>
          tpu.enqueue_indirect_dma source(%arg11 : memref<128x32xf32, #tpu.memory_space<vmem>>) target(%dma_start3A_304 : memref<51200x32xf32, #tpu.memory_space<vmem_shared>>) offsets(%dma_start3A_301 : memref<128xi32, #tpu.memory_space<vmem>>) semaphore(%run_scoped3A_298 : memref<!tpu.dma_semaphore, #tpu.memory_space<semaphore_mem>>) {add = true}
          %dma_wait3A_305 = arith.constant 0 : i32
          %dma_wait3A_306 = tpu.memref_slice %arg8[%run_scoped3A_230, %dma_wait3A_305] : memref<8x128xi32, #tpu.memory_space<vmem>> -> memref<1x128xi32, #tpu.memory_space<vmem>>
          %dma_wait3A_307 = tpu.memref_squeeze %dma_wait3A_306 : memref<1x128xi32, #tpu.memory_space<vmem>> -> memref<128xi32, #tpu.memory_space<vmem>>
          %dma_wait3A_308 = arith.constant 0 : i32
          %dma_wait3A_309 = arith.constant 0 : i32
          %dma_wait3A_310 = tpu.memref_slice %arg15[%dma_wait3A_308, %dma_wait3A_309] : memref<51200x32xf32, #tpu.memory_space<vmem_shared>> -> memref<51200x32xf32, #tpu.memory_space<vmem_shared>>
          tpu.wait_indirect_dma semaphore(%run_scoped3A_298 : memref<!tpu.dma_semaphore, #tpu.memory_space<semaphore_mem>>) src(%arg11 : memref<128x32xf32, #tpu.memory_space<vmem>>) dst(%dma_wait3A_310 : memref<51200x32xf32, #tpu.memory_space<vmem_shared>>)
          tpu.yield
        }) : () -> ()
        %add3A_231 = arith.constant 1 : i32
        %add3A_232 = arith.addi %scan3A_90, %add3A_231 : i32
        %lt3A_233 = arith.constant 49 : i32
        %lt3A_234 = arith.cmpi slt, %add3A_232, %lt3A_233 : i32
        %convert_element_type3A_235 = arith.extui %lt3A_234 : i1 to i32
        %cond3A_236 = arith.constant 0 : i32
        %cond3A_237 = arith.cmpi ne, %convert_element_type3A_235, %cond3A_236 : i32
        scf.if %cond3A_237 {
          %eq3A_298 = arith.constant 0 : i32
          %eq3A_299 = arith.cmpi eq, %arg0, %eq3A_298 : i32
          %convert_element_type3A_300 = arith.extui %eq3A_299 : i1 to i32
          %cond3A_301 = arith.constant 0 : i32
          %cond3A_302 = arith.constant 0 : i32
          %cond3A_303 = arith.cmpi ne, %convert_element_type3A_300, %cond3A_302 : i32
          scf.if %cond3A_303 {
            %dma_start3A_310 = arith.constant 0 : i32
            %dma_start3A_311 = tpu.memref_slice %arg9[%cond3A_301, %dma_start3A_310] : memref<8x128xi32, #tpu.memory_space<vmem>> -> memref<1x128xi32, #tpu.memory_space<vmem>>
            %dma_start3A_312 = tpu.memref_squeeze %dma_start3A_311 : memref<1x128xi32, #tpu.memory_space<vmem>> -> memref<128xi32, #tpu.memory_space<vmem>>
            %dma_start3A_313 = arith.constant 0 : i32
            %dma_start3A_314 = arith.constant 0 : i32
            %dma_start3A_315 = tpu.memref_slice %arg2[%dma_start3A_313, %dma_start3A_314] : memref<51200x32xf32, #tpu.memory_space<hbm>> -> memref<51200x32xf32, #tpu.memory_space<hbm>>
            tpu.enqueue_indirect_dma source(%dma_start3A_315 : memref<51200x32xf32, #tpu.memory_space<hbm>>) target(%arg11 : memref<128x32xf32, #tpu.memory_space<vmem>>) offsets(%dma_start3A_312 : memref<128xi32, #tpu.memory_space<vmem>>) semaphore(%arg17 : memref<!tpu.dma_semaphore, #tpu.memory_space<semaphore_mem>>)
          } else {
          }
          %eq3A_304 = arith.constant 1 : i32
          %eq3A_305 = arith.cmpi eq, %arg0, %eq3A_304 : i32
          %convert_element_type3A_306 = arith.extui %eq3A_305 : i1 to i32
          %cond3A_307 = arith.constant 0 : i32
          %cond3A_308 = arith.constant 0 : i32
          %cond3A_309 = arith.cmpi ne, %convert_element_type3A_306, %cond3A_308 : i32
          scf.if %cond3A_309 {
            %dma_start3A_310 = arith.constant 0 : i32
            %dma_start3A_311 = tpu.memref_slice %arg9[%cond3A_307, %dma_start3A_310] : memref<8x128xi32, #tpu.memory_space<vmem>> -> memref<1x128xi32, #tpu.memory_space<vmem>>
            %dma_start3A_312 = tpu.memref_squeeze %dma_start3A_311 : memref<1x128xi32, #tpu.memory_space<vmem>> -> memref<128xi32, #tpu.memory_space<vmem>>
            %dma_start3A_313 = arith.constant 0 : i32
            %dma_start3A_314 = arith.constant 0 : i32
            %dma_start3A_315 = tpu.memref_slice %arg3[%dma_start3A_313, %dma_start3A_314] : memref<51200x32xf32, #tpu.memory_space<hbm>> -> memref<51200x32xf32, #tpu.memory_space<hbm>>
            tpu.enqueue_indirect_dma source(%dma_start3A_315 : memref<51200x32xf32, #tpu.memory_space<hbm>>) target(%arg11 : memref<128x32xf32, #tpu.memory_space<vmem>>) offsets(%dma_start3A_312 : memref<128xi32, #tpu.memory_space<vmem>>) semaphore(%arg17 : memref<!tpu.dma_semaphore, #tpu.memory_space<semaphore_mem>>)
          } else {
          }
        } else {
        }
        %eq3A_238 = arith.constant 0 : i32
        %eq3A_239 = arith.cmpi eq, %arg0, %eq3A_238 : i32
        %convert_element_type3A_240 = arith.extui %eq3A_239 : i1 to i32
        %cond3A_241 = arith.constant 5 : i32
        %cond3A_242 = arith.constant 0 : i32
        %cond3A_243 = arith.cmpi ne, %convert_element_type3A_240, %cond3A_242 : i32
        scf.if %cond3A_243 {
          %dma_wait3A_298 = arith.constant 0 : i32
          %dma_wait3A_299 = tpu.memref_slice %arg7[%cond3A_241, %dma_wait3A_298] : memref<8x128xi32, #tpu.memory_space<vmem>> -> memref<1x128xi32, #tpu.memory_space<vmem>>
          %dma_wait3A_300 = tpu.memref_squeeze %dma_wait3A_299 : memref<1x128xi32, #tpu.memory_space<vmem>> -> memref<128xi32, #tpu.memory_space<vmem>>
          %dma_wait3A_301 = arith.constant 0 : i32
          %dma_wait3A_302 = arith.constant 0 : i32
          %dma_wait3A_303 = tpu.memref_slice %arg2[%dma_wait3A_301, %dma_wait3A_302] : memref<51200x32xf32, #tpu.memory_space<hbm>> -> memref<51200x32xf32, #tpu.memory_space<hbm>>
          tpu.wait_indirect_dma semaphore(%arg18 : memref<!tpu.dma_semaphore, #tpu.memory_space<semaphore_mem>>) src(%dma_wait3A_303 : memref<51200x32xf32, #tpu.memory_space<hbm>>) dst(%arg12 : memref<128x32xf32, #tpu.memory_space<vmem>>)
        } else {
        }
        %eq3A_244 = arith.constant 1 : i32
        %eq3A_245 = arith.cmpi eq, %arg0, %eq3A_244 : i32
        %convert_element_type3A_246 = arith.extui %eq3A_245 : i1 to i32
        %cond3A_247 = arith.constant 5 : i32
        %cond3A_248 = arith.constant 0 : i32
        %cond3A_249 = arith.cmpi ne, %convert_element_type3A_246, %cond3A_248 : i32
        scf.if %cond3A_249 {
          %dma_wait3A_298 = arith.constant 0 : i32
          %dma_wait3A_299 = tpu.memref_slice %arg7[%cond3A_247, %dma_wait3A_298] : memref<8x128xi32, #tpu.memory_space<vmem>> -> memref<1x128xi32, #tpu.memory_space<vmem>>
          %dma_wait3A_300 = tpu.memref_squeeze %dma_wait3A_299 : memref<1x128xi32, #tpu.memory_space<vmem>> -> memref<128xi32, #tpu.memory_space<vmem>>
          %dma_wait3A_301 = arith.constant 0 : i32
          %dma_wait3A_302 = arith.constant 0 : i32
          %dma_wait3A_303 = tpu.memref_slice %arg3[%dma_wait3A_301, %dma_wait3A_302] : memref<51200x32xf32, #tpu.memory_space<hbm>> -> memref<51200x32xf32, #tpu.memory_space<hbm>>
          tpu.wait_indirect_dma semaphore(%arg18 : memref<!tpu.dma_semaphore, #tpu.memory_space<semaphore_mem>>) src(%dma_wait3A_303 : memref<51200x32xf32, #tpu.memory_space<hbm>>) dst(%arg12 : memref<128x32xf32, #tpu.memory_space<vmem>>)
        } else {
        }
        %run_scoped3A_250 = arith.constant 5 : i32
        "tpu.region"() ({
          %run_scoped3A_298 = tpu.sem_alloc : memref<!tpu.dma_semaphore, #tpu.memory_space<semaphore_mem>>
          %dma_start3A_299 = arith.constant 0 : i32
          %dma_start3A_300 = tpu.memref_slice %arg8[%run_scoped3A_250, %dma_start3A_299] : memref<8x128xi32, #tpu.memory_space<vmem>> -> memref<1x128xi32, #tpu.memory_space<vmem>>
          %dma_start3A_301 = tpu.memref_squeeze %dma_start3A_300 : memref<1x128xi32, #tpu.memory_space<vmem>> -> memref<128xi32, #tpu.memory_space<vmem>>
          %dma_start3A_302 = arith.constant 0 : i32
          %dma_start3A_303 = arith.constant 0 : i32
          %dma_start3A_304 = tpu.memref_slice %arg15[%dma_start3A_302, %dma_start3A_303] : memref<51200x32xf32, #tpu.memory_space<vmem_shared>> -> memref<51200x32xf32, #tpu.memory_space<vmem_shared>>
          tpu.enqueue_indirect_dma source(%arg12 : memref<128x32xf32, #tpu.memory_space<vmem>>) target(%dma_start3A_304 : memref<51200x32xf32, #tpu.memory_space<vmem_shared>>) offsets(%dma_start3A_301 : memref<128xi32, #tpu.memory_space<vmem>>) semaphore(%run_scoped3A_298 : memref<!tpu.dma_semaphore, #tpu.memory_space<semaphore_mem>>) {add = true}
          %dma_wait3A_305 = arith.constant 0 : i32
          %dma_wait3A_306 = tpu.memref_slice %arg8[%run_scoped3A_250, %dma_wait3A_305] : memref<8x128xi32, #tpu.memory_space<vmem>> -> memref<1x128xi32, #tpu.memory_space<vmem>>
          %dma_wait3A_307 = tpu.memref_squeeze %dma_wait3A_306 : memref<1x128xi32, #tpu.memory_space<vmem>> -> memref<128xi32, #tpu.memory_space<vmem>>
          %dma_wait3A_308 = arith.constant 0 : i32
          %dma_wait3A_309 = arith.constant 0 : i32
          %dma_wait3A_310 = tpu.memref_slice %arg15[%dma_wait3A_308, %dma_wait3A_309] : memref<51200x32xf32, #tpu.memory_space<vmem_shared>> -> memref<51200x32xf32, #tpu.memory_space<vmem_shared>>
          tpu.wait_indirect_dma semaphore(%run_scoped3A_298 : memref<!tpu.dma_semaphore, #tpu.memory_space<semaphore_mem>>) src(%arg12 : memref<128x32xf32, #tpu.memory_space<vmem>>) dst(%dma_wait3A_310 : memref<51200x32xf32, #tpu.memory_space<vmem_shared>>)
          tpu.yield
        }) : () -> ()
        %add3A_251 = arith.constant 1 : i32
        %add3A_252 = arith.addi %scan3A_90, %add3A_251 : i32
        %lt3A_253 = arith.constant 49 : i32
        %lt3A_254 = arith.cmpi slt, %add3A_252, %lt3A_253 : i32
        %convert_element_type3A_255 = arith.extui %lt3A_254 : i1 to i32
        %cond3A_256 = arith.constant 0 : i32
        %cond3A_257 = arith.cmpi ne, %convert_element_type3A_255, %cond3A_256 : i32
        scf.if %cond3A_257 {
          %eq3A_298 = arith.constant 0 : i32
          %eq3A_299 = arith.cmpi eq, %arg0, %eq3A_298 : i32
          %convert_element_type3A_300 = arith.extui %eq3A_299 : i1 to i32
          %cond3A_301 = arith.constant 1 : i32
          %cond3A_302 = arith.constant 0 : i32
          %cond3A_303 = arith.cmpi ne, %convert_element_type3A_300, %cond3A_302 : i32
          scf.if %cond3A_303 {
            %dma_start3A_310 = arith.constant 0 : i32
            %dma_start3A_311 = tpu.memref_slice %arg9[%cond3A_301, %dma_start3A_310] : memref<8x128xi32, #tpu.memory_space<vmem>> -> memref<1x128xi32, #tpu.memory_space<vmem>>
            %dma_start3A_312 = tpu.memref_squeeze %dma_start3A_311 : memref<1x128xi32, #tpu.memory_space<vmem>> -> memref<128xi32, #tpu.memory_space<vmem>>
            %dma_start3A_313 = arith.constant 0 : i32
            %dma_start3A_314 = arith.constant 0 : i32
            %dma_start3A_315 = tpu.memref_slice %arg2[%dma_start3A_313, %dma_start3A_314] : memref<51200x32xf32, #tpu.memory_space<hbm>> -> memref<51200x32xf32, #tpu.memory_space<hbm>>
            tpu.enqueue_indirect_dma source(%dma_start3A_315 : memref<51200x32xf32, #tpu.memory_space<hbm>>) target(%arg12 : memref<128x32xf32, #tpu.memory_space<vmem>>) offsets(%dma_start3A_312 : memref<128xi32, #tpu.memory_space<vmem>>) semaphore(%arg18 : memref<!tpu.dma_semaphore, #tpu.memory_space<semaphore_mem>>)
          } else {
          }
          %eq3A_304 = arith.constant 1 : i32
          %eq3A_305 = arith.cmpi eq, %arg0, %eq3A_304 : i32
          %convert_element_type3A_306 = arith.extui %eq3A_305 : i1 to i32
          %cond3A_307 = arith.constant 1 : i32
          %cond3A_308 = arith.constant 0 : i32
          %cond3A_309 = arith.cmpi ne, %convert_element_type3A_306, %cond3A_308 : i32
          scf.if %cond3A_309 {
            %dma_start3A_310 = arith.constant 0 : i32
            %dma_start3A_311 = tpu.memref_slice %arg9[%cond3A_307, %dma_start3A_310] : memref<8x128xi32, #tpu.memory_space<vmem>> -> memref<1x128xi32, #tpu.memory_space<vmem>>
            %dma_start3A_312 = tpu.memref_squeeze %dma_start3A_311 : memref<1x128xi32, #tpu.memory_space<vmem>> -> memref<128xi32, #tpu.memory_space<vmem>>
            %dma_start3A_313 = arith.constant 0 : i32
            %dma_start3A_314 = arith.constant 0 : i32
            %dma_start3A_315 = tpu.memref_slice %arg3[%dma_start3A_313, %dma_start3A_314] : memref<51200x32xf32, #tpu.memory_space<hbm>> -> memref<51200x32xf32, #tpu.memory_space<hbm>>
            tpu.enqueue_indirect_dma source(%dma_start3A_315 : memref<51200x32xf32, #tpu.memory_space<hbm>>) target(%arg12 : memref<128x32xf32, #tpu.memory_space<vmem>>) offsets(%dma_start3A_312 : memref<128xi32, #tpu.memory_space<vmem>>) semaphore(%arg18 : memref<!tpu.dma_semaphore, #tpu.memory_space<semaphore_mem>>)
          } else {
          }
        } else {
        }
        %eq3A_258 = arith.constant 0 : i32
        %eq3A_259 = arith.cmpi eq, %arg0, %eq3A_258 : i32
        %convert_element_type3A_260 = arith.extui %eq3A_259 : i1 to i32
        %cond3A_261 = arith.constant 6 : i32
        %cond3A_262 = arith.constant 0 : i32
        %cond3A_263 = arith.cmpi ne, %convert_element_type3A_260, %cond3A_262 : i32
        scf.if %cond3A_263 {
          %dma_wait3A_298 = arith.constant 0 : i32
          %dma_wait3A_299 = tpu.memref_slice %arg7[%cond3A_261, %dma_wait3A_298] : memref<8x128xi32, #tpu.memory_space<vmem>> -> memref<1x128xi32, #tpu.memory_space<vmem>>
          %dma_wait3A_300 = tpu.memref_squeeze %dma_wait3A_299 : memref<1x128xi32, #tpu.memory_space<vmem>> -> memref<128xi32, #tpu.memory_space<vmem>>
          %dma_wait3A_301 = arith.constant 0 : i32
          %dma_wait3A_302 = arith.constant 0 : i32
          %dma_wait3A_303 = tpu.memref_slice %arg2[%dma_wait3A_301, %dma_wait3A_302] : memref<51200x32xf32, #tpu.memory_space<hbm>> -> memref<51200x32xf32, #tpu.memory_space<hbm>>
          tpu.wait_indirect_dma semaphore(%arg19 : memref<!tpu.dma_semaphore, #tpu.memory_space<semaphore_mem>>) src(%dma_wait3A_303 : memref<51200x32xf32, #tpu.memory_space<hbm>>) dst(%arg13 : memref<128x32xf32, #tpu.memory_space<vmem>>)
        } else {
        }
        %eq3A_264 = arith.constant 1 : i32
        %eq3A_265 = arith.cmpi eq, %arg0, %eq3A_264 : i32
        %convert_element_type3A_266 = arith.extui %eq3A_265 : i1 to i32
        %cond3A_267 = arith.constant 6 : i32
        %cond3A_268 = arith.constant 0 : i32
        %cond3A_269 = arith.cmpi ne, %convert_element_type3A_266, %cond3A_268 : i32
        scf.if %cond3A_269 {
          %dma_wait3A_298 = arith.constant 0 : i32
          %dma_wait3A_299 = tpu.memref_slice %arg7[%cond3A_267, %dma_wait3A_298] : memref<8x128xi32, #tpu.memory_space<vmem>> -> memref<1x128xi32, #tpu.memory_space<vmem>>
          %dma_wait3A_300 = tpu.memref_squeeze %dma_wait3A_299 : memref<1x128xi32, #tpu.memory_space<vmem>> -> memref<128xi32, #tpu.memory_space<vmem>>
          %dma_wait3A_301 = arith.constant 0 : i32
          %dma_wait3A_302 = arith.constant 0 : i32
          %dma_wait3A_303 = tpu.memref_slice %arg3[%dma_wait3A_301, %dma_wait3A_302] : memref<51200x32xf32, #tpu.memory_space<hbm>> -> memref<51200x32xf32, #tpu.memory_space<hbm>>
          tpu.wait_indirect_dma semaphore(%arg19 : memref<!tpu.dma_semaphore, #tpu.memory_space<semaphore_mem>>) src(%dma_wait3A_303 : memref<51200x32xf32, #tpu.memory_space<hbm>>) dst(%arg13 : memref<128x32xf32, #tpu.memory_space<vmem>>)
        } else {
        }
        %run_scoped3A_270 = arith.constant 6 : i32
        "tpu.region"() ({
          %run_scoped3A_298 = tpu.sem_alloc : memref<!tpu.dma_semaphore, #tpu.memory_space<semaphore_mem>>
          %dma_start3A_299 = arith.constant 0 : i32
          %dma_start3A_300 = tpu.memref_slice %arg8[%run_scoped3A_270, %dma_start3A_299] : memref<8x128xi32, #tpu.memory_space<vmem>> -> memref<1x128xi32, #tpu.memory_space<vmem>>
          %dma_start3A_301 = tpu.memref_squeeze %dma_start3A_300 : memref<1x128xi32, #tpu.memory_space<vmem>> -> memref<128xi32, #tpu.memory_space<vmem>>
          %dma_start3A_302 = arith.constant 0 : i32
          %dma_start3A_303 = arith.constant 0 : i32
          %dma_start3A_304 = tpu.memref_slice %arg15[%dma_start3A_302, %dma_start3A_303] : memref<51200x32xf32, #tpu.memory_space<vmem_shared>> -> memref<51200x32xf32, #tpu.memory_space<vmem_shared>>
          tpu.enqueue_indirect_dma source(%arg13 : memref<128x32xf32, #tpu.memory_space<vmem>>) target(%dma_start3A_304 : memref<51200x32xf32, #tpu.memory_space<vmem_shared>>) offsets(%dma_start3A_301 : memref<128xi32, #tpu.memory_space<vmem>>) semaphore(%run_scoped3A_298 : memref<!tpu.dma_semaphore, #tpu.memory_space<semaphore_mem>>) {add = true}
          %dma_wait3A_305 = arith.constant 0 : i32
          %dma_wait3A_306 = tpu.memref_slice %arg8[%run_scoped3A_270, %dma_wait3A_305] : memref<8x128xi32, #tpu.memory_space<vmem>> -> memref<1x128xi32, #tpu.memory_space<vmem>>
          %dma_wait3A_307 = tpu.memref_squeeze %dma_wait3A_306 : memref<1x128xi32, #tpu.memory_space<vmem>> -> memref<128xi32, #tpu.memory_space<vmem>>
          %dma_wait3A_308 = arith.constant 0 : i32
          %dma_wait3A_309 = arith.constant 0 : i32
          %dma_wait3A_310 = tpu.memref_slice %arg15[%dma_wait3A_308, %dma_wait3A_309] : memref<51200x32xf32, #tpu.memory_space<vmem_shared>> -> memref<51200x32xf32, #tpu.memory_space<vmem_shared>>
          tpu.wait_indirect_dma semaphore(%run_scoped3A_298 : memref<!tpu.dma_semaphore, #tpu.memory_space<semaphore_mem>>) src(%arg13 : memref<128x32xf32, #tpu.memory_space<vmem>>) dst(%dma_wait3A_310 : memref<51200x32xf32, #tpu.memory_space<vmem_shared>>)
          tpu.yield
        }) : () -> ()
        %add3A_271 = arith.constant 1 : i32
        %add3A_272 = arith.addi %scan3A_90, %add3A_271 : i32
        %lt3A_273 = arith.constant 49 : i32
        %lt3A_274 = arith.cmpi slt, %add3A_272, %lt3A_273 : i32
        %convert_element_type3A_275 = arith.extui %lt3A_274 : i1 to i32
        %cond3A_276 = arith.constant 0 : i32
        %cond3A_277 = arith.cmpi ne, %convert_element_type3A_275, %cond3A_276 : i32
        scf.if %cond3A_277 {
          %eq3A_298 = arith.constant 0 : i32
          %eq3A_299 = arith.cmpi eq, %arg0, %eq3A_298 : i32
          %convert_element_type3A_300 = arith.extui %eq3A_299 : i1 to i32
          %cond3A_301 = arith.constant 2 : i32
          %cond3A_302 = arith.constant 0 : i32
          %cond3A_303 = arith.cmpi ne, %convert_element_type3A_300, %cond3A_302 : i32
          scf.if %cond3A_303 {
            %dma_start3A_310 = arith.constant 0 : i32
            %dma_start3A_311 = tpu.memref_slice %arg9[%cond3A_301, %dma_start3A_310] : memref<8x128xi32, #tpu.memory_space<vmem>> -> memref<1x128xi32, #tpu.memory_space<vmem>>
            %dma_start3A_312 = tpu.memref_squeeze %dma_start3A_311 : memref<1x128xi32, #tpu.memory_space<vmem>> -> memref<128xi32, #tpu.memory_space<vmem>>
            %dma_start3A_313 = arith.constant 0 : i32
            %dma_start3A_314 = arith.constant 0 : i32
            %dma_start3A_315 = tpu.memref_slice %arg2[%dma_start3A_313, %dma_start3A_314] : memref<51200x32xf32, #tpu.memory_space<hbm>> -> memref<51200x32xf32, #tpu.memory_space<hbm>>
            tpu.enqueue_indirect_dma source(%dma_start3A_315 : memref<51200x32xf32, #tpu.memory_space<hbm>>) target(%arg13 : memref<128x32xf32, #tpu.memory_space<vmem>>) offsets(%dma_start3A_312 : memref<128xi32, #tpu.memory_space<vmem>>) semaphore(%arg19 : memref<!tpu.dma_semaphore, #tpu.memory_space<semaphore_mem>>)
          } else {
          }
          %eq3A_304 = arith.constant 1 : i32
          %eq3A_305 = arith.cmpi eq, %arg0, %eq3A_304 : i32
          %convert_element_type3A_306 = arith.extui %eq3A_305 : i1 to i32
          %cond3A_307 = arith.constant 2 : i32
          %cond3A_308 = arith.constant 0 : i32
          %cond3A_309 = arith.cmpi ne, %convert_element_type3A_306, %cond3A_308 : i32
          scf.if %cond3A_309 {
            %dma_start3A_310 = arith.constant 0 : i32
            %dma_start3A_311 = tpu.memref_slice %arg9[%cond3A_307, %dma_start3A_310] : memref<8x128xi32, #tpu.memory_space<vmem>> -> memref<1x128xi32, #tpu.memory_space<vmem>>
            %dma_start3A_312 = tpu.memref_squeeze %dma_start3A_311 : memref<1x128xi32, #tpu.memory_space<vmem>> -> memref<128xi32, #tpu.memory_space<vmem>>
            %dma_start3A_313 = arith.constant 0 : i32
            %dma_start3A_314 = arith.constant 0 : i32
            %dma_start3A_315 = tpu.memref_slice %arg3[%dma_start3A_313, %dma_start3A_314] : memref<51200x32xf32, #tpu.memory_space<hbm>> -> memref<51200x32xf32, #tpu.memory_space<hbm>>
            tpu.enqueue_indirect_dma source(%dma_start3A_315 : memref<51200x32xf32, #tpu.memory_space<hbm>>) target(%arg13 : memref<128x32xf32, #tpu.memory_space<vmem>>) offsets(%dma_start3A_312 : memref<128xi32, #tpu.memory_space<vmem>>) semaphore(%arg19 : memref<!tpu.dma_semaphore, #tpu.memory_space<semaphore_mem>>)
          } else {
          }
        } else {
        }
        %eq3A_278 = arith.constant 0 : i32
        %eq3A_279 = arith.cmpi eq, %arg0, %eq3A_278 : i32
        %convert_element_type3A_280 = arith.extui %eq3A_279 : i1 to i32
        %cond3A_281 = arith.constant 7 : i32
        %cond3A_282 = arith.constant 0 : i32
        %cond3A_283 = arith.cmpi ne, %convert_element_type3A_280, %cond3A_282 : i32
        scf.if %cond3A_283 {
          %dma_wait3A_298 = arith.constant 0 : i32
          %dma_wait3A_299 = tpu.memref_slice %arg7[%cond3A_281, %dma_wait3A_298] : memref<8x128xi32, #tpu.memory_space<vmem>> -> memref<1x128xi32, #tpu.memory_space<vmem>>
          %dma_wait3A_300 = tpu.memref_squeeze %dma_wait3A_299 : memref<1x128xi32, #tpu.memory_space<vmem>> -> memref<128xi32, #tpu.memory_space<vmem>>
          %dma_wait3A_301 = arith.constant 0 : i32
          %dma_wait3A_302 = arith.constant 0 : i32
          %dma_wait3A_303 = tpu.memref_slice %arg2[%dma_wait3A_301, %dma_wait3A_302] : memref<51200x32xf32, #tpu.memory_space<hbm>> -> memref<51200x32xf32, #tpu.memory_space<hbm>>
          tpu.wait_indirect_dma semaphore(%arg20 : memref<!tpu.dma_semaphore, #tpu.memory_space<semaphore_mem>>) src(%dma_wait3A_303 : memref<51200x32xf32, #tpu.memory_space<hbm>>) dst(%arg14 : memref<128x32xf32, #tpu.memory_space<vmem>>)
        } else {
        }
        %eq3A_284 = arith.constant 1 : i32
        %eq3A_285 = arith.cmpi eq, %arg0, %eq3A_284 : i32
        %convert_element_type3A_286 = arith.extui %eq3A_285 : i1 to i32
        %cond3A_287 = arith.constant 7 : i32
        %cond3A_288 = arith.constant 0 : i32
        %cond3A_289 = arith.cmpi ne, %convert_element_type3A_286, %cond3A_288 : i32
        scf.if %cond3A_289 {
          %dma_wait3A_298 = arith.constant 0 : i32
          %dma_wait3A_299 = tpu.memref_slice %arg7[%cond3A_287, %dma_wait3A_298] : memref<8x128xi32, #tpu.memory_space<vmem>> -> memref<1x128xi32, #tpu.memory_space<vmem>>
          %dma_wait3A_300 = tpu.memref_squeeze %dma_wait3A_299 : memref<1x128xi32, #tpu.memory_space<vmem>> -> memref<128xi32, #tpu.memory_space<vmem>>
          %dma_wait3A_301 = arith.constant 0 : i32
          %dma_wait3A_302 = arith.constant 0 : i32
          %dma_wait3A_303 = tpu.memref_slice %arg3[%dma_wait3A_301, %dma_wait3A_302] : memref<51200x32xf32, #tpu.memory_space<hbm>> -> memref<51200x32xf32, #tpu.memory_space<hbm>>
          tpu.wait_indirect_dma semaphore(%arg20 : memref<!tpu.dma_semaphore, #tpu.memory_space<semaphore_mem>>) src(%dma_wait3A_303 : memref<51200x32xf32, #tpu.memory_space<hbm>>) dst(%arg14 : memref<128x32xf32, #tpu.memory_space<vmem>>)
        } else {
        }
        %run_scoped3A_290 = arith.constant 7 : i32
        "tpu.region"() ({
          %run_scoped3A_298 = tpu.sem_alloc : memref<!tpu.dma_semaphore, #tpu.memory_space<semaphore_mem>>
          %dma_start3A_299 = arith.constant 0 : i32
          %dma_start3A_300 = tpu.memref_slice %arg8[%run_scoped3A_290, %dma_start3A_299] : memref<8x128xi32, #tpu.memory_space<vmem>> -> memref<1x128xi32, #tpu.memory_space<vmem>>
          %dma_start3A_301 = tpu.memref_squeeze %dma_start3A_300 : memref<1x128xi32, #tpu.memory_space<vmem>> -> memref<128xi32, #tpu.memory_space<vmem>>
          %dma_start3A_302 = arith.constant 0 : i32
          %dma_start3A_303 = arith.constant 0 : i32
          %dma_start3A_304 = tpu.memref_slice %arg15[%dma_start3A_302, %dma_start3A_303] : memref<51200x32xf32, #tpu.memory_space<vmem_shared>> -> memref<51200x32xf32, #tpu.memory_space<vmem_shared>>
          tpu.enqueue_indirect_dma source(%arg14 : memref<128x32xf32, #tpu.memory_space<vmem>>) target(%dma_start3A_304 : memref<51200x32xf32, #tpu.memory_space<vmem_shared>>) offsets(%dma_start3A_301 : memref<128xi32, #tpu.memory_space<vmem>>) semaphore(%run_scoped3A_298 : memref<!tpu.dma_semaphore, #tpu.memory_space<semaphore_mem>>) {add = true}
          %dma_wait3A_305 = arith.constant 0 : i32
          %dma_wait3A_306 = tpu.memref_slice %arg8[%run_scoped3A_290, %dma_wait3A_305] : memref<8x128xi32, #tpu.memory_space<vmem>> -> memref<1x128xi32, #tpu.memory_space<vmem>>
          %dma_wait3A_307 = tpu.memref_squeeze %dma_wait3A_306 : memref<1x128xi32, #tpu.memory_space<vmem>> -> memref<128xi32, #tpu.memory_space<vmem>>
          %dma_wait3A_308 = arith.constant 0 : i32
          %dma_wait3A_309 = arith.constant 0 : i32
          %dma_wait3A_310 = tpu.memref_slice %arg15[%dma_wait3A_308, %dma_wait3A_309] : memref<51200x32xf32, #tpu.memory_space<vmem_shared>> -> memref<51200x32xf32, #tpu.memory_space<vmem_shared>>
          tpu.wait_indirect_dma semaphore(%run_scoped3A_298 : memref<!tpu.dma_semaphore, #tpu.memory_space<semaphore_mem>>) src(%arg14 : memref<128x32xf32, #tpu.memory_space<vmem>>) dst(%dma_wait3A_310 : memref<51200x32xf32, #tpu.memory_space<vmem_shared>>)
          tpu.yield
        }) : () -> ()
        %add3A_291 = arith.constant 1 : i32
        %add3A_292 = arith.addi %scan3A_90, %add3A_291 : i32
        %lt3A_293 = arith.constant 49 : i32
        %lt3A_294 = arith.cmpi slt, %add3A_292, %lt3A_293 : i32
        %convert_element_type3A_295 = arith.extui %lt3A_294 : i1 to i32
        %cond3A_296 = arith.constant 0 : i32
        %cond3A_297 = arith.cmpi ne, %convert_element_type3A_295, %cond3A_296 : i32
        scf.if %cond3A_297 {
          %eq3A_298 = arith.constant 0 : i32
          %eq3A_299 = arith.cmpi eq, %arg0, %eq3A_298 : i32
          %convert_element_type3A_300 = arith.extui %eq3A_299 : i1 to i32
          %cond3A_301 = arith.constant 3 : i32
          %cond3A_302 = arith.constant 0 : i32
          %cond3A_303 = arith.cmpi ne, %convert_element_type3A_300, %cond3A_302 : i32
          scf.if %cond3A_303 {
            %dma_start3A_310 = arith.constant 0 : i32
            %dma_start3A_311 = tpu.memref_slice %arg9[%cond3A_301, %dma_start3A_310] : memref<8x128xi32, #tpu.memory_space<vmem>> -> memref<1x128xi32, #tpu.memory_space<vmem>>
            %dma_start3A_312 = tpu.memref_squeeze %dma_start3A_311 : memref<1x128xi32, #tpu.memory_space<vmem>> -> memref<128xi32, #tpu.memory_space<vmem>>
            %dma_start3A_313 = arith.constant 0 : i32
            %dma_start3A_314 = arith.constant 0 : i32
            %dma_start3A_315 = tpu.memref_slice %arg2[%dma_start3A_313, %dma_start3A_314] : memref<51200x32xf32, #tpu.memory_space<hbm>> -> memref<51200x32xf32, #tpu.memory_space<hbm>>
            tpu.enqueue_indirect_dma source(%dma_start3A_315 : memref<51200x32xf32, #tpu.memory_space<hbm>>) target(%arg14 : memref<128x32xf32, #tpu.memory_space<vmem>>) offsets(%dma_start3A_312 : memref<128xi32, #tpu.memory_space<vmem>>) semaphore(%arg20 : memref<!tpu.dma_semaphore, #tpu.memory_space<semaphore_mem>>)
          } else {
          }
          %eq3A_304 = arith.constant 1 : i32
          %eq3A_305 = arith.cmpi eq, %arg0, %eq3A_304 : i32
          %convert_element_type3A_306 = arith.extui %eq3A_305 : i1 to i32
          %cond3A_307 = arith.constant 3 : i32
          %cond3A_308 = arith.constant 0 : i32
          %cond3A_309 = arith.cmpi ne, %convert_element_type3A_306, %cond3A_308 : i32
          scf.if %cond3A_309 {
            %dma_start3A_310 = arith.constant 0 : i32
            %dma_start3A_311 = tpu.memref_slice %arg9[%cond3A_307, %dma_start3A_310] : memref<8x128xi32, #tpu.memory_space<vmem>> -> memref<1x128xi32, #tpu.memory_space<vmem>>
            %dma_start3A_312 = tpu.memref_squeeze %dma_start3A_311 : memref<1x128xi32, #tpu.memory_space<vmem>> -> memref<128xi32, #tpu.memory_space<vmem>>
            %dma_start3A_313 = arith.constant 0 : i32
            %dma_start3A_314 = arith.constant 0 : i32
            %dma_start3A_315 = tpu.memref_slice %arg3[%dma_start3A_313, %dma_start3A_314] : memref<51200x32xf32, #tpu.memory_space<hbm>> -> memref<51200x32xf32, #tpu.memory_space<hbm>>
            tpu.enqueue_indirect_dma source(%dma_start3A_315 : memref<51200x32xf32, #tpu.memory_space<hbm>>) target(%arg14 : memref<128x32xf32, #tpu.memory_space<vmem>>) offsets(%dma_start3A_312 : memref<128xi32, #tpu.memory_space<vmem>>) semaphore(%arg20 : memref<!tpu.dma_semaphore, #tpu.memory_space<semaphore_mem>>)
          } else {
          }
        } else {
        }
      } else {
      }
      %rem3A_98 = arith.constant 2 : i32
      %rem3A_99 = arith.remsi %scan3A_90, %rem3A_98 : i32
      %eq3A_100 = arith.constant 1 : i32
      %eq3A_101 = arith.cmpi eq, %rem3A_99, %eq3A_100 : i32
      %convert_element_type3A_102 = arith.extui %eq3A_101 : i1 to i32
      %cond3A_103 = arith.constant 0 : i32
      %cond3A_104 = arith.cmpi ne, %convert_element_type3A_102, %cond3A_103 : i32
      scf.if %cond3A_104 {
        %add3A_106 = arith.constant 1 : i32
        %add3A_107 = arith.addi %scan3A_90, %add3A_106 : i32
        %lt3A = arith.constant 49 : i32
        %lt3A_108 = arith.cmpi slt, %add3A_107, %lt3A : i32
        %convert_element_type3A_109 = arith.extui %lt3A_108 : i1 to i32
        %cond3A_110 = arith.constant 0 : i32
        %cond3A_111 = arith.cmpi ne, %convert_element_type3A_109, %cond3A_110 : i32
        scf.if %cond3A_111 {
          %add3A_298 = arith.constant 1 : i32
          %add3A_299 = arith.addi %scan3A_90, %add3A_298 : i32
          %mul3A_300 = arith.constant 8 : i32
          %mul3A_301 = arith.muli %add3A_299, %mul3A_300 : i32
          %add3A_302 = arith.addi %mul3A_11, %mul3A_301 : i32
          %dma_start3A_303 = arith.constant 0 : i32
          %dma_start3A_304 = tpu.memref_slice %arg4[%add3A_302, %dma_start3A_303] : memref<6272x128xi32, #tpu.memory_space<hbm>> -> memref<8x128xi32, #tpu.memory_space<hbm>>
          %dma_start3A_305 = arith.constant 0 : i32
          %dma_start3A_306 = tpu.memref_slice %arg4[%add3A_302, %dma_start3A_305] : memref<6272x128xi32, #tpu.memory_space<hbm>> -> memref<8x128xi32, #tpu.memory_space<hbm>>
          tpu.enqueue_dma source(%dma_start3A_306 : memref<8x128xi32, #tpu.memory_space<hbm>>) target(%arg7 : memref<8x128xi32, #tpu.memory_space<vmem>>) target_semaphore(%arg16 : memref<!tpu.dma_semaphore, #tpu.memory_space<semaphore_mem>>)
          %mul3A_307 = arith.constant 8 : i32
          %mul3A_308 = arith.muli %add3A_299, %mul3A_307 : i32
          %add3A_309 = arith.addi %mul3A_11, %mul3A_308 : i32
          %dma_start3A_310 = arith.constant 0 : i32
          %dma_start3A_311 = tpu.memref_slice %arg5[%add3A_309, %dma_start3A_310] : memref<6272x128xi32, #tpu.memory_space<hbm>> -> memref<8x128xi32, #tpu.memory_space<hbm>>
          %dma_start3A_312 = arith.constant 0 : i32
          %dma_start3A_313 = tpu.memref_slice %arg5[%add3A_309, %dma_start3A_312] : memref<6272x128xi32, #tpu.memory_space<hbm>> -> memref<8x128xi32, #tpu.memory_space<hbm>>
          tpu.enqueue_dma source(%dma_start3A_313 : memref<8x128xi32, #tpu.memory_space<hbm>>) target(%arg8 : memref<8x128xi32, #tpu.memory_space<vmem>>) target_semaphore(%arg16 : memref<!tpu.dma_semaphore, #tpu.memory_space<semaphore_mem>>)
        } else {
        }
        %eq3A_112 = arith.constant 0 : i32
        %eq3A_113 = arith.cmpi eq, %arg0, %eq3A_112 : i32
        %convert_element_type3A_114 = arith.extui %eq3A_113 : i1 to i32
        %cond3A_115 = arith.constant 0 : i32
        %cond3A_116 = arith.constant 0 : i32
        %cond3A_117 = arith.cmpi ne, %convert_element_type3A_114, %cond3A_116 : i32
        scf.if %cond3A_117 {
          %dma_wait3A_298 = arith.constant 0 : i32
          %dma_wait3A_299 = tpu.memref_slice %arg9[%cond3A_115, %dma_wait3A_298] : memref<8x128xi32, #tpu.memory_space<vmem>> -> memref<1x128xi32, #tpu.memory_space<vmem>>
          %dma_wait3A_300 = tpu.memref_squeeze %dma_wait3A_299 : memref<1x128xi32, #tpu.memory_space<vmem>> -> memref<128xi32, #tpu.memory_space<vmem>>
          %dma_wait3A_301 = arith.constant 0 : i32
          %dma_wait3A_302 = arith.constant 0 : i32
          %dma_wait3A_303 = tpu.memref_slice %arg2[%dma_wait3A_301, %dma_wait3A_302] : memref<51200x32xf32, #tpu.memory_space<hbm>> -> memref<51200x32xf32, #tpu.memory_space<hbm>>
          tpu.wait_indirect_dma semaphore(%arg17 : memref<!tpu.dma_semaphore, #tpu.memory_space<semaphore_mem>>) src(%dma_wait3A_303 : memref<51200x32xf32, #tpu.memory_space<hbm>>) dst(%arg11 : memref<128x32xf32, #tpu.memory_space<vmem>>)
        } else {
        }
        %eq3A_118 = arith.constant 1 : i32
        %eq3A_119 = arith.cmpi eq, %arg0, %eq3A_118 : i32
        %convert_element_type3A_120 = arith.extui %eq3A_119 : i1 to i32
        %cond3A_121 = arith.constant 0 : i32
        %cond3A_122 = arith.constant 0 : i32
        %cond3A_123 = arith.cmpi ne, %convert_element_type3A_120, %cond3A_122 : i32
        scf.if %cond3A_123 {
          %dma_wait3A_298 = arith.constant 0 : i32
          %dma_wait3A_299 = tpu.memref_slice %arg9[%cond3A_121, %dma_wait3A_298] : memref<8x128xi32, #tpu.memory_space<vmem>> -> memref<1x128xi32, #tpu.memory_space<vmem>>
          %dma_wait3A_300 = tpu.memref_squeeze %dma_wait3A_299 : memref<1x128xi32, #tpu.memory_space<vmem>> -> memref<128xi32, #tpu.memory_space<vmem>>
          %dma_wait3A_301 = arith.constant 0 : i32
          %dma_wait3A_302 = arith.constant 0 : i32
          %dma_wait3A_303 = tpu.memref_slice %arg3[%dma_wait3A_301, %dma_wait3A_302] : memref<51200x32xf32, #tpu.memory_space<hbm>> -> memref<51200x32xf32, #tpu.memory_space<hbm>>
          tpu.wait_indirect_dma semaphore(%arg17 : memref<!tpu.dma_semaphore, #tpu.memory_space<semaphore_mem>>) src(%dma_wait3A_303 : memref<51200x32xf32, #tpu.memory_space<hbm>>) dst(%arg11 : memref<128x32xf32, #tpu.memory_space<vmem>>)
        } else {
        }
        %run_scoped3A = arith.constant 0 : i32
        "tpu.region"() ({
          %run_scoped3A_298 = tpu.sem_alloc : memref<!tpu.dma_semaphore, #tpu.memory_space<semaphore_mem>>
          %dma_start3A_299 = arith.constant 0 : i32
          %dma_start3A_300 = tpu.memref_slice %arg10[%run_scoped3A, %dma_start3A_299] : memref<8x128xi32, #tpu.memory_space<vmem>> -> memref<1x128xi32, #tpu.memory_space<vmem>>
          %dma_start3A_301 = tpu.memref_squeeze %dma_start3A_300 : memref<1x128xi32, #tpu.memory_space<vmem>> -> memref<128xi32, #tpu.memory_space<vmem>>
          %dma_start3A_302 = arith.constant 0 : i32
          %dma_start3A_303 = arith.constant 0 : i32
          %dma_start3A_304 = tpu.memref_slice %arg15[%dma_start3A_302, %dma_start3A_303] : memref<51200x32xf32, #tpu.memory_space<vmem_shared>> -> memref<51200x32xf32, #tpu.memory_space<vmem_shared>>
          tpu.enqueue_indirect_dma source(%arg11 : memref<128x32xf32, #tpu.memory_space<vmem>>) target(%dma_start3A_304 : memref<51200x32xf32, #tpu.memory_space<vmem_shared>>) offsets(%dma_start3A_301 : memref<128xi32, #tpu.memory_space<vmem>>) semaphore(%run_scoped3A_298 : memref<!tpu.dma_semaphore, #tpu.memory_space<semaphore_mem>>) {add = true}
          %dma_wait3A_305 = arith.constant 0 : i32
          %dma_wait3A_306 = tpu.memref_slice %arg10[%run_scoped3A, %dma_wait3A_305] : memref<8x128xi32, #tpu.memory_space<vmem>> -> memref<1x128xi32, #tpu.memory_space<vmem>>
          %dma_wait3A_307 = tpu.memref_squeeze %dma_wait3A_306 : memref<1x128xi32, #tpu.memory_space<vmem>> -> memref<128xi32, #tpu.memory_space<vmem>>
          %dma_wait3A_308 = arith.constant 0 : i32
          %dma_wait3A_309 = arith.constant 0 : i32
          %dma_wait3A_310 = tpu.memref_slice %arg15[%dma_wait3A_308, %dma_wait3A_309] : memref<51200x32xf32, #tpu.memory_space<vmem_shared>> -> memref<51200x32xf32, #tpu.memory_space<vmem_shared>>
          tpu.wait_indirect_dma semaphore(%run_scoped3A_298 : memref<!tpu.dma_semaphore, #tpu.memory_space<semaphore_mem>>) src(%arg11 : memref<128x32xf32, #tpu.memory_space<vmem>>) dst(%dma_wait3A_310 : memref<51200x32xf32, #tpu.memory_space<vmem_shared>>)
          tpu.yield
        }) : () -> ()
        %eq3A_124 = arith.constant 0 : i32
        %eq3A_125 = arith.cmpi eq, %arg0, %eq3A_124 : i32
        %convert_element_type3A_126 = arith.extui %eq3A_125 : i1 to i32
        %cond3A_127 = arith.constant 4 : i32
        %cond3A_128 = arith.constant 0 : i32
        %cond3A_129 = arith.cmpi ne, %convert_element_type3A_126, %cond3A_128 : i32
        scf.if %cond3A_129 {
          %dma_start3A_298 = arith.constant 0 : i32
          %dma_start3A_299 = tpu.memref_slice %arg9[%cond3A_127, %dma_start3A_298] : memref<8x128xi32, #tpu.memory_space<vmem>> -> memref<1x128xi32, #tpu.memory_space<vmem>>
          %dma_start3A_300 = tpu.memref_squeeze %dma_start3A_299 : memref<1x128xi32, #tpu.memory_space<vmem>> -> memref<128xi32, #tpu.memory_space<vmem>>
          %dma_start3A_301 = arith.constant 0 : i32
          %dma_start3A_302 = arith.constant 0 : i32
          %dma_start3A_303 = tpu.memref_slice %arg2[%dma_start3A_301, %dma_start3A_302] : memref<51200x32xf32, #tpu.memory_space<hbm>> -> memref<51200x32xf32, #tpu.memory_space<hbm>>
          tpu.enqueue_indirect_dma source(%dma_start3A_303 : memref<51200x32xf32, #tpu.memory_space<hbm>>) target(%arg11 : memref<128x32xf32, #tpu.memory_space<vmem>>) offsets(%dma_start3A_300 : memref<128xi32, #tpu.memory_space<vmem>>) semaphore(%arg17 : memref<!tpu.dma_semaphore, #tpu.memory_space<semaphore_mem>>)
        } else {
        }
        %eq3A_130 = arith.constant 1 : i32
        %eq3A_131 = arith.cmpi eq, %arg0, %eq3A_130 : i32
        %convert_element_type3A_132 = arith.extui %eq3A_131 : i1 to i32
        %cond3A_133 = arith.constant 4 : i32
        %cond3A_134 = arith.constant 0 : i32
        %cond3A_135 = arith.cmpi ne, %convert_element_type3A_132, %cond3A_134 : i32
        scf.if %cond3A_135 {
          %dma_start3A_298 = arith.constant 0 : i32
          %dma_start3A_299 = tpu.memref_slice %arg9[%cond3A_133, %dma_start3A_298] : memref<8x128xi32, #tpu.memory_space<vmem>> -> memref<1x128xi32, #tpu.memory_space<vmem>>
          %dma_start3A_300 = tpu.memref_squeeze %dma_start3A_299 : memref<1x128xi32, #tpu.memory_space<vmem>> -> memref<128xi32, #tpu.memory_space<vmem>>
          %dma_start3A_301 = arith.constant 0 : i32
          %dma_start3A_302 = arith.constant 0 : i32
          %dma_start3A_303 = tpu.memref_slice %arg3[%dma_start3A_301, %dma_start3A_302] : memref<51200x32xf32, #tpu.memory_space<hbm>> -> memref<51200x32xf32, #tpu.memory_space<hbm>>
          tpu.enqueue_indirect_dma source(%dma_start3A_303 : memref<51200x32xf32, #tpu.memory_space<hbm>>) target(%arg11 : memref<128x32xf32, #tpu.memory_space<vmem>>) offsets(%dma_start3A_300 : memref<128xi32, #tpu.memory_space<vmem>>) semaphore(%arg17 : memref<!tpu.dma_semaphore, #tpu.memory_space<semaphore_mem>>)
        } else {
        }
        %eq3A_136 = arith.constant 0 : i32
        %eq3A_137 = arith.cmpi eq, %arg0, %eq3A_136 : i32
        %convert_element_type3A_138 = arith.extui %eq3A_137 : i1 to i32
        %cond3A_139 = arith.constant 1 : i32
        %cond3A_140 = arith.constant 0 : i32
        %cond3A_141 = arith.cmpi ne, %convert_element_type3A_138, %cond3A_140 : i32
        scf.if %cond3A_141 {
          %dma_wait3A_298 = arith.constant 0 : i32
          %dma_wait3A_299 = tpu.memref_slice %arg9[%cond3A_139, %dma_wait3A_298] : memref<8x128xi32, #tpu.memory_space<vmem>> -> memref<1x128xi32, #tpu.memory_space<vmem>>
          %dma_wait3A_300 = tpu.memref_squeeze %dma_wait3A_299 : memref<1x128xi32, #tpu.memory_space<vmem>> -> memref<128xi32, #tpu.memory_space<vmem>>
          %dma_wait3A_301 = arith.constant 0 : i32
          %dma_wait3A_302 = arith.constant 0 : i32
          %dma_wait3A_303 = tpu.memref_slice %arg2[%dma_wait3A_301, %dma_wait3A_302] : memref<51200x32xf32, #tpu.memory_space<hbm>> -> memref<51200x32xf32, #tpu.memory_space<hbm>>
          tpu.wait_indirect_dma semaphore(%arg18 : memref<!tpu.dma_semaphore, #tpu.memory_space<semaphore_mem>>) src(%dma_wait3A_303 : memref<51200x32xf32, #tpu.memory_space<hbm>>) dst(%arg12 : memref<128x32xf32, #tpu.memory_space<vmem>>)
        } else {
        }
        %eq3A_142 = arith.constant 1 : i32
        %eq3A_143 = arith.cmpi eq, %arg0, %eq3A_142 : i32
        %convert_element_type3A_144 = arith.extui %eq3A_143 : i1 to i32
        %cond3A_145 = arith.constant 1 : i32
        %cond3A_146 = arith.constant 0 : i32
        %cond3A_147 = arith.cmpi ne, %convert_element_type3A_144, %cond3A_146 : i32
        scf.if %cond3A_147 {
          %dma_wait3A_298 = arith.constant 0 : i32
          %dma_wait3A_299 = tpu.memref_slice %arg9[%cond3A_145, %dma_wait3A_298] : memref<8x128xi32, #tpu.memory_space<vmem>> -> memref<1x128xi32, #tpu.memory_space<vmem>>
          %dma_wait3A_300 = tpu.memref_squeeze %dma_wait3A_299 : memref<1x128xi32, #tpu.memory_space<vmem>> -> memref<128xi32, #tpu.memory_space<vmem>>
          %dma_wait3A_301 = arith.constant 0 : i32
          %dma_wait3A_302 = arith.constant 0 : i32
          %dma_wait3A_303 = tpu.memref_slice %arg3[%dma_wait3A_301, %dma_wait3A_302] : memref<51200x32xf32, #tpu.memory_space<hbm>> -> memref<51200x32xf32, #tpu.memory_space<hbm>>
          tpu.wait_indirect_dma semaphore(%arg18 : memref<!tpu.dma_semaphore, #tpu.memory_space<semaphore_mem>>) src(%dma_wait3A_303 : memref<51200x32xf32, #tpu.memory_space<hbm>>) dst(%arg12 : memref<128x32xf32, #tpu.memory_space<vmem>>)
        } else {
        }
        %run_scoped3A_148 = arith.constant 1 : i32
        "tpu.region"() ({
          %run_scoped3A_298 = tpu.sem_alloc : memref<!tpu.dma_semaphore, #tpu.memory_space<semaphore_mem>>
          %dma_start3A_299 = arith.constant 0 : i32
          %dma_start3A_300 = tpu.memref_slice %arg10[%run_scoped3A_148, %dma_start3A_299] : memref<8x128xi32, #tpu.memory_space<vmem>> -> memref<1x128xi32, #tpu.memory_space<vmem>>
          %dma_start3A_301 = tpu.memref_squeeze %dma_start3A_300 : memref<1x128xi32, #tpu.memory_space<vmem>> -> memref<128xi32, #tpu.memory_space<vmem>>
          %dma_start3A_302 = arith.constant 0 : i32
          %dma_start3A_303 = arith.constant 0 : i32
          %dma_start3A_304 = tpu.memref_slice %arg15[%dma_start3A_302, %dma_start3A_303] : memref<51200x32xf32, #tpu.memory_space<vmem_shared>> -> memref<51200x32xf32, #tpu.memory_space<vmem_shared>>
          tpu.enqueue_indirect_dma source(%arg12 : memref<128x32xf32, #tpu.memory_space<vmem>>) target(%dma_start3A_304 : memref<51200x32xf32, #tpu.memory_space<vmem_shared>>) offsets(%dma_start3A_301 : memref<128xi32, #tpu.memory_space<vmem>>) semaphore(%run_scoped3A_298 : memref<!tpu.dma_semaphore, #tpu.memory_space<semaphore_mem>>) {add = true}
          %dma_wait3A_305 = arith.constant 0 : i32
          %dma_wait3A_306 = tpu.memref_slice %arg10[%run_scoped3A_148, %dma_wait3A_305] : memref<8x128xi32, #tpu.memory_space<vmem>> -> memref<1x128xi32, #tpu.memory_space<vmem>>
          %dma_wait3A_307 = tpu.memref_squeeze %dma_wait3A_306 : memref<1x128xi32, #tpu.memory_space<vmem>> -> memref<128xi32, #tpu.memory_space<vmem>>
          %dma_wait3A_308 = arith.constant 0 : i32
          %dma_wait3A_309 = arith.constant 0 : i32
          %dma_wait3A_310 = tpu.memref_slice %arg15[%dma_wait3A_308, %dma_wait3A_309] : memref<51200x32xf32, #tpu.memory_space<vmem_shared>> -> memref<51200x32xf32, #tpu.memory_space<vmem_shared>>
          tpu.wait_indirect_dma semaphore(%run_scoped3A_298 : memref<!tpu.dma_semaphore, #tpu.memory_space<semaphore_mem>>) src(%arg12 : memref<128x32xf32, #tpu.memory_space<vmem>>) dst(%dma_wait3A_310 : memref<51200x32xf32, #tpu.memory_space<vmem_shared>>)
          tpu.yield
        }) : () -> ()
        %eq3A_149 = arith.constant 0 : i32
        %eq3A_150 = arith.cmpi eq, %arg0, %eq3A_149 : i32
        %convert_element_type3A_151 = arith.extui %eq3A_150 : i1 to i32
        %cond3A_152 = arith.constant 5 : i32
        %cond3A_153 = arith.constant 0 : i32
        %cond3A_154 = arith.cmpi ne, %convert_element_type3A_151, %cond3A_153 : i32
        scf.if %cond3A_154 {
          %dma_start3A_298 = arith.constant 0 : i32
          %dma_start3A_299 = tpu.memref_slice %arg9[%cond3A_152, %dma_start3A_298] : memref<8x128xi32, #tpu.memory_space<vmem>> -> memref<1x128xi32, #tpu.memory_space<vmem>>
          %dma_start3A_300 = tpu.memref_squeeze %dma_start3A_299 : memref<1x128xi32, #tpu.memory_space<vmem>> -> memref<128xi32, #tpu.memory_space<vmem>>
          %dma_start3A_301 = arith.constant 0 : i32
          %dma_start3A_302 = arith.constant 0 : i32
          %dma_start3A_303 = tpu.memref_slice %arg2[%dma_start3A_301, %dma_start3A_302] : memref<51200x32xf32, #tpu.memory_space<hbm>> -> memref<51200x32xf32, #tpu.memory_space<hbm>>
          tpu.enqueue_indirect_dma source(%dma_start3A_303 : memref<51200x32xf32, #tpu.memory_space<hbm>>) target(%arg12 : memref<128x32xf32, #tpu.memory_space<vmem>>) offsets(%dma_start3A_300 : memref<128xi32, #tpu.memory_space<vmem>>) semaphore(%arg18 : memref<!tpu.dma_semaphore, #tpu.memory_space<semaphore_mem>>)
        } else {
        }
        %eq3A_155 = arith.constant 1 : i32
        %eq3A_156 = arith.cmpi eq, %arg0, %eq3A_155 : i32
        %convert_element_type3A_157 = arith.extui %eq3A_156 : i1 to i32
        %cond3A_158 = arith.constant 5 : i32
        %cond3A_159 = arith.constant 0 : i32
        %cond3A_160 = arith.cmpi ne, %convert_element_type3A_157, %cond3A_159 : i32
        scf.if %cond3A_160 {
          %dma_start3A_298 = arith.constant 0 : i32
          %dma_start3A_299 = tpu.memref_slice %arg9[%cond3A_158, %dma_start3A_298] : memref<8x128xi32, #tpu.memory_space<vmem>> -> memref<1x128xi32, #tpu.memory_space<vmem>>
          %dma_start3A_300 = tpu.memref_squeeze %dma_start3A_299 : memref<1x128xi32, #tpu.memory_space<vmem>> -> memref<128xi32, #tpu.memory_space<vmem>>
          %dma_start3A_301 = arith.constant 0 : i32
          %dma_start3A_302 = arith.constant 0 : i32
          %dma_start3A_303 = tpu.memref_slice %arg3[%dma_start3A_301, %dma_start3A_302] : memref<51200x32xf32, #tpu.memory_space<hbm>> -> memref<51200x32xf32, #tpu.memory_space<hbm>>
          tpu.enqueue_indirect_dma source(%dma_start3A_303 : memref<51200x32xf32, #tpu.memory_space<hbm>>) target(%arg12 : memref<128x32xf32, #tpu.memory_space<vmem>>) offsets(%dma_start3A_300 : memref<128xi32, #tpu.memory_space<vmem>>) semaphore(%arg18 : memref<!tpu.dma_semaphore, #tpu.memory_space<semaphore_mem>>)
        } else {
        }
        %eq3A_161 = arith.constant 0 : i32
        %eq3A_162 = arith.cmpi eq, %arg0, %eq3A_161 : i32
        %convert_element_type3A_163 = arith.extui %eq3A_162 : i1 to i32
        %cond3A_164 = arith.constant 2 : i32
        %cond3A_165 = arith.constant 0 : i32
        %cond3A_166 = arith.cmpi ne, %convert_element_type3A_163, %cond3A_165 : i32
        scf.if %cond3A_166 {
          %dma_wait3A_298 = arith.constant 0 : i32
          %dma_wait3A_299 = tpu.memref_slice %arg9[%cond3A_164, %dma_wait3A_298] : memref<8x128xi32, #tpu.memory_space<vmem>> -> memref<1x128xi32, #tpu.memory_space<vmem>>
          %dma_wait3A_300 = tpu.memref_squeeze %dma_wait3A_299 : memref<1x128xi32, #tpu.memory_space<vmem>> -> memref<128xi32, #tpu.memory_space<vmem>>
          %dma_wait3A_301 = arith.constant 0 : i32
          %dma_wait3A_302 = arith.constant 0 : i32
          %dma_wait3A_303 = tpu.memref_slice %arg2[%dma_wait3A_301, %dma_wait3A_302] : memref<51200x32xf32, #tpu.memory_space<hbm>> -> memref<51200x32xf32, #tpu.memory_space<hbm>>
          tpu.wait_indirect_dma semaphore(%arg19 : memref<!tpu.dma_semaphore, #tpu.memory_space<semaphore_mem>>) src(%dma_wait3A_303 : memref<51200x32xf32, #tpu.memory_space<hbm>>) dst(%arg13 : memref<128x32xf32, #tpu.memory_space<vmem>>)
        } else {
        }
        %eq3A_167 = arith.constant 1 : i32
        %eq3A_168 = arith.cmpi eq, %arg0, %eq3A_167 : i32
        %convert_element_type3A_169 = arith.extui %eq3A_168 : i1 to i32
        %cond3A_170 = arith.constant 2 : i32
        %cond3A_171 = arith.constant 0 : i32
        %cond3A_172 = arith.cmpi ne, %convert_element_type3A_169, %cond3A_171 : i32
        scf.if %cond3A_172 {
          %dma_wait3A_298 = arith.constant 0 : i32
          %dma_wait3A_299 = tpu.memref_slice %arg9[%cond3A_170, %dma_wait3A_298] : memref<8x128xi32, #tpu.memory_space<vmem>> -> memref<1x128xi32, #tpu.memory_space<vmem>>
          %dma_wait3A_300 = tpu.memref_squeeze %dma_wait3A_299 : memref<1x128xi32, #tpu.memory_space<vmem>> -> memref<128xi32, #tpu.memory_space<vmem>>
          %dma_wait3A_301 = arith.constant 0 : i32
          %dma_wait3A_302 = arith.constant 0 : i32
          %dma_wait3A_303 = tpu.memref_slice %arg3[%dma_wait3A_301, %dma_wait3A_302] : memref<51200x32xf32, #tpu.memory_space<hbm>> -> memref<51200x32xf32, #tpu.memory_space<hbm>>
          tpu.wait_indirect_dma semaphore(%arg19 : memref<!tpu.dma_semaphore, #tpu.memory_space<semaphore_mem>>) src(%dma_wait3A_303 : memref<51200x32xf32, #tpu.memory_space<hbm>>) dst(%arg13 : memref<128x32xf32, #tpu.memory_space<vmem>>)
        } else {
        }
        %run_scoped3A_173 = arith.constant 2 : i32
        "tpu.region"() ({
          %run_scoped3A_298 = tpu.sem_alloc : memref<!tpu.dma_semaphore, #tpu.memory_space<semaphore_mem>>
          %dma_start3A_299 = arith.constant 0 : i32
          %dma_start3A_300 = tpu.memref_slice %arg10[%run_scoped3A_173, %dma_start3A_299] : memref<8x128xi32, #tpu.memory_space<vmem>> -> memref<1x128xi32, #tpu.memory_space<vmem>>
          %dma_start3A_301 = tpu.memref_squeeze %dma_start3A_300 : memref<1x128xi32, #tpu.memory_space<vmem>> -> memref<128xi32, #tpu.memory_space<vmem>>
          %dma_start3A_302 = arith.constant 0 : i32
          %dma_start3A_303 = arith.constant 0 : i32
          %dma_start3A_304 = tpu.memref_slice %arg15[%dma_start3A_302, %dma_start3A_303] : memref<51200x32xf32, #tpu.memory_space<vmem_shared>> -> memref<51200x32xf32, #tpu.memory_space<vmem_shared>>
          tpu.enqueue_indirect_dma source(%arg13 : memref<128x32xf32, #tpu.memory_space<vmem>>) target(%dma_start3A_304 : memref<51200x32xf32, #tpu.memory_space<vmem_shared>>) offsets(%dma_start3A_301 : memref<128xi32, #tpu.memory_space<vmem>>) semaphore(%run_scoped3A_298 : memref<!tpu.dma_semaphore, #tpu.memory_space<semaphore_mem>>) {add = true}
          %dma_wait3A_305 = arith.constant 0 : i32
          %dma_wait3A_306 = tpu.memref_slice %arg10[%run_scoped3A_173, %dma_wait3A_305] : memref<8x128xi32, #tpu.memory_space<vmem>> -> memref<1x128xi32, #tpu.memory_space<vmem>>
          %dma_wait3A_307 = tpu.memref_squeeze %dma_wait3A_306 : memref<1x128xi32, #tpu.memory_space<vmem>> -> memref<128xi32, #tpu.memory_space<vmem>>
          %dma_wait3A_308 = arith.constant 0 : i32
          %dma_wait3A_309 = arith.constant 0 : i32
          %dma_wait3A_310 = tpu.memref_slice %arg15[%dma_wait3A_308, %dma_wait3A_309] : memref<51200x32xf32, #tpu.memory_space<vmem_shared>> -> memref<51200x32xf32, #tpu.memory_space<vmem_shared>>
          tpu.wait_indirect_dma semaphore(%run_scoped3A_298 : memref<!tpu.dma_semaphore, #tpu.memory_space<semaphore_mem>>) src(%arg13 : memref<128x32xf32, #tpu.memory_space<vmem>>) dst(%dma_wait3A_310 : memref<51200x32xf32, #tpu.memory_space<vmem_shared>>)
          tpu.yield
        }) : () -> ()
        %eq3A_174 = arith.constant 0 : i32
        %eq3A_175 = arith.cmpi eq, %arg0, %eq3A_174 : i32
        %convert_element_type3A_176 = arith.extui %eq3A_175 : i1 to i32
        %cond3A_177 = arith.constant 6 : i32
        %cond3A_178 = arith.constant 0 : i32
        %cond3A_179 = arith.cmpi ne, %convert_element_type3A_176, %cond3A_178 : i32
        scf.if %cond3A_179 {
          %dma_start3A_298 = arith.constant 0 : i32
          %dma_start3A_299 = tpu.memref_slice %arg9[%cond3A_177, %dma_start3A_298] : memref<8x128xi32, #tpu.memory_space<vmem>> -> memref<1x128xi32, #tpu.memory_space<vmem>>
          %dma_start3A_300 = tpu.memref_squeeze %dma_start3A_299 : memref<1x128xi32, #tpu.memory_space<vmem>> -> memref<128xi32, #tpu.memory_space<vmem>>
          %dma_start3A_301 = arith.constant 0 : i32
          %dma_start3A_302 = arith.constant 0 : i32
          %dma_start3A_303 = tpu.memref_slice %arg2[%dma_start3A_301, %dma_start3A_302] : memref<51200x32xf32, #tpu.memory_space<hbm>> -> memref<51200x32xf32, #tpu.memory_space<hbm>>
          tpu.enqueue_indirect_dma source(%dma_start3A_303 : memref<51200x32xf32, #tpu.memory_space<hbm>>) target(%arg13 : memref<128x32xf32, #tpu.memory_space<vmem>>) offsets(%dma_start3A_300 : memref<128xi32, #tpu.memory_space<vmem>>) semaphore(%arg19 : memref<!tpu.dma_semaphore, #tpu.memory_space<semaphore_mem>>)
        } else {
        }
        %eq3A_180 = arith.constant 1 : i32
        %eq3A_181 = arith.cmpi eq, %arg0, %eq3A_180 : i32
        %convert_element_type3A_182 = arith.extui %eq3A_181 : i1 to i32
        %cond3A_183 = arith.constant 6 : i32
        %cond3A_184 = arith.constant 0 : i32
        %cond3A_185 = arith.cmpi ne, %convert_element_type3A_182, %cond3A_184 : i32
        scf.if %cond3A_185 {
          %dma_start3A_298 = arith.constant 0 : i32
          %dma_start3A_299 = tpu.memref_slice %arg9[%cond3A_183, %dma_start3A_298] : memref<8x128xi32, #tpu.memory_space<vmem>> -> memref<1x128xi32, #tpu.memory_space<vmem>>
          %dma_start3A_300 = tpu.memref_squeeze %dma_start3A_299 : memref<1x128xi32, #tpu.memory_space<vmem>> -> memref<128xi32, #tpu.memory_space<vmem>>
          %dma_start3A_301 = arith.constant 0 : i32
          %dma_start3A_302 = arith.constant 0 : i32
          %dma_start3A_303 = tpu.memref_slice %arg3[%dma_start3A_301, %dma_start3A_302] : memref<51200x32xf32, #tpu.memory_space<hbm>> -> memref<51200x32xf32, #tpu.memory_space<hbm>>
          tpu.enqueue_indirect_dma source(%dma_start3A_303 : memref<51200x32xf32, #tpu.memory_space<hbm>>) target(%arg13 : memref<128x32xf32, #tpu.memory_space<vmem>>) offsets(%dma_start3A_300 : memref<128xi32, #tpu.memory_space<vmem>>) semaphore(%arg19 : memref<!tpu.dma_semaphore, #tpu.memory_space<semaphore_mem>>)
        } else {
        }
        %eq3A_186 = arith.constant 0 : i32
        %eq3A_187 = arith.cmpi eq, %arg0, %eq3A_186 : i32
        %convert_element_type3A_188 = arith.extui %eq3A_187 : i1 to i32
        %cond3A_189 = arith.constant 3 : i32
        %cond3A_190 = arith.constant 0 : i32
        %cond3A_191 = arith.cmpi ne, %convert_element_type3A_188, %cond3A_190 : i32
        scf.if %cond3A_191 {
          %dma_wait3A_298 = arith.constant 0 : i32
          %dma_wait3A_299 = tpu.memref_slice %arg9[%cond3A_189, %dma_wait3A_298] : memref<8x128xi32, #tpu.memory_space<vmem>> -> memref<1x128xi32, #tpu.memory_space<vmem>>
          %dma_wait3A_300 = tpu.memref_squeeze %dma_wait3A_299 : memref<1x128xi32, #tpu.memory_space<vmem>> -> memref<128xi32, #tpu.memory_space<vmem>>
          %dma_wait3A_301 = arith.constant 0 : i32
          %dma_wait3A_302 = arith.constant 0 : i32
          %dma_wait3A_303 = tpu.memref_slice %arg2[%dma_wait3A_301, %dma_wait3A_302] : memref<51200x32xf32, #tpu.memory_space<hbm>> -> memref<51200x32xf32, #tpu.memory_space<hbm>>
          tpu.wait_indirect_dma semaphore(%arg20 : memref<!tpu.dma_semaphore, #tpu.memory_space<semaphore_mem>>) src(%dma_wait3A_303 : memref<51200x32xf32, #tpu.memory_space<hbm>>) dst(%arg14 : memref<128x32xf32, #tpu.memory_space<vmem>>)
        } else {
        }
        %eq3A_192 = arith.constant 1 : i32
        %eq3A_193 = arith.cmpi eq, %arg0, %eq3A_192 : i32
        %convert_element_type3A_194 = arith.extui %eq3A_193 : i1 to i32
        %cond3A_195 = arith.constant 3 : i32
        %cond3A_196 = arith.constant 0 : i32
        %cond3A_197 = arith.cmpi ne, %convert_element_type3A_194, %cond3A_196 : i32
        scf.if %cond3A_197 {
          %dma_wait3A_298 = arith.constant 0 : i32
          %dma_wait3A_299 = tpu.memref_slice %arg9[%cond3A_195, %dma_wait3A_298] : memref<8x128xi32, #tpu.memory_space<vmem>> -> memref<1x128xi32, #tpu.memory_space<vmem>>
          %dma_wait3A_300 = tpu.memref_squeeze %dma_wait3A_299 : memref<1x128xi32, #tpu.memory_space<vmem>> -> memref<128xi32, #tpu.memory_space<vmem>>
          %dma_wait3A_301 = arith.constant 0 : i32
          %dma_wait3A_302 = arith.constant 0 : i32
          %dma_wait3A_303 = tpu.memref_slice %arg3[%dma_wait3A_301, %dma_wait3A_302] : memref<51200x32xf32, #tpu.memory_space<hbm>> -> memref<51200x32xf32, #tpu.memory_space<hbm>>
          tpu.wait_indirect_dma semaphore(%arg20 : memref<!tpu.dma_semaphore, #tpu.memory_space<semaphore_mem>>) src(%dma_wait3A_303 : memref<51200x32xf32, #tpu.memory_space<hbm>>) dst(%arg14 : memref<128x32xf32, #tpu.memory_space<vmem>>)
        } else {
        }
        %run_scoped3A_198 = arith.constant 3 : i32
        "tpu.region"() ({
          %run_scoped3A_298 = tpu.sem_alloc : memref<!tpu.dma_semaphore, #tpu.memory_space<semaphore_mem>>
          %dma_start3A_299 = arith.constant 0 : i32
          %dma_start3A_300 = tpu.memref_slice %arg10[%run_scoped3A_198, %dma_start3A_299] : memref<8x128xi32, #tpu.memory_space<vmem>> -> memref<1x128xi32, #tpu.memory_space<vmem>>
          %dma_start3A_301 = tpu.memref_squeeze %dma_start3A_300 : memref<1x128xi32, #tpu.memory_space<vmem>> -> memref<128xi32, #tpu.memory_space<vmem>>
          %dma_start3A_302 = arith.constant 0 : i32
          %dma_start3A_303 = arith.constant 0 : i32
          %dma_start3A_304 = tpu.memref_slice %arg15[%dma_start3A_302, %dma_start3A_303] : memref<51200x32xf32, #tpu.memory_space<vmem_shared>> -> memref<51200x32xf32, #tpu.memory_space<vmem_shared>>
          tpu.enqueue_indirect_dma source(%arg14 : memref<128x32xf32, #tpu.memory_space<vmem>>) target(%dma_start3A_304 : memref<51200x32xf32, #tpu.memory_space<vmem_shared>>) offsets(%dma_start3A_301 : memref<128xi32, #tpu.memory_space<vmem>>) semaphore(%run_scoped3A_298 : memref<!tpu.dma_semaphore, #tpu.memory_space<semaphore_mem>>) {add = true}
          %dma_wait3A_305 = arith.constant 0 : i32
          %dma_wait3A_306 = tpu.memref_slice %arg10[%run_scoped3A_198, %dma_wait3A_305] : memref<8x128xi32, #tpu.memory_space<vmem>> -> memref<1x128xi32, #tpu.memory_space<vmem>>
          %dma_wait3A_307 = tpu.memref_squeeze %dma_wait3A_306 : memref<1x128xi32, #tpu.memory_space<vmem>> -> memref<128xi32, #tpu.memory_space<vmem>>
          %dma_wait3A_308 = arith.constant 0 : i32
          %dma_wait3A_309 = arith.constant 0 : i32
          %dma_wait3A_310 = tpu.memref_slice %arg15[%dma_wait3A_308, %dma_wait3A_309] : memref<51200x32xf32, #tpu.memory_space<vmem_shared>> -> memref<51200x32xf32, #tpu.memory_space<vmem_shared>>
          tpu.wait_indirect_dma semaphore(%run_scoped3A_298 : memref<!tpu.dma_semaphore, #tpu.memory_space<semaphore_mem>>) src(%arg14 : memref<128x32xf32, #tpu.memory_space<vmem>>) dst(%dma_wait3A_310 : memref<51200x32xf32, #tpu.memory_space<vmem_shared>>)
          tpu.yield
        }) : () -> ()
        %eq3A_199 = arith.constant 0 : i32
        %eq3A_200 = arith.cmpi eq, %arg0, %eq3A_199 : i32
        %convert_element_type3A_201 = arith.extui %eq3A_200 : i1 to i32
        %cond3A_202 = arith.constant 7 : i32
        %cond3A_203 = arith.constant 0 : i32
        %cond3A_204 = arith.cmpi ne, %convert_element_type3A_201, %cond3A_203 : i32
        scf.if %cond3A_204 {
          %dma_start3A_298 = arith.constant 0 : i32
          %dma_start3A_299 = tpu.memref_slice %arg9[%cond3A_202, %dma_start3A_298] : memref<8x128xi32, #tpu.memory_space<vmem>> -> memref<1x128xi32, #tpu.memory_space<vmem>>
          %dma_start3A_300 = tpu.memref_squeeze %dma_start3A_299 : memref<1x128xi32, #tpu.memory_space<vmem>> -> memref<128xi32, #tpu.memory_space<vmem>>
          %dma_start3A_301 = arith.constant 0 : i32
          %dma_start3A_302 = arith.constant 0 : i32
          %dma_start3A_303 = tpu.memref_slice %arg2[%dma_start3A_301, %dma_start3A_302] : memref<51200x32xf32, #tpu.memory_space<hbm>> -> memref<51200x32xf32, #tpu.memory_space<hbm>>
          tpu.enqueue_indirect_dma source(%dma_start3A_303 : memref<51200x32xf32, #tpu.memory_space<hbm>>) target(%arg14 : memref<128x32xf32, #tpu.memory_space<vmem>>) offsets(%dma_start3A_300 : memref<128xi32, #tpu.memory_space<vmem>>) semaphore(%arg20 : memref<!tpu.dma_semaphore, #tpu.memory_space<semaphore_mem>>)
        } else {
        }
        %eq3A_205 = arith.constant 1 : i32
        %eq3A_206 = arith.cmpi eq, %arg0, %eq3A_205 : i32
        %convert_element_type3A_207 = arith.extui %eq3A_206 : i1 to i32
        %cond3A_208 = arith.constant 7 : i32
        %cond3A_209 = arith.constant 0 : i32
        %cond3A_210 = arith.cmpi ne, %convert_element_type3A_207, %cond3A_209 : i32
        scf.if %cond3A_210 {
          %dma_start3A_298 = arith.constant 0 : i32
          %dma_start3A_299 = tpu.memref_slice %arg9[%cond3A_208, %dma_start3A_298] : memref<8x128xi32, #tpu.memory_space<vmem>> -> memref<1x128xi32, #tpu.memory_space<vmem>>
          %dma_start3A_300 = tpu.memref_squeeze %dma_start3A_299 : memref<1x128xi32, #tpu.memory_space<vmem>> -> memref<128xi32, #tpu.memory_space<vmem>>
          %dma_start3A_301 = arith.constant 0 : i32
          %dma_start3A_302 = arith.constant 0 : i32
          %dma_start3A_303 = tpu.memref_slice %arg3[%dma_start3A_301, %dma_start3A_302] : memref<51200x32xf32, #tpu.memory_space<hbm>> -> memref<51200x32xf32, #tpu.memory_space<hbm>>
          tpu.enqueue_indirect_dma source(%dma_start3A_303 : memref<51200x32xf32, #tpu.memory_space<hbm>>) target(%arg14 : memref<128x32xf32, #tpu.memory_space<vmem>>) offsets(%dma_start3A_300 : memref<128xi32, #tpu.memory_space<vmem>>) semaphore(%arg20 : memref<!tpu.dma_semaphore, #tpu.memory_space<semaphore_mem>>)
        } else {
        }
        %add3A_211 = arith.constant 1 : i32
        %add3A_212 = arith.addi %scan3A_90, %add3A_211 : i32
        %lt3A_213 = arith.constant 49 : i32
        %lt3A_214 = arith.cmpi slt, %add3A_212, %lt3A_213 : i32
        %convert_element_type3A_215 = arith.extui %lt3A_214 : i1 to i32
        %cond3A_216 = arith.constant 0 : i32
        %cond3A_217 = arith.cmpi ne, %convert_element_type3A_215, %cond3A_216 : i32
        scf.if %cond3A_217 {
          %add3A_298 = arith.constant 1 : i32
          %add3A_299 = arith.addi %scan3A_90, %add3A_298 : i32
          %mul3A_300 = arith.constant 8 : i32
          %mul3A_301 = arith.muli %add3A_299, %mul3A_300 : i32
          %add3A_302 = arith.addi %mul3A_11, %mul3A_301 : i32
          %dma_wait3A_303 = arith.constant 0 : i32
          %dma_wait3A_304 = tpu.memref_slice %arg4[%add3A_302, %dma_wait3A_303] : memref<6272x128xi32, #tpu.memory_space<hbm>> -> memref<8x128xi32, #tpu.memory_space<hbm>>
          %dma_wait3A_305 = arith.constant 0 : i32
          %dma_wait3A_306 = tpu.memref_slice %arg4[%add3A_302, %dma_wait3A_305] : memref<6272x128xi32, #tpu.memory_space<hbm>> -> memref<8x128xi32, #tpu.memory_space<hbm>>
          tpu.wait_dma2 semaphore(%arg16 : memref<!tpu.dma_semaphore, #tpu.memory_space<semaphore_mem>>) src(%dma_wait3A_306 : memref<8x128xi32, #tpu.memory_space<hbm>>) dst(%arg7 : memref<8x128xi32, #tpu.memory_space<vmem>>)
          %mul3A_307 = arith.constant 8 : i32
          %mul3A_308 = arith.muli %add3A_299, %mul3A_307 : i32
          %add3A_309 = arith.addi %mul3A_11, %mul3A_308 : i32
          %dma_wait3A_310 = arith.constant 0 : i32
          %dma_wait3A_311 = tpu.memref_slice %arg5[%add3A_309, %dma_wait3A_310] : memref<6272x128xi32, #tpu.memory_space<hbm>> -> memref<8x128xi32, #tpu.memory_space<hbm>>
          %dma_wait3A_312 = arith.constant 0 : i32
          %dma_wait3A_313 = tpu.memref_slice %arg5[%add3A_309, %dma_wait3A_312] : memref<6272x128xi32, #tpu.memory_space<hbm>> -> memref<8x128xi32, #tpu.memory_space<hbm>>
          tpu.wait_dma2 semaphore(%arg16 : memref<!tpu.dma_semaphore, #tpu.memory_space<semaphore_mem>>) src(%dma_wait3A_313 : memref<8x128xi32, #tpu.memory_space<hbm>>) dst(%arg8 : memref<8x128xi32, #tpu.memory_space<vmem>>)
        } else {
        }
        %eq3A_218 = arith.constant 0 : i32
        %eq3A_219 = arith.cmpi eq, %arg0, %eq3A_218 : i32
        %convert_element_type3A_220 = arith.extui %eq3A_219 : i1 to i32
        %cond3A_221 = arith.constant 4 : i32
        %cond3A_222 = arith.constant 0 : i32
        %cond3A_223 = arith.cmpi ne, %convert_element_type3A_220, %cond3A_222 : i32
        scf.if %cond3A_223 {
          %dma_wait3A_298 = arith.constant 0 : i32
          %dma_wait3A_299 = tpu.memref_slice %arg9[%cond3A_221, %dma_wait3A_298] : memref<8x128xi32, #tpu.memory_space<vmem>> -> memref<1x128xi32, #tpu.memory_space<vmem>>
          %dma_wait3A_300 = tpu.memref_squeeze %dma_wait3A_299 : memref<1x128xi32, #tpu.memory_space<vmem>> -> memref<128xi32, #tpu.memory_space<vmem>>
          %dma_wait3A_301 = arith.constant 0 : i32
          %dma_wait3A_302 = arith.constant 0 : i32
          %dma_wait3A_303 = tpu.memref_slice %arg2[%dma_wait3A_301, %dma_wait3A_302] : memref<51200x32xf32, #tpu.memory_space<hbm>> -> memref<51200x32xf32, #tpu.memory_space<hbm>>
          tpu.wait_indirect_dma semaphore(%arg17 : memref<!tpu.dma_semaphore, #tpu.memory_space<semaphore_mem>>) src(%dma_wait3A_303 : memref<51200x32xf32, #tpu.memory_space<hbm>>) dst(%arg11 : memref<128x32xf32, #tpu.memory_space<vmem>>)
        } else {
        }
        %eq3A_224 = arith.constant 1 : i32
        %eq3A_225 = arith.cmpi eq, %arg0, %eq3A_224 : i32
        %convert_element_type3A_226 = arith.extui %eq3A_225 : i1 to i32
        %cond3A_227 = arith.constant 4 : i32
        %cond3A_228 = arith.constant 0 : i32
        %cond3A_229 = arith.cmpi ne, %convert_element_type3A_226, %cond3A_228 : i32
        scf.if %cond3A_229 {
          %dma_wait3A_298 = arith.constant 0 : i32
          %dma_wait3A_299 = tpu.memref_slice %arg9[%cond3A_227, %dma_wait3A_298] : memref<8x128xi32, #tpu.memory_space<vmem>> -> memref<1x128xi32, #tpu.memory_space<vmem>>
          %dma_wait3A_300 = tpu.memref_squeeze %dma_wait3A_299 : memref<1x128xi32, #tpu.memory_space<vmem>> -> memref<128xi32, #tpu.memory_space<vmem>>
          %dma_wait3A_301 = arith.constant 0 : i32
          %dma_wait3A_302 = arith.constant 0 : i32
          %dma_wait3A_303 = tpu.memref_slice %arg3[%dma_wait3A_301, %dma_wait3A_302] : memref<51200x32xf32, #tpu.memory_space<hbm>> -> memref<51200x32xf32, #tpu.memory_space<hbm>>
          tpu.wait_indirect_dma semaphore(%arg17 : memref<!tpu.dma_semaphore, #tpu.memory_space<semaphore_mem>>) src(%dma_wait3A_303 : memref<51200x32xf32, #tpu.memory_space<hbm>>) dst(%arg11 : memref<128x32xf32, #tpu.memory_space<vmem>>)
        } else {
        }
        %run_scoped3A_230 = arith.constant 4 : i32
        "tpu.region"() ({
          %run_scoped3A_298 = tpu.sem_alloc : memref<!tpu.dma_semaphore, #tpu.memory_space<semaphore_mem>>
          %dma_start3A_299 = arith.constant 0 : i32
          %dma_start3A_300 = tpu.memref_slice %arg10[%run_scoped3A_230, %dma_start3A_299] : memref<8x128xi32, #tpu.memory_space<vmem>> -> memref<1x128xi32, #tpu.memory_space<vmem>>
          %dma_start3A_301 = tpu.memref_squeeze %dma_start3A_300 : memref<1x128xi32, #tpu.memory_space<vmem>> -> memref<128xi32, #tpu.memory_space<vmem>>
          %dma_start3A_302 = arith.constant 0 : i32
          %dma_start3A_303 = arith.constant 0 : i32
          %dma_start3A_304 = tpu.memref_slice %arg15[%dma_start3A_302, %dma_start3A_303] : memref<51200x32xf32, #tpu.memory_space<vmem_shared>> -> memref<51200x32xf32, #tpu.memory_space<vmem_shared>>
          tpu.enqueue_indirect_dma source(%arg11 : memref<128x32xf32, #tpu.memory_space<vmem>>) target(%dma_start3A_304 : memref<51200x32xf32, #tpu.memory_space<vmem_shared>>) offsets(%dma_start3A_301 : memref<128xi32, #tpu.memory_space<vmem>>) semaphore(%run_scoped3A_298 : memref<!tpu.dma_semaphore, #tpu.memory_space<semaphore_mem>>) {add = true}
          %dma_wait3A_305 = arith.constant 0 : i32
          %dma_wait3A_306 = tpu.memref_slice %arg10[%run_scoped3A_230, %dma_wait3A_305] : memref<8x128xi32, #tpu.memory_space<vmem>> -> memref<1x128xi32, #tpu.memory_space<vmem>>
          %dma_wait3A_307 = tpu.memref_squeeze %dma_wait3A_306 : memref<1x128xi32, #tpu.memory_space<vmem>> -> memref<128xi32, #tpu.memory_space<vmem>>
          %dma_wait3A_308 = arith.constant 0 : i32
          %dma_wait3A_309 = arith.constant 0 : i32
          %dma_wait3A_310 = tpu.memref_slice %arg15[%dma_wait3A_308, %dma_wait3A_309] : memref<51200x32xf32, #tpu.memory_space<vmem_shared>> -> memref<51200x32xf32, #tpu.memory_space<vmem_shared>>
          tpu.wait_indirect_dma semaphore(%run_scoped3A_298 : memref<!tpu.dma_semaphore, #tpu.memory_space<semaphore_mem>>) src(%arg11 : memref<128x32xf32, #tpu.memory_space<vmem>>) dst(%dma_wait3A_310 : memref<51200x32xf32, #tpu.memory_space<vmem_shared>>)
          tpu.yield
        }) : () -> ()
        %add3A_231 = arith.constant 1 : i32
        %add3A_232 = arith.addi %scan3A_90, %add3A_231 : i32
        %lt3A_233 = arith.constant 49 : i32
        %lt3A_234 = arith.cmpi slt, %add3A_232, %lt3A_233 : i32
        %convert_element_type3A_235 = arith.extui %lt3A_234 : i1 to i32
        %cond3A_236 = arith.constant 0 : i32
        %cond3A_237 = arith.cmpi ne, %convert_element_type3A_235, %cond3A_236 : i32
        scf.if %cond3A_237 {
          %eq3A_298 = arith.constant 0 : i32
          %eq3A_299 = arith.cmpi eq, %arg0, %eq3A_298 : i32
          %convert_element_type3A_300 = arith.extui %eq3A_299 : i1 to i32
          %cond3A_301 = arith.constant 0 : i32
          %cond3A_302 = arith.constant 0 : i32
          %cond3A_303 = arith.cmpi ne, %convert_element_type3A_300, %cond3A_302 : i32
          scf.if %cond3A_303 {
            %dma_start3A_310 = arith.constant 0 : i32
            %dma_start3A_311 = tpu.memref_slice %arg7[%cond3A_301, %dma_start3A_310] : memref<8x128xi32, #tpu.memory_space<vmem>> -> memref<1x128xi32, #tpu.memory_space<vmem>>
            %dma_start3A_312 = tpu.memref_squeeze %dma_start3A_311 : memref<1x128xi32, #tpu.memory_space<vmem>> -> memref<128xi32, #tpu.memory_space<vmem>>
            %dma_start3A_313 = arith.constant 0 : i32
            %dma_start3A_314 = arith.constant 0 : i32
            %dma_start3A_315 = tpu.memref_slice %arg2[%dma_start3A_313, %dma_start3A_314] : memref<51200x32xf32, #tpu.memory_space<hbm>> -> memref<51200x32xf32, #tpu.memory_space<hbm>>
            tpu.enqueue_indirect_dma source(%dma_start3A_315 : memref<51200x32xf32, #tpu.memory_space<hbm>>) target(%arg11 : memref<128x32xf32, #tpu.memory_space<vmem>>) offsets(%dma_start3A_312 : memref<128xi32, #tpu.memory_space<vmem>>) semaphore(%arg17 : memref<!tpu.dma_semaphore, #tpu.memory_space<semaphore_mem>>)
          } else {
          }
          %eq3A_304 = arith.constant 1 : i32
          %eq3A_305 = arith.cmpi eq, %arg0, %eq3A_304 : i32
          %convert_element_type3A_306 = arith.extui %eq3A_305 : i1 to i32
          %cond3A_307 = arith.constant 0 : i32
          %cond3A_308 = arith.constant 0 : i32
          %cond3A_309 = arith.cmpi ne, %convert_element_type3A_306, %cond3A_308 : i32
          scf.if %cond3A_309 {
            %dma_start3A_310 = arith.constant 0 : i32
            %dma_start3A_311 = tpu.memref_slice %arg7[%cond3A_307, %dma_start3A_310] : memref<8x128xi32, #tpu.memory_space<vmem>> -> memref<1x128xi32, #tpu.memory_space<vmem>>
            %dma_start3A_312 = tpu.memref_squeeze %dma_start3A_311 : memref<1x128xi32, #tpu.memory_space<vmem>> -> memref<128xi32, #tpu.memory_space<vmem>>
            %dma_start3A_313 = arith.constant 0 : i32
            %dma_start3A_314 = arith.constant 0 : i32
            %dma_start3A_315 = tpu.memref_slice %arg3[%dma_start3A_313, %dma_start3A_314] : memref<51200x32xf32, #tpu.memory_space<hbm>> -> memref<51200x32xf32, #tpu.memory_space<hbm>>
            tpu.enqueue_indirect_dma source(%dma_start3A_315 : memref<51200x32xf32, #tpu.memory_space<hbm>>) target(%arg11 : memref<128x32xf32, #tpu.memory_space<vmem>>) offsets(%dma_start3A_312 : memref<128xi32, #tpu.memory_space<vmem>>) semaphore(%arg17 : memref<!tpu.dma_semaphore, #tpu.memory_space<semaphore_mem>>)
          } else {
          }
        } else {
        }
        %eq3A_238 = arith.constant 0 : i32
        %eq3A_239 = arith.cmpi eq, %arg0, %eq3A_238 : i32
        %convert_element_type3A_240 = arith.extui %eq3A_239 : i1 to i32
        %cond3A_241 = arith.constant 5 : i32
        %cond3A_242 = arith.constant 0 : i32
        %cond3A_243 = arith.cmpi ne, %convert_element_type3A_240, %cond3A_242 : i32
        scf.if %cond3A_243 {
          %dma_wait3A_298 = arith.constant 0 : i32
          %dma_wait3A_299 = tpu.memref_slice %arg9[%cond3A_241, %dma_wait3A_298] : memref<8x128xi32, #tpu.memory_space<vmem>> -> memref<1x128xi32, #tpu.memory_space<vmem>>
          %dma_wait3A_300 = tpu.memref_squeeze %dma_wait3A_299 : memref<1x128xi32, #tpu.memory_space<vmem>> -> memref<128xi32, #tpu.memory_space<vmem>>
          %dma_wait3A_301 = arith.constant 0 : i32
          %dma_wait3A_302 = arith.constant 0 : i32
          %dma_wait3A_303 = tpu.memref_slice %arg2[%dma_wait3A_301, %dma_wait3A_302] : memref<51200x32xf32, #tpu.memory_space<hbm>> -> memref<51200x32xf32, #tpu.memory_space<hbm>>
          tpu.wait_indirect_dma semaphore(%arg18 : memref<!tpu.dma_semaphore, #tpu.memory_space<semaphore_mem>>) src(%dma_wait3A_303 : memref<51200x32xf32, #tpu.memory_space<hbm>>) dst(%arg12 : memref<128x32xf32, #tpu.memory_space<vmem>>)
        } else {
        }
        %eq3A_244 = arith.constant 1 : i32
        %eq3A_245 = arith.cmpi eq, %arg0, %eq3A_244 : i32
        %convert_element_type3A_246 = arith.extui %eq3A_245 : i1 to i32
        %cond3A_247 = arith.constant 5 : i32
        %cond3A_248 = arith.constant 0 : i32
        %cond3A_249 = arith.cmpi ne, %convert_element_type3A_246, %cond3A_248 : i32
        scf.if %cond3A_249 {
          %dma_wait3A_298 = arith.constant 0 : i32
          %dma_wait3A_299 = tpu.memref_slice %arg9[%cond3A_247, %dma_wait3A_298] : memref<8x128xi32, #tpu.memory_space<vmem>> -> memref<1x128xi32, #tpu.memory_space<vmem>>
          %dma_wait3A_300 = tpu.memref_squeeze %dma_wait3A_299 : memref<1x128xi32, #tpu.memory_space<vmem>> -> memref<128xi32, #tpu.memory_space<vmem>>
          %dma_wait3A_301 = arith.constant 0 : i32
          %dma_wait3A_302 = arith.constant 0 : i32
          %dma_wait3A_303 = tpu.memref_slice %arg3[%dma_wait3A_301, %dma_wait3A_302] : memref<51200x32xf32, #tpu.memory_space<hbm>> -> memref<51200x32xf32, #tpu.memory_space<hbm>>
          tpu.wait_indirect_dma semaphore(%arg18 : memref<!tpu.dma_semaphore, #tpu.memory_space<semaphore_mem>>) src(%dma_wait3A_303 : memref<51200x32xf32, #tpu.memory_space<hbm>>) dst(%arg12 : memref<128x32xf32, #tpu.memory_space<vmem>>)
        } else {
        }
        %run_scoped3A_250 = arith.constant 5 : i32
        "tpu.region"() ({
          %run_scoped3A_298 = tpu.sem_alloc : memref<!tpu.dma_semaphore, #tpu.memory_space<semaphore_mem>>
          %dma_start3A_299 = arith.constant 0 : i32
          %dma_start3A_300 = tpu.memref_slice %arg10[%run_scoped3A_250, %dma_start3A_299] : memref<8x128xi32, #tpu.memory_space<vmem>> -> memref<1x128xi32, #tpu.memory_space<vmem>>
          %dma_start3A_301 = tpu.memref_squeeze %dma_start3A_300 : memref<1x128xi32, #tpu.memory_space<vmem>> -> memref<128xi32, #tpu.memory_space<vmem>>
          %dma_start3A_302 = arith.constant 0 : i32
          %dma_start3A_303 = arith.constant 0 : i32
          %dma_start3A_304 = tpu.memref_slice %arg15[%dma_start3A_302, %dma_start3A_303] : memref<51200x32xf32, #tpu.memory_space<vmem_shared>> -> memref<51200x32xf32, #tpu.memory_space<vmem_shared>>
          tpu.enqueue_indirect_dma source(%arg12 : memref<128x32xf32, #tpu.memory_space<vmem>>) target(%dma_start3A_304 : memref<51200x32xf32, #tpu.memory_space<vmem_shared>>) offsets(%dma_start3A_301 : memref<128xi32, #tpu.memory_space<vmem>>) semaphore(%run_scoped3A_298 : memref<!tpu.dma_semaphore, #tpu.memory_space<semaphore_mem>>) {add = true}
          %dma_wait3A_305 = arith.constant 0 : i32
          %dma_wait3A_306 = tpu.memref_slice %arg10[%run_scoped3A_250, %dma_wait3A_305] : memref<8x128xi32, #tpu.memory_space<vmem>> -> memref<1x128xi32, #tpu.memory_space<vmem>>
          %dma_wait3A_307 = tpu.memref_squeeze %dma_wait3A_306 : memref<1x128xi32, #tpu.memory_space<vmem>> -> memref<128xi32, #tpu.memory_space<vmem>>
          %dma_wait3A_308 = arith.constant 0 : i32
          %dma_wait3A_309 = arith.constant 0 : i32
          %dma_wait3A_310 = tpu.memref_slice %arg15[%dma_wait3A_308, %dma_wait3A_309] : memref<51200x32xf32, #tpu.memory_space<vmem_shared>> -> memref<51200x32xf32, #tpu.memory_space<vmem_shared>>
          tpu.wait_indirect_dma semaphore(%run_scoped3A_298 : memref<!tpu.dma_semaphore, #tpu.memory_space<semaphore_mem>>) src(%arg12 : memref<128x32xf32, #tpu.memory_space<vmem>>) dst(%dma_wait3A_310 : memref<51200x32xf32, #tpu.memory_space<vmem_shared>>)
          tpu.yield
        }) : () -> ()
        %add3A_251 = arith.constant 1 : i32
        %add3A_252 = arith.addi %scan3A_90, %add3A_251 : i32
        %lt3A_253 = arith.constant 49 : i32
        %lt3A_254 = arith.cmpi slt, %add3A_252, %lt3A_253 : i32
        %convert_element_type3A_255 = arith.extui %lt3A_254 : i1 to i32
        %cond3A_256 = arith.constant 0 : i32
        %cond3A_257 = arith.cmpi ne, %convert_element_type3A_255, %cond3A_256 : i32
        scf.if %cond3A_257 {
          %eq3A_298 = arith.constant 0 : i32
          %eq3A_299 = arith.cmpi eq, %arg0, %eq3A_298 : i32
          %convert_element_type3A_300 = arith.extui %eq3A_299 : i1 to i32
          %cond3A_301 = arith.constant 1 : i32
          %cond3A_302 = arith.constant 0 : i32
          %cond3A_303 = arith.cmpi ne, %convert_element_type3A_300, %cond3A_302 : i32
          scf.if %cond3A_303 {
            %dma_start3A_310 = arith.constant 0 : i32
            %dma_start3A_311 = tpu.memref_slice %arg7[%cond3A_301, %dma_start3A_310] : memref<8x128xi32, #tpu.memory_space<vmem>> -> memref<1x128xi32, #tpu.memory_space<vmem>>
            %dma_start3A_312 = tpu.memref_squeeze %dma_start3A_311 : memref<1x128xi32, #tpu.memory_space<vmem>> -> memref<128xi32, #tpu.memory_space<vmem>>
            %dma_start3A_313 = arith.constant 0 : i32
            %dma_start3A_314 = arith.constant 0 : i32
            %dma_start3A_315 = tpu.memref_slice %arg2[%dma_start3A_313, %dma_start3A_314] : memref<51200x32xf32, #tpu.memory_space<hbm>> -> memref<51200x32xf32, #tpu.memory_space<hbm>>
            tpu.enqueue_indirect_dma source(%dma_start3A_315 : memref<51200x32xf32, #tpu.memory_space<hbm>>) target(%arg12 : memref<128x32xf32, #tpu.memory_space<vmem>>) offsets(%dma_start3A_312 : memref<128xi32, #tpu.memory_space<vmem>>) semaphore(%arg18 : memref<!tpu.dma_semaphore, #tpu.memory_space<semaphore_mem>>)
          } else {
          }
          %eq3A_304 = arith.constant 1 : i32
          %eq3A_305 = arith.cmpi eq, %arg0, %eq3A_304 : i32
          %convert_element_type3A_306 = arith.extui %eq3A_305 : i1 to i32
          %cond3A_307 = arith.constant 1 : i32
          %cond3A_308 = arith.constant 0 : i32
          %cond3A_309 = arith.cmpi ne, %convert_element_type3A_306, %cond3A_308 : i32
          scf.if %cond3A_309 {
            %dma_start3A_310 = arith.constant 0 : i32
            %dma_start3A_311 = tpu.memref_slice %arg7[%cond3A_307, %dma_start3A_310] : memref<8x128xi32, #tpu.memory_space<vmem>> -> memref<1x128xi32, #tpu.memory_space<vmem>>
            %dma_start3A_312 = tpu.memref_squeeze %dma_start3A_311 : memref<1x128xi32, #tpu.memory_space<vmem>> -> memref<128xi32, #tpu.memory_space<vmem>>
            %dma_start3A_313 = arith.constant 0 : i32
            %dma_start3A_314 = arith.constant 0 : i32
            %dma_start3A_315 = tpu.memref_slice %arg3[%dma_start3A_313, %dma_start3A_314] : memref<51200x32xf32, #tpu.memory_space<hbm>> -> memref<51200x32xf32, #tpu.memory_space<hbm>>
            tpu.enqueue_indirect_dma source(%dma_start3A_315 : memref<51200x32xf32, #tpu.memory_space<hbm>>) target(%arg12 : memref<128x32xf32, #tpu.memory_space<vmem>>) offsets(%dma_start3A_312 : memref<128xi32, #tpu.memory_space<vmem>>) semaphore(%arg18 : memref<!tpu.dma_semaphore, #tpu.memory_space<semaphore_mem>>)
          } else {
          }
        } else {
        }
        %eq3A_258 = arith.constant 0 : i32
        %eq3A_259 = arith.cmpi eq, %arg0, %eq3A_258 : i32
        %convert_element_type3A_260 = arith.extui %eq3A_259 : i1 to i32
        %cond3A_261 = arith.constant 6 : i32
        %cond3A_262 = arith.constant 0 : i32
        %cond3A_263 = arith.cmpi ne, %convert_element_type3A_260, %cond3A_262 : i32
        scf.if %cond3A_263 {
          %dma_wait3A_298 = arith.constant 0 : i32
          %dma_wait3A_299 = tpu.memref_slice %arg9[%cond3A_261, %dma_wait3A_298] : memref<8x128xi32, #tpu.memory_space<vmem>> -> memref<1x128xi32, #tpu.memory_space<vmem>>
          %dma_wait3A_300 = tpu.memref_squeeze %dma_wait3A_299 : memref<1x128xi32, #tpu.memory_space<vmem>> -> memref<128xi32, #tpu.memory_space<vmem>>
          %dma_wait3A_301 = arith.constant 0 : i32
          %dma_wait3A_302 = arith.constant 0 : i32
          %dma_wait3A_303 = tpu.memref_slice %arg2[%dma_wait3A_301, %dma_wait3A_302] : memref<51200x32xf32, #tpu.memory_space<hbm>> -> memref<51200x32xf32, #tpu.memory_space<hbm>>
          tpu.wait_indirect_dma semaphore(%arg19 : memref<!tpu.dma_semaphore, #tpu.memory_space<semaphore_mem>>) src(%dma_wait3A_303 : memref<51200x32xf32, #tpu.memory_space<hbm>>) dst(%arg13 : memref<128x32xf32, #tpu.memory_space<vmem>>)
        } else {
        }
        %eq3A_264 = arith.constant 1 : i32
        %eq3A_265 = arith.cmpi eq, %arg0, %eq3A_264 : i32
        %convert_element_type3A_266 = arith.extui %eq3A_265 : i1 to i32
        %cond3A_267 = arith.constant 6 : i32
        %cond3A_268 = arith.constant 0 : i32
        %cond3A_269 = arith.cmpi ne, %convert_element_type3A_266, %cond3A_268 : i32
        scf.if %cond3A_269 {
          %dma_wait3A_298 = arith.constant 0 : i32
          %dma_wait3A_299 = tpu.memref_slice %arg9[%cond3A_267, %dma_wait3A_298] : memref<8x128xi32, #tpu.memory_space<vmem>> -> memref<1x128xi32, #tpu.memory_space<vmem>>
          %dma_wait3A_300 = tpu.memref_squeeze %dma_wait3A_299 : memref<1x128xi32, #tpu.memory_space<vmem>> -> memref<128xi32, #tpu.memory_space<vmem>>
          %dma_wait3A_301 = arith.constant 0 : i32
          %dma_wait3A_302 = arith.constant 0 : i32
          %dma_wait3A_303 = tpu.memref_slice %arg3[%dma_wait3A_301, %dma_wait3A_302] : memref<51200x32xf32, #tpu.memory_space<hbm>> -> memref<51200x32xf32, #tpu.memory_space<hbm>>
          tpu.wait_indirect_dma semaphore(%arg19 : memref<!tpu.dma_semaphore, #tpu.memory_space<semaphore_mem>>) src(%dma_wait3A_303 : memref<51200x32xf32, #tpu.memory_space<hbm>>) dst(%arg13 : memref<128x32xf32, #tpu.memory_space<vmem>>)
        } else {
        }
        %run_scoped3A_270 = arith.constant 6 : i32
        "tpu.region"() ({
          %run_scoped3A_298 = tpu.sem_alloc : memref<!tpu.dma_semaphore, #tpu.memory_space<semaphore_mem>>
          %dma_start3A_299 = arith.constant 0 : i32
          %dma_start3A_300 = tpu.memref_slice %arg10[%run_scoped3A_270, %dma_start3A_299] : memref<8x128xi32, #tpu.memory_space<vmem>> -> memref<1x128xi32, #tpu.memory_space<vmem>>
          %dma_start3A_301 = tpu.memref_squeeze %dma_start3A_300 : memref<1x128xi32, #tpu.memory_space<vmem>> -> memref<128xi32, #tpu.memory_space<vmem>>
          %dma_start3A_302 = arith.constant 0 : i32
          %dma_start3A_303 = arith.constant 0 : i32
          %dma_start3A_304 = tpu.memref_slice %arg15[%dma_start3A_302, %dma_start3A_303] : memref<51200x32xf32, #tpu.memory_space<vmem_shared>> -> memref<51200x32xf32, #tpu.memory_space<vmem_shared>>
          tpu.enqueue_indirect_dma source(%arg13 : memref<128x32xf32, #tpu.memory_space<vmem>>) target(%dma_start3A_304 : memref<51200x32xf32, #tpu.memory_space<vmem_shared>>) offsets(%dma_start3A_301 : memref<128xi32, #tpu.memory_space<vmem>>) semaphore(%run_scoped3A_298 : memref<!tpu.dma_semaphore, #tpu.memory_space<semaphore_mem>>) {add = true}
          %dma_wait3A_305 = arith.constant 0 : i32
          %dma_wait3A_306 = tpu.memref_slice %arg10[%run_scoped3A_270, %dma_wait3A_305] : memref<8x128xi32, #tpu.memory_space<vmem>> -> memref<1x128xi32, #tpu.memory_space<vmem>>
          %dma_wait3A_307 = tpu.memref_squeeze %dma_wait3A_306 : memref<1x128xi32, #tpu.memory_space<vmem>> -> memref<128xi32, #tpu.memory_space<vmem>>
          %dma_wait3A_308 = arith.constant 0 : i32
          %dma_wait3A_309 = arith.constant 0 : i32
          %dma_wait3A_310 = tpu.memref_slice %arg15[%dma_wait3A_308, %dma_wait3A_309] : memref<51200x32xf32, #tpu.memory_space<vmem_shared>> -> memref<51200x32xf32, #tpu.memory_space<vmem_shared>>
          tpu.wait_indirect_dma semaphore(%run_scoped3A_298 : memref<!tpu.dma_semaphore, #tpu.memory_space<semaphore_mem>>) src(%arg13 : memref<128x32xf32, #tpu.memory_space<vmem>>) dst(%dma_wait3A_310 : memref<51200x32xf32, #tpu.memory_space<vmem_shared>>)
          tpu.yield
        }) : () -> ()
        %add3A_271 = arith.constant 1 : i32
        %add3A_272 = arith.addi %scan3A_90, %add3A_271 : i32
        %lt3A_273 = arith.constant 49 : i32
        %lt3A_274 = arith.cmpi slt, %add3A_272, %lt3A_273 : i32
        %convert_element_type3A_275 = arith.extui %lt3A_274 : i1 to i32
        %cond3A_276 = arith.constant 0 : i32
        %cond3A_277 = arith.cmpi ne, %convert_element_type3A_275, %cond3A_276 : i32
        scf.if %cond3A_277 {
          %eq3A_298 = arith.constant 0 : i32
          %eq3A_299 = arith.cmpi eq, %arg0, %eq3A_298 : i32
          %convert_element_type3A_300 = arith.extui %eq3A_299 : i1 to i32
          %cond3A_301 = arith.constant 2 : i32
          %cond3A_302 = arith.constant 0 : i32
          %cond3A_303 = arith.cmpi ne, %convert_element_type3A_300, %cond3A_302 : i32
          scf.if %cond3A_303 {
            %dma_start3A_310 = arith.constant 0 : i32
            %dma_start3A_311 = tpu.memref_slice %arg7[%cond3A_301, %dma_start3A_310] : memref<8x128xi32, #tpu.memory_space<vmem>> -> memref<1x128xi32, #tpu.memory_space<vmem>>
            %dma_start3A_312 = tpu.memref_squeeze %dma_start3A_311 : memref<1x128xi32, #tpu.memory_space<vmem>> -> memref<128xi32, #tpu.memory_space<vmem>>
            %dma_start3A_313 = arith.constant 0 : i32
            %dma_start3A_314 = arith.constant 0 : i32
            %dma_start3A_315 = tpu.memref_slice %arg2[%dma_start3A_313, %dma_start3A_314] : memref<51200x32xf32, #tpu.memory_space<hbm>> -> memref<51200x32xf32, #tpu.memory_space<hbm>>
            tpu.enqueue_indirect_dma source(%dma_start3A_315 : memref<51200x32xf32, #tpu.memory_space<hbm>>) target(%arg13 : memref<128x32xf32, #tpu.memory_space<vmem>>) offsets(%dma_start3A_312 : memref<128xi32, #tpu.memory_space<vmem>>) semaphore(%arg19 : memref<!tpu.dma_semaphore, #tpu.memory_space<semaphore_mem>>)
          } else {
          }
          %eq3A_304 = arith.constant 1 : i32
          %eq3A_305 = arith.cmpi eq, %arg0, %eq3A_304 : i32
          %convert_element_type3A_306 = arith.extui %eq3A_305 : i1 to i32
          %cond3A_307 = arith.constant 2 : i32
          %cond3A_308 = arith.constant 0 : i32
          %cond3A_309 = arith.cmpi ne, %convert_element_type3A_306, %cond3A_308 : i32
          scf.if %cond3A_309 {
            %dma_start3A_310 = arith.constant 0 : i32
            %dma_start3A_311 = tpu.memref_slice %arg7[%cond3A_307, %dma_start3A_310] : memref<8x128xi32, #tpu.memory_space<vmem>> -> memref<1x128xi32, #tpu.memory_space<vmem>>
            %dma_start3A_312 = tpu.memref_squeeze %dma_start3A_311 : memref<1x128xi32, #tpu.memory_space<vmem>> -> memref<128xi32, #tpu.memory_space<vmem>>
            %dma_start3A_313 = arith.constant 0 : i32
            %dma_start3A_314 = arith.constant 0 : i32
            %dma_start3A_315 = tpu.memref_slice %arg3[%dma_start3A_313, %dma_start3A_314] : memref<51200x32xf32, #tpu.memory_space<hbm>> -> memref<51200x32xf32, #tpu.memory_space<hbm>>
            tpu.enqueue_indirect_dma source(%dma_start3A_315 : memref<51200x32xf32, #tpu.memory_space<hbm>>) target(%arg13 : memref<128x32xf32, #tpu.memory_space<vmem>>) offsets(%dma_start3A_312 : memref<128xi32, #tpu.memory_space<vmem>>) semaphore(%arg19 : memref<!tpu.dma_semaphore, #tpu.memory_space<semaphore_mem>>)
          } else {
          }
        } else {
        }
        %eq3A_278 = arith.constant 0 : i32
        %eq3A_279 = arith.cmpi eq, %arg0, %eq3A_278 : i32
        %convert_element_type3A_280 = arith.extui %eq3A_279 : i1 to i32
        %cond3A_281 = arith.constant 7 : i32
        %cond3A_282 = arith.constant 0 : i32
        %cond3A_283 = arith.cmpi ne, %convert_element_type3A_280, %cond3A_282 : i32
        scf.if %cond3A_283 {
          %dma_wait3A_298 = arith.constant 0 : i32
          %dma_wait3A_299 = tpu.memref_slice %arg9[%cond3A_281, %dma_wait3A_298] : memref<8x128xi32, #tpu.memory_space<vmem>> -> memref<1x128xi32, #tpu.memory_space<vmem>>
          %dma_wait3A_300 = tpu.memref_squeeze %dma_wait3A_299 : memref<1x128xi32, #tpu.memory_space<vmem>> -> memref<128xi32, #tpu.memory_space<vmem>>
          %dma_wait3A_301 = arith.constant 0 : i32
          %dma_wait3A_302 = arith.constant 0 : i32
          %dma_wait3A_303 = tpu.memref_slice %arg2[%dma_wait3A_301, %dma_wait3A_302] : memref<51200x32xf32, #tpu.memory_space<hbm>> -> memref<51200x32xf32, #tpu.memory_space<hbm>>
          tpu.wait_indirect_dma semaphore(%arg20 : memref<!tpu.dma_semaphore, #tpu.memory_space<semaphore_mem>>) src(%dma_wait3A_303 : memref<51200x32xf32, #tpu.memory_space<hbm>>) dst(%arg14 : memref<128x32xf32, #tpu.memory_space<vmem>>)
        } else {
        }
        %eq3A_284 = arith.constant 1 : i32
        %eq3A_285 = arith.cmpi eq, %arg0, %eq3A_284 : i32
        %convert_element_type3A_286 = arith.extui %eq3A_285 : i1 to i32
        %cond3A_287 = arith.constant 7 : i32
        %cond3A_288 = arith.constant 0 : i32
        %cond3A_289 = arith.cmpi ne, %convert_element_type3A_286, %cond3A_288 : i32
        scf.if %cond3A_289 {
          %dma_wait3A_298 = arith.constant 0 : i32
          %dma_wait3A_299 = tpu.memref_slice %arg9[%cond3A_287, %dma_wait3A_298] : memref<8x128xi32, #tpu.memory_space<vmem>> -> memref<1x128xi32, #tpu.memory_space<vmem>>
          %dma_wait3A_300 = tpu.memref_squeeze %dma_wait3A_299 : memref<1x128xi32, #tpu.memory_space<vmem>> -> memref<128xi32, #tpu.memory_space<vmem>>
          %dma_wait3A_301 = arith.constant 0 : i32
          %dma_wait3A_302 = arith.constant 0 : i32
          %dma_wait3A_303 = tpu.memref_slice %arg3[%dma_wait3A_301, %dma_wait3A_302] : memref<51200x32xf32, #tpu.memory_space<hbm>> -> memref<51200x32xf32, #tpu.memory_space<hbm>>
          tpu.wait_indirect_dma semaphore(%arg20 : memref<!tpu.dma_semaphore, #tpu.memory_space<semaphore_mem>>) src(%dma_wait3A_303 : memref<51200x32xf32, #tpu.memory_space<hbm>>) dst(%arg14 : memref<128x32xf32, #tpu.memory_space<vmem>>)
        } else {
        }
        %run_scoped3A_290 = arith.constant 7 : i32
        "tpu.region"() ({
          %run_scoped3A_298 = tpu.sem_alloc : memref<!tpu.dma_semaphore, #tpu.memory_space<semaphore_mem>>
          %dma_start3A_299 = arith.constant 0 : i32
          %dma_start3A_300 = tpu.memref_slice %arg10[%run_scoped3A_290, %dma_start3A_299] : memref<8x128xi32, #tpu.memory_space<vmem>> -> memref<1x128xi32, #tpu.memory_space<vmem>>
          %dma_start3A_301 = tpu.memref_squeeze %dma_start3A_300 : memref<1x128xi32, #tpu.memory_space<vmem>> -> memref<128xi32, #tpu.memory_space<vmem>>
          %dma_start3A_302 = arith.constant 0 : i32
          %dma_start3A_303 = arith.constant 0 : i32
          %dma_start3A_304 = tpu.memref_slice %arg15[%dma_start3A_302, %dma_start3A_303] : memref<51200x32xf32, #tpu.memory_space<vmem_shared>> -> memref<51200x32xf32, #tpu.memory_space<vmem_shared>>
          tpu.enqueue_indirect_dma source(%arg14 : memref<128x32xf32, #tpu.memory_space<vmem>>) target(%dma_start3A_304 : memref<51200x32xf32, #tpu.memory_space<vmem_shared>>) offsets(%dma_start3A_301 : memref<128xi32, #tpu.memory_space<vmem>>) semaphore(%run_scoped3A_298 : memref<!tpu.dma_semaphore, #tpu.memory_space<semaphore_mem>>) {add = true}
          %dma_wait3A_305 = arith.constant 0 : i32
          %dma_wait3A_306 = tpu.memref_slice %arg10[%run_scoped3A_290, %dma_wait3A_305] : memref<8x128xi32, #tpu.memory_space<vmem>> -> memref<1x128xi32, #tpu.memory_space<vmem>>
          %dma_wait3A_307 = tpu.memref_squeeze %dma_wait3A_306 : memref<1x128xi32, #tpu.memory_space<vmem>> -> memref<128xi32, #tpu.memory_space<vmem>>
          %dma_wait3A_308 = arith.constant 0 : i32
          %dma_wait3A_309 = arith.constant 0 : i32
          %dma_wait3A_310 = tpu.memref_slice %arg15[%dma_wait3A_308, %dma_wait3A_309] : memref<51200x32xf32, #tpu.memory_space<vmem_shared>> -> memref<51200x32xf32, #tpu.memory_space<vmem_shared>>
          tpu.wait_indirect_dma semaphore(%run_scoped3A_298 : memref<!tpu.dma_semaphore, #tpu.memory_space<semaphore_mem>>) src(%arg14 : memref<128x32xf32, #tpu.memory_space<vmem>>) dst(%dma_wait3A_310 : memref<51200x32xf32, #tpu.memory_space<vmem_shared>>)
          tpu.yield
        }) : () -> ()
        %add3A_291 = arith.constant 1 : i32
        %add3A_292 = arith.addi %scan3A_90, %add3A_291 : i32
        %lt3A_293 = arith.constant 49 : i32
        %lt3A_294 = arith.cmpi slt, %add3A_292, %lt3A_293 : i32
        %convert_element_type3A_295 = arith.extui %lt3A_294 : i1 to i32
        %cond3A_296 = arith.constant 0 : i32
        %cond3A_297 = arith.cmpi ne, %convert_element_type3A_295, %cond3A_296 : i32
        scf.if %cond3A_297 {
          %eq3A_298 = arith.constant 0 : i32
          %eq3A_299 = arith.cmpi eq, %arg0, %eq3A_298 : i32
          %convert_element_type3A_300 = arith.extui %eq3A_299 : i1 to i32
          %cond3A_301 = arith.constant 3 : i32
          %cond3A_302 = arith.constant 0 : i32
          %cond3A_303 = arith.cmpi ne, %convert_element_type3A_300, %cond3A_302 : i32
          scf.if %cond3A_303 {
            %dma_start3A_310 = arith.constant 0 : i32
            %dma_start3A_311 = tpu.memref_slice %arg7[%cond3A_301, %dma_start3A_310] : memref<8x128xi32, #tpu.memory_space<vmem>> -> memref<1x128xi32, #tpu.memory_space<vmem>>
            %dma_start3A_312 = tpu.memref_squeeze %dma_start3A_311 : memref<1x128xi32, #tpu.memory_space<vmem>> -> memref<128xi32, #tpu.memory_space<vmem>>
            %dma_start3A_313 = arith.constant 0 : i32
            %dma_start3A_314 = arith.constant 0 : i32
            %dma_start3A_315 = tpu.memref_slice %arg2[%dma_start3A_313, %dma_start3A_314] : memref<51200x32xf32, #tpu.memory_space<hbm>> -> memref<51200x32xf32, #tpu.memory_space<hbm>>
            tpu.enqueue_indirect_dma source(%dma_start3A_315 : memref<51200x32xf32, #tpu.memory_space<hbm>>) target(%arg14 : memref<128x32xf32, #tpu.memory_space<vmem>>) offsets(%dma_start3A_312 : memref<128xi32, #tpu.memory_space<vmem>>) semaphore(%arg20 : memref<!tpu.dma_semaphore, #tpu.memory_space<semaphore_mem>>)
          } else {
          }
          %eq3A_304 = arith.constant 1 : i32
          %eq3A_305 = arith.cmpi eq, %arg0, %eq3A_304 : i32
          %convert_element_type3A_306 = arith.extui %eq3A_305 : i1 to i32
          %cond3A_307 = arith.constant 3 : i32
          %cond3A_308 = arith.constant 0 : i32
          %cond3A_309 = arith.cmpi ne, %convert_element_type3A_306, %cond3A_308 : i32
          scf.if %cond3A_309 {
            %dma_start3A_310 = arith.constant 0 : i32
            %dma_start3A_311 = tpu.memref_slice %arg7[%cond3A_307, %dma_start3A_310] : memref<8x128xi32, #tpu.memory_space<vmem>> -> memref<1x128xi32, #tpu.memory_space<vmem>>
            %dma_start3A_312 = tpu.memref_squeeze %dma_start3A_311 : memref<1x128xi32, #tpu.memory_space<vmem>> -> memref<128xi32, #tpu.memory_space<vmem>>
            %dma_start3A_313 = arith.constant 0 : i32
            %dma_start3A_314 = arith.constant 0 : i32
            %dma_start3A_315 = tpu.memref_slice %arg3[%dma_start3A_313, %dma_start3A_314] : memref<51200x32xf32, #tpu.memory_space<hbm>> -> memref<51200x32xf32, #tpu.memory_space<hbm>>
            tpu.enqueue_indirect_dma source(%dma_start3A_315 : memref<51200x32xf32, #tpu.memory_space<hbm>>) target(%arg14 : memref<128x32xf32, #tpu.memory_space<vmem>>) offsets(%dma_start3A_312 : memref<128xi32, #tpu.memory_space<vmem>>) semaphore(%arg20 : memref<!tpu.dma_semaphore, #tpu.memory_space<semaphore_mem>>)
          } else {
          }
        } else {
        }
      } else {
      }
      %scan3A_105 = arith.constant 0 : i32
      scf.yield %scan3A_105 : i32
    }
    %scan3A_86 = arith.constant 49 : i32
    %barrier3A_87 = arith.constant 0 : index
    tpu.barrier barrier_id(%barrier3A_87)
    %mul3A_88 = arith.constant 3200 : i32
    %mul3A_89 = arith.muli %arg1, %mul3A_88 : i32
    "tpu.region"() ({
      %run_scoped3A = tpu.sem_alloc : memref<!tpu.dma_semaphore, #tpu.memory_space<semaphore_mem>>
      %dma_start3A_90 = tpu.memref_slice %arg6[%mul3A_89, %mul3A_0] : memref<51200x128xf32, #tpu.memory_space<hbm>> -> memref<3200x32xf32, #tpu.memory_space<hbm>>
      %dma_start3A_91 = arith.constant 0 : i32
      %dma_start3A_92 = tpu.memref_slice %arg15[%mul3A_89, %dma_start3A_91] : memref<51200x32xf32, #tpu.memory_space<vmem_shared>> -> memref<3200x32xf32, #tpu.memory_space<vmem_shared>>
      tpu.enqueue_dma source(%dma_start3A_92 : memref<3200x32xf32, #tpu.memory_space<vmem_shared>>) target(%dma_start3A_90 : memref<3200x32xf32, #tpu.memory_space<hbm>>) target_semaphore(%run_scoped3A : memref<!tpu.dma_semaphore, #tpu.memory_space<semaphore_mem>>)
      %dma_wait3A_93 = tpu.memref_slice %arg6[%mul3A_89, %mul3A_0] : memref<51200x128xf32, #tpu.memory_space<hbm>> -> memref<3200x32xf32, #tpu.memory_space<hbm>>
      %dma_wait3A_94 = arith.constant 0 : i32
      %dma_wait3A_95 = tpu.memref_slice %arg15[%mul3A_89, %dma_wait3A_94] : memref<51200x32xf32, #tpu.memory_space<vmem_shared>> -> memref<3200x32xf32, #tpu.memory_space<vmem_shared>>
      tpu.wait_dma2 semaphore(%run_scoped3A : memref<!tpu.dma_semaphore, #tpu.memory_space<semaphore_mem>>) src(%dma_wait3A_95 : memref<3200x32xf32, #tpu.memory_space<vmem_shared>>) dst(%dma_wait3A_93 : memref<3200x32xf32, #tpu.memory_space<hbm>>)
      tpu.yield
    }) : () -> ()
    return
  }
}

#map = affine_map<(d0, d1) -> (0, 0)>
#map1 = affine_map<(d0, d1) -> (0)>
module attributes {stable_mosaic.version = 14 : i64} {
  func.func @_deg_body(%arg0: i32, %arg1: i32, %arg2: memref<12544x64xi32, #tpu.memory_space<hbm>>, %arg3: memref<102400xf32, #tpu.memory_space<hbm>>, %arg4: memref<392x64xi32, #tpu.memory_space<vmem>>, %arg5: memref<64xf32, #tpu.memory_space<vmem>>, %arg6: memref<3200xf32, #tpu.memory_space<vmem>>, %arg7: memref<51200xf32, #tpu.memory_space<vmem_shared>>, %arg8: memref<!tpu.dma_semaphore, #tpu.memory_space<semaphore_mem>>) attributes {dimension_semantics = [#tpu.dimension_semantics<core_parallel>, #tpu.dimension_semantics<subcore_parallel>], iteration_bounds = array<i64: 2, 16>, scalar_prefetch = 0 : i64, scratch_operands = 5 : i64, tpu.core_type = #tpu.core_type<sc_vector_subcore>, window_params = [{transform_indices = #map}, {transform_indices = #map1}]} {
    %mul3A = arith.constant 16 : i32
    %mul3A_0 = arith.muli %arg0, %mul3A : i32
    %add3A = arith.addi %mul3A_0, %arg1 : i32
    %broadcast_in_dim3A = arith.constant 0.000000e+00 : f32
    %broadcast_in_dim3A_1 = vector.broadcast %broadcast_in_dim3A : f32 to vector<16xf32>
    %broadcast_in_dim3A_2 = arith.constant 1.000000e+00 : f32
    %broadcast_in_dim3A_3 = vector.broadcast %broadcast_in_dim3A_2 : f32 to vector<16xf32>
    %scan3A = arith.constant 0 : i32
    %scan3A_4 = arith.constant 0 : i32
    %scan3A_5 = arith.constant 200 : i32
    %scan3A_6 = arith.addi %scan3A_4, %scan3A_5 : i32
    %scan3A_7 = arith.constant 1 : i32
    %scan3A_8 = scf.for %scan3A_46 = %scan3A_4 to %scan3A_6 step %scan3A_7 iter_args(%scan3A_47 = %scan3A) -> (i32)  : i32 {
      %mul3A_48 = arith.constant 16 : i32
      %mul3A_49 = arith.muli %scan3A_46, %mul3A_48 : i32
      %swap3A_50 = arith.index_cast %mul3A_49 : i32 to index
      %swap3A_51 = tpu.vector_load %arg6[%swap3A_50] {strides = array<i32>} : memref<3200xf32, #tpu.memory_space<vmem>>, vector<16xf32>,
      %swap3A_52 = vector.shape_cast %swap3A_51 : vector<16xf32> to vector<16xf32>
      %swap3A_53 = vector.shape_cast %broadcast_in_dim3A_1 : vector<16xf32> to vector<16xf32>
      tpu.vector_store %arg6[%swap3A_50], %swap3A_53 {strides = array<i32>} : memref<3200xf32, #tpu.memory_space<vmem>>, vector<16xf32>,
      %scan3A_54 = arith.constant 0 : i32
      scf.yield %scan3A_54 : i32
    }
    %scan3A_9 = arith.constant 200 : i32
    %swap3A = arith.constant 0 : index
    %swap3A_10 = tpu.vector_load %arg5[%swap3A] {strides = array<i32>} : memref<64xf32, #tpu.memory_space<vmem>>, vector<16xf32>,
    %swap3A_11 = vector.shape_cast %swap3A_10 : vector<16xf32> to vector<16xf32>
    %swap3A_12 = vector.shape_cast %broadcast_in_dim3A_3 : vector<16xf32> to vector<16xf32>
    tpu.vector_store %arg5[%swap3A], %swap3A_12 {strides = array<i32>} : memref<64xf32, #tpu.memory_space<vmem>>, vector<16xf32>,
    %swap3A_13 = arith.constant 16 : index
    %swap3A_14 = tpu.vector_load %arg5[%swap3A_13] {strides = array<i32>} : memref<64xf32, #tpu.memory_space<vmem>>, vector<16xf32>,
    %swap3A_15 = vector.shape_cast %swap3A_14 : vector<16xf32> to vector<16xf32>
    %swap3A_16 = vector.shape_cast %broadcast_in_dim3A_3 : vector<16xf32> to vector<16xf32>
    tpu.vector_store %arg5[%swap3A_13], %swap3A_16 {strides = array<i32>} : memref<64xf32, #tpu.memory_space<vmem>>, vector<16xf32>,
    %swap3A_17 = arith.constant 32 : index
    %swap3A_18 = tpu.vector_load %arg5[%swap3A_17] {strides = array<i32>} : memref<64xf32, #tpu.memory_space<vmem>>, vector<16xf32>,
    %swap3A_19 = vector.shape_cast %swap3A_18 : vector<16xf32> to vector<16xf32>
    %swap3A_20 = vector.shape_cast %broadcast_in_dim3A_3 : vector<16xf32> to vector<16xf32>
    tpu.vector_store %arg5[%swap3A_17], %swap3A_20 {strides = array<i32>} : memref<64xf32, #tpu.memory_space<vmem>>, vector<16xf32>,
    %swap3A_21 = arith.constant 48 : index
    %swap3A_22 = tpu.vector_load %arg5[%swap3A_21] {strides = array<i32>} : memref<64xf32, #tpu.memory_space<vmem>>, vector<16xf32>,
    %swap3A_23 = vector.shape_cast %swap3A_22 : vector<16xf32> to vector<16xf32>
    %swap3A_24 = vector.shape_cast %broadcast_in_dim3A_3 : vector<16xf32> to vector<16xf32>
    tpu.vector_store %arg5[%swap3A_21], %swap3A_24 {strides = array<i32>} : memref<64xf32, #tpu.memory_space<vmem>>, vector<16xf32>,
    %mul3A_25 = arith.constant 3200 : i32
    %mul3A_26 = arith.muli %arg1, %mul3A_25 : i32
    "tpu.region"() ({
      %run_scoped3A = tpu.sem_alloc : memref<!tpu.dma_semaphore, #tpu.memory_space<semaphore_mem>>
      %dma_start3A = tpu.memref_slice %arg7[%mul3A_26] : memref<51200xf32, #tpu.memory_space<vmem_shared>> -> memref<3200xf32, #tpu.memory_space<vmem_shared>>
      %dma_start3A_46 = tpu.memref_slice %arg7[%mul3A_26] : memref<51200xf32, #tpu.memory_space<vmem_shared>> -> memref<3200xf32, #tpu.memory_space<vmem_shared>>
      tpu.enqueue_dma source(%arg6 : memref<3200xf32, #tpu.memory_space<vmem>>) target(%dma_start3A_46 : memref<3200xf32, #tpu.memory_space<vmem_shared>>) target_semaphore(%run_scoped3A : memref<!tpu.dma_semaphore, #tpu.memory_space<semaphore_mem>>)
      %dma_wait3A = tpu.memref_slice %arg7[%mul3A_26] : memref<51200xf32, #tpu.memory_space<vmem_shared>> -> memref<3200xf32, #tpu.memory_space<vmem_shared>>
      %dma_wait3A_47 = tpu.memref_slice %arg7[%mul3A_26] : memref<51200xf32, #tpu.memory_space<vmem_shared>> -> memref<3200xf32, #tpu.memory_space<vmem_shared>>
      tpu.wait_dma2 semaphore(%run_scoped3A : memref<!tpu.dma_semaphore, #tpu.memory_space<semaphore_mem>>) src(%arg6 : memref<3200xf32, #tpu.memory_space<vmem>>) dst(%dma_wait3A_47 : memref<3200xf32, #tpu.memory_space<vmem_shared>>)
      tpu.yield
    }) : () -> ()
    %mul3A_27 = arith.constant 392 : i32
    %mul3A_28 = arith.muli %add3A, %mul3A_27 : i32
    "tpu.region"() ({
      %run_scoped3A = tpu.sem_alloc : memref<!tpu.dma_semaphore, #tpu.memory_space<semaphore_mem>>
      %dma_start3A = arith.constant 0 : i32
      %dma_start3A_46 = tpu.memref_slice %arg2[%mul3A_28, %dma_start3A] : memref<12544x64xi32, #tpu.memory_space<hbm>> -> memref<392x64xi32, #tpu.memory_space<hbm>>
      %dma_start3A_47 = arith.constant 0 : i32
      %dma_start3A_48 = tpu.memref_slice %arg2[%mul3A_28, %dma_start3A_47] : memref<12544x64xi32, #tpu.memory_space<hbm>> -> memref<392x64xi32, #tpu.memory_space<hbm>>
      tpu.enqueue_dma source(%dma_start3A_48 : memref<392x64xi32, #tpu.memory_space<hbm>>) target(%arg4 : memref<392x64xi32, #tpu.memory_space<vmem>>) target_semaphore(%run_scoped3A : memref<!tpu.dma_semaphore, #tpu.memory_space<semaphore_mem>>)
      %dma_wait3A = arith.constant 0 : i32
      %dma_wait3A_49 = tpu.memref_slice %arg2[%mul3A_28, %dma_wait3A] : memref<12544x64xi32, #tpu.memory_space<hbm>> -> memref<392x64xi32, #tpu.memory_space<hbm>>
      %dma_wait3A_50 = arith.constant 0 : i32
      %dma_wait3A_51 = tpu.memref_slice %arg2[%mul3A_28, %dma_wait3A_50] : memref<12544x64xi32, #tpu.memory_space<hbm>> -> memref<392x64xi32, #tpu.memory_space<hbm>>
      tpu.wait_dma2 semaphore(%run_scoped3A : memref<!tpu.dma_semaphore, #tpu.memory_space<semaphore_mem>>) src(%dma_wait3A_51 : memref<392x64xi32, #tpu.memory_space<hbm>>) dst(%arg4 : memref<392x64xi32, #tpu.memory_space<vmem>>)
      tpu.yield
    }) : () -> ()
    %barrier3A = arith.constant 0 : index
    tpu.barrier barrier_id(%barrier3A)
    %scan3A_29 = arith.constant 0 : i32
    %scan3A_30 = arith.constant 0 : i32
    %scan3A_31 = arith.constant 392 : i32
    %scan3A_32 = arith.addi %scan3A_30, %scan3A_31 : i32
    %scan3A_33 = arith.constant 1 : i32
    %scan3A_34 = scf.for %scan3A_46 = %scan3A_30 to %scan3A_32 step %scan3A_33 iter_args(%scan3A_47 = %scan3A_29) -> (i32)  : i32 {
      %dma_start3A = arith.constant 0 : i32
      %dma_start3A_48 = tpu.memref_slice %arg4[%scan3A_46, %dma_start3A] : memref<392x64xi32, #tpu.memory_space<vmem>> -> memref<1x64xi32, #tpu.memory_space<vmem>>
      %dma_start3A_49 = tpu.memref_squeeze %dma_start3A_48 : memref<1x64xi32, #tpu.memory_space<vmem>> -> memref<64xi32, #tpu.memory_space<vmem>>
      %dma_start3A_50 = arith.constant 0 : i32
      %dma_start3A_51 = tpu.memref_slice %arg7[%dma_start3A_50] : memref<51200xf32, #tpu.memory_space<vmem_shared>> -> memref<51200xf32, #tpu.memory_space<vmem_shared>>
      tpu.enqueue_indirect_dma source(%arg5 : memref<64xf32, #tpu.memory_space<vmem>>) target(%dma_start3A_51 : memref<51200xf32, #tpu.memory_space<vmem_shared>>) offsets(%dma_start3A_49 : memref<64xi32, #tpu.memory_space<vmem>>) semaphore(%arg8 : memref<!tpu.dma_semaphore, #tpu.memory_space<semaphore_mem>>) {add = true}
      %scan3A_52 = arith.constant 0 : i32
      scf.yield %scan3A_52 : i32
    }
    %scan3A_35 = arith.constant 392 : i32
    %scan3A_36 = arith.constant 0 : i32
    %scan3A_37 = arith.constant 0 : i32
    %scan3A_38 = arith.constant 392 : i32
    %scan3A_39 = arith.addi %scan3A_37, %scan3A_38 : i32
    %scan3A_40 = arith.constant 1 : i32
    %scan3A_41 = scf.for %scan3A_46 = %scan3A_37 to %scan3A_39 step %scan3A_40 iter_args(%scan3A_47 = %scan3A_36) -> (i32)  : i32 {
      %dma_wait3A = arith.constant 0 : i32
      %dma_wait3A_48 = tpu.memref_slice %arg4[%scan3A_46, %dma_wait3A] : memref<392x64xi32, #tpu.memory_space<vmem>> -> memref<1x64xi32, #tpu.memory_space<vmem>>
      %dma_wait3A_49 = tpu.memref_squeeze %dma_wait3A_48 : memref<1x64xi32, #tpu.memory_space<vmem>> -> memref<64xi32, #tpu.memory_space<vmem>>
      %dma_wait3A_50 = arith.constant 0 : i32
      %dma_wait3A_51 = tpu.memref_slice %arg7[%dma_wait3A_50] : memref<51200xf32, #tpu.memory_space<vmem_shared>> -> memref<51200xf32, #tpu.memory_space<vmem_shared>>
      tpu.wait_indirect_dma semaphore(%arg8 : memref<!tpu.dma_semaphore, #tpu.memory_space<semaphore_mem>>) src(%arg5 : memref<64xf32, #tpu.memory_space<vmem>>) dst(%dma_wait3A_51 : memref<51200xf32, #tpu.memory_space<vmem_shared>>)
      %scan3A_52 = arith.constant 0 : i32
      scf.yield %scan3A_52 : i32
    }
    %scan3A_42 = arith.constant 392 : i32
    %barrier3A_43 = arith.constant 0 : index
    tpu.barrier barrier_id(%barrier3A_43)
    %eq3A = arith.constant 0 : i32
    %eq3A_44 = arith.cmpi eq, %arg1, %eq3A : i32
    %convert_element_type3A = arith.extui %eq3A_44 : i1 to i32
    %cond3A = arith.constant 0 : i32
    %cond3A_45 = arith.cmpi ne, %convert_element_type3A, %cond3A : i32
    scf.if %cond3A_45 {
      %mul3A_46 = arith.constant 51200 : i32
      %mul3A_47 = arith.muli %arg0, %mul3A_46 : i32
      "tpu.region"() ({
        %run_scoped3A = tpu.sem_alloc : memref<!tpu.dma_semaphore, #tpu.memory_space<semaphore_mem>>
        %dma_start3A = tpu.memref_slice %arg3[%mul3A_47] : memref<102400xf32, #tpu.memory_space<hbm>> -> memref<51200xf32, #tpu.memory_space<hbm>>
        tpu.enqueue_dma source(%arg7 : memref<51200xf32, #tpu.memory_space<vmem_shared>>) target(%dma_start3A : memref<51200xf32, #tpu.memory_space<hbm>>) target_semaphore(%run_scoped3A : memref<!tpu.dma_semaphore, #tpu.memory_space<semaphore_mem>>)
        %dma_wait3A = tpu.memref_slice %arg3[%mul3A_47] : memref<102400xf32, #tpu.memory_space<hbm>> -> memref<51200xf32, #tpu.memory_space<hbm>>
        tpu.wait_dma2 semaphore(%run_scoped3A : memref<!tpu.dma_semaphore, #tpu.memory_space<semaphore_mem>>) src(%arg7 : memref<51200xf32, #tpu.memory_space<vmem_shared>>) dst(%dma_wait3A : memref<51200xf32, #tpu.memory_space<hbm>>)
        tpu.yield
      }) : () -> ()
    } else {
    }
    return
  }
}

module attributes {stable_mosaic.version = 14 : i64} {
  func.func @_xform_body(%arg0: i32, %arg1: i32, %arg2: memref<2048x48xf32, #tpu.memory_space<vmem>>, %arg3: memref<1x48xf32, #tpu.memory_space<vmem>>, %arg4: memref<1x48xf32, #tpu.memory_space<vmem>>, %arg5: memref<48x64xf32, #tpu.memory_space<vmem>>, %arg6: memref<16x128xf32, #tpu.memory_space<vmem>>, %arg7: memref<16x128xf32, #tpu.memory_space<vmem>>, %arg8: memref<2048x32xf32, #tpu.memory_space<vmem>>, %arg9: memref<2048x32xf32, #tpu.memory_space<vmem>>, %arg10: memref<2x48xf32, #tpu.memory_space<vmem>>) attributes {dimension_semantics = [#tpu.dimension_semantics<arbitrary>, #tpu.dimension_semantics<arbitrary>], iteration_bounds = array<i64: 2, 25>, scalar_prefetch = 0 : i64, scratch_operands = 1 : i64, tpu.core_type = #tpu.core_type<tc>, window_params = [{transform_indices = @transform_0, window_bounds = array<i64: 2048, 48>}, {pipeline_mode = #tpu.pipeline_mode<synchronous>, transform_indices = @transform_1, window_bounds = array<i64: 1, 48>}, {pipeline_mode = #tpu.pipeline_mode<synchronous>, transform_indices = @transform_2, window_bounds = array<i64: 1, 48>}, {pipeline_mode = #tpu.pipeline_mode<synchronous>, transform_indices = @transform_3, window_bounds = array<i64: 48, 64>}, {transform_indices = @transform_4, window_bounds = array<i64: 16, 128>}, {transform_indices = @transform_5, window_bounds = array<i64: 16, 128>}, {transform_indices = @transform_6, window_bounds = array<i64: 2048, 32>}, {transform_indices = @transform_7, window_bounds = array<i64: 2048, 32>}]} {
    %eq3A = arith.constant 0 : i32
    %eq3A_0 = arith.cmpi eq, %arg0, %eq3A : i32
    %convert_element_type3A = arith.extui %eq3A_0 : i1 to i32
    %cond3A = arith.constant 0 : i32
    %cond3A_1 = arith.cmpi ne, %convert_element_type3A, %cond3A : i32
    scf.if %cond3A_1 {
      %iota3A = tpu.iota {dimensions = array<i32: 0>} : vector<2048x1xi32>
      %mul3A = arith.constant 2048 : i32
      %mul3A_7 = arith.muli %arg1, %mul3A : i32
      %add3A = vector.broadcast %mul3A_7 : i32 to vector<2048x1xi32>
      %add3A_8 = arith.addi %iota3A, %add3A : vector<2048x1xi32>
      %lt3A = arith.constant 50000 : i32
      %lt3A_9 = vector.broadcast %lt3A : i32 to vector<2048x1xi32>
      %lt3A_10 = arith.cmpi slt, %add3A_8, %lt3A_9 : vector<2048x1xi32>
      %get3A = arith.constant 0 : index
      %get3A_11 = arith.constant 0 : index
      %get3A_12 = vector.load %arg2[%get3A, %get3A_11] : memref<2048x48xf32, #tpu.memory_space<vmem>>, vector<2048x48xf32>
      %jit3A = arith.constant 0.000000e+00 : f32
      %broadcast_in_dim3A = vector.shape_cast %lt3A_10 : vector<2048x1xi1> to vector<2048x1xi1>
      %broadcast_in_dim3A_13 = vector.broadcast %broadcast_in_dim3A : vector<2048x1xi1> to vector<2048x48xi1>
      %broadcast_in_dim3A_14 = vector.broadcast %jit3A : f32 to vector<2048x48xf32>
      %select_n3A = arith.select %broadcast_in_dim3A_13, %get3A_12, %broadcast_in_dim3A_14 : vector<2048x48xi1>, vector<2048x48xf32>
      %reduce_sum3A = arith.constant dense<0.000000e+00> : vector<48xf32>
      %reduce_sum3A_15 = vector.multi_reduction <add>, %select_n3A, %reduce_sum3A [0] : vector<2048x48xf32> to vector<48xf32>
      %broadcast_in_dim3A_16 = vector.shape_cast %reduce_sum3A_15 : vector<48xf32> to vector<1x48xf32>
      %mul3A_17 = arith.mulf %select_n3A, %select_n3A : vector<2048x48xf32>
      %reduce_sum3A_18 = arith.constant dense<0.000000e+00> : vector<48xf32>
      %reduce_sum3A_19 = vector.multi_reduction <add>, %mul3A_17, %reduce_sum3A_18 [0] : vector<2048x48xf32> to vector<48xf32>
      %broadcast_in_dim3A_20 = vector.shape_cast %reduce_sum3A_19 : vector<48xf32> to vector<1x48xf32>
      %concatenate3A = tpu.concatenate %broadcast_in_dim3A_16, %broadcast_in_dim3A_20 in 0 : vector<1x48xf32>, vector<1x48xf32> -> vector<2x48xf32>
      %eq3A_21 = arith.constant 0 : i32
      %eq3A_22 = arith.cmpi eq, %arg1, %eq3A_21 : i32
      %convert_element_type3A_23 = arith.extui %eq3A_22 : i1 to i32
      %cond3A_24 = arith.constant 0 : i32
      %cond3A_25 = arith.cmpi ne, %convert_element_type3A_23, %cond3A_24 : i32
      scf.if %cond3A_25 {
        %swap3A = arith.constant 0 : index
        %swap3A_30 = arith.constant 0 : index
        %swap3A_31 = vector.load %arg10[%swap3A, %swap3A_30] : memref<2x48xf32, #tpu.memory_space<vmem>>, vector<2x48xf32>
        tpu.vector_store %arg10[%swap3A, %swap3A_30], %concatenate3A {strides = array<i32>} : memref<2x48xf32, #tpu.memory_space<vmem>>, vector<2x48xf32>,
      } else {
      }
      %gt3A = arith.constant 0 : i32
      %gt3A_26 = arith.cmpi sgt, %arg1, %gt3A : i32
      %convert_element_type3A_27 = arith.extui %gt3A_26 : i1 to i32
      %cond3A_28 = arith.constant 0 : i32
      %cond3A_29 = arith.cmpi ne, %convert_element_type3A_27, %cond3A_28 : i32
      scf.if %cond3A_29 {
        %get3A_30 = arith.constant 0 : index
        %get3A_31 = arith.constant 0 : index
        %get3A_32 = vector.load %arg10[%get3A_30, %get3A_31] : memref<2x48xf32, #tpu.memory_space<vmem>>, vector<2x48xf32>
        %add3A_33 = arith.addf %get3A_32, %concatenate3A : vector<2x48xf32>
        %swap3A = arith.constant 0 : index
        %swap3A_34 = arith.constant 0 : index
        %swap3A_35 = vector.load %arg10[%swap3A, %swap3A_34] : memref<2x48xf32, #tpu.memory_space<vmem>>, vector<2x48xf32>
        tpu.vector_store %arg10[%swap3A, %swap3A_34], %add3A_33 {strides = array<i32>} : memref<2x48xf32, #tpu.memory_space<vmem>>, vector<2x48xf32>,
      } else {
      }
    } else {
    }
    %eq3A_2 = arith.constant 1 : i32
    %eq3A_3 = arith.cmpi eq, %arg0, %eq3A_2 : i32
    %convert_element_type3A_4 = arith.extui %eq3A_3 : i1 to i32
    %cond3A_5 = arith.constant 0 : i32
    %cond3A_6 = arith.cmpi ne, %convert_element_type3A_4, %cond3A_5 : i32
    scf.if %cond3A_6 {
      %get3A = arith.constant 0 : index
      %get3A_7 = arith.constant 0 : index
      %get3A_8 = vector.load %arg10[%get3A, %get3A_7] : memref<2x48xf32, #tpu.memory_space<vmem>>, vector<2x48xf32>
      %slice3A = vector.extract_strided_slice %get3A_8 {offsets = [0, 0], sizes = [1, 48], strides = [1, 1]} : vector<2x48xf32> to vector<1x48xf32>
      %mul3A = arith.constant 2.000000e-05 : f32
      %mul3A_9 = vector.broadcast %mul3A : f32 to vector<1x48xf32>
      %mul3A_10 = arith.mulf %slice3A, %mul3A_9 : vector<1x48xf32>
      %slice3A_11 = vector.extract_strided_slice %get3A_8 {offsets = [1, 0], sizes = [1, 48], strides = [1, 1]} : vector<2x48xf32> to vector<1x48xf32>
      %mul3A_12 = arith.constant 2.000000e-05 : f32
      %mul3A_13 = vector.broadcast %mul3A_12 : f32 to vector<1x48xf32>
      %mul3A_14 = arith.mulf %slice3A_11, %mul3A_13 : vector<1x48xf32>
      %mul3A_15 = arith.mulf %mul3A_10, %mul3A_10 : vector<1x48xf32>
      %sub3A = arith.subf %mul3A_14, %mul3A_15 : vector<1x48xf32>
      %add3A = arith.constant 9.99999974E-6 : f32
      %add3A_16 = vector.broadcast %add3A : f32 to vector<1x48xf32>
      %add3A_17 = arith.addf %sub3A, %add3A_16 : vector<1x48xf32>
      %rsqrt3A = math.rsqrt %add3A_17 : vector<1x48xf32>
      %get3A_18 = arith.constant 0 : index
      %get3A_19 = arith.constant 0 : index
      %get3A_20 = vector.load %arg3[%get3A_18, %get3A_19] : memref<1x48xf32, #tpu.memory_space<vmem>>, vector<1x48xf32>
      %mul3A_21 = arith.mulf %get3A_20, %rsqrt3A : vector<1x48xf32>
      %get3A_22 = arith.constant 0 : index
      %get3A_23 = arith.constant 0 : index
      %get3A_24 = vector.load %arg4[%get3A_22, %get3A_23] : memref<1x48xf32, #tpu.memory_space<vmem>>, vector<1x48xf32>
      %mul3A_25 = arith.mulf %mul3A_10, %mul3A_21 : vector<1x48xf32>
      %sub3A_26 = arith.subf %get3A_24, %mul3A_25 : vector<1x48xf32>
      %get3A_27 = arith.constant 0 : index
      %get3A_28 = arith.constant 0 : index
      %get3A_29 = vector.load %arg2[%get3A_27, %get3A_28] : memref<2048x48xf32, #tpu.memory_space<vmem>>, vector<2048x48xf32>
      %mul3A_30 = vector.broadcast %mul3A_21 : vector<1x48xf32> to vector<2048x48xf32>
      %mul3A_31 = arith.mulf %get3A_29, %mul3A_30 : vector<2048x48xf32>
      %add3A_32 = vector.broadcast %sub3A_26 : vector<1x48xf32> to vector<2048x48xf32>
      %add3A_33 = arith.addf %mul3A_31, %add3A_32 : vector<2048x48xf32>
      %get3A_34 = arith.constant 0 : index
      %get3A_35 = arith.constant 0 : index
      %get3A_36 = vector.load %arg5[%get3A_34, %get3A_35] : memref<48x64xf32, #tpu.memory_space<vmem>>, vector<48x64xf32>
      %dot_general3A = arith.constant dense<0.000000e+00> : vector<2048x64xf32>
      %dot_general3A_37 = tpu.matmul %add3A_33, %get3A_36, %dot_general3A {dimension_numbers = #tpu.dot_dimension_numbers<[1], [0], [0], [1], [0, 0, 1, 1], [], []>, transpose_lhs_hint = false} : vector<2048x48xf32>, vector<48x64xf32>, vector<2048x64xf32> -> vector<2048x64xf32>
      %get3A_38 = arith.constant 0 : index
      %get3A_39 = arith.constant 0 : index
      %get3A_40 = vector.load %arg6[%get3A_38, %get3A_39] : memref<16x128xf32, #tpu.memory_space<vmem>>, vector<16x128xf32>
      %get3A_41 = arith.constant 0 : index
      %get3A_42 = arith.constant 0 : index
      %get3A_43 = vector.load %arg7[%get3A_41, %get3A_42] : memref<16x128xf32, #tpu.memory_space<vmem>>, vector<16x128xf32>
      %add3A_44 = arith.addf %get3A_40, %get3A_43 : vector<16x128xf32>
      %add3A_45 = arith.constant 1.000000e+00 : f32
      %add3A_46 = vector.broadcast %add3A_45 : f32 to vector<16x128xf32>
      %add3A_47 = arith.addf %add3A_44, %add3A_46 : vector<16x128xf32>
      %rsqrt3A_48 = math.rsqrt %add3A_47 : vector<16x128xf32>
      %broadcast_in_dim3A = vector.shape_cast %rsqrt3A_48 : vector<16x128xf32> to vector<16x1x128xf32>
      %broadcast_in_dim3A_49 = vector.shape_cast %broadcast_in_dim3A : vector<16x1x128xf32> to vector<16x1x128xf32>
      %broadcast_in_dim3A_50 = vector.broadcast %broadcast_in_dim3A_49 : vector<16x1x128xf32> to vector<16x128x128xf32>
      %reshape3A = vector.shape_cast %broadcast_in_dim3A_50 : vector<16x128x128xf32> to vector<2048x128xf32>
      %iota3A = tpu.iota {dimensions = array<i32: 0>} : vector<2048x128xi32>
      %iota3A_51 = tpu.iota {dimensions = array<i32: 1>} : vector<2048x128xi32>
      %jit3A = arith.constant 128 : i32
      %eq3A_52 = arith.constant 0 : i32
      %eq3A_53 = arith.cmpi eq, %jit3A, %eq3A_52 : i32
      %jit3A_54 = arith.constant 1 : i32
      %select_n3A = arith.select %eq3A_53, %jit3A_54, %jit3A : i32
      %rem3A = vector.broadcast %select_n3A : i32 to vector<2048x128xi32>
      %rem3A_55 = arith.remsi %iota3A, %rem3A : vector<2048x128xi32>
      %ne3A = arith.constant 0 : i32
      %ne3A_56 = vector.broadcast %ne3A : i32 to vector<2048x128xi32>
      %ne3A_57 = arith.cmpi ne, %rem3A_55, %ne3A_56 : vector<2048x128xi32>
      %lt3A = arith.constant 0 : i32
      %lt3A_58 = vector.broadcast %lt3A : i32 to vector<2048x128xi32>
      %lt3A_59 = arith.cmpi slt, %rem3A_55, %lt3A_58 : vector<2048x128xi32>
      %lt3A_60 = arith.constant 0 : i32
      %lt3A_61 = arith.cmpi slt, %select_n3A, %lt3A_60 : i32
      %ne3A_62 = vector.broadcast %lt3A_61 : i1 to vector<2048x128xi1>
      %ne3A_63 = vector.broadcast %ne3A_62 : vector<2048x128xi1> to vector<2048x128xi1>
      %ne3A_64 = arith.xori %lt3A_59, %ne3A_63 : vector<2048x128xi1>
      %and3A = arith.andi %ne3A_64, %ne3A_57 : vector<2048x128xi1>
      %add3A_65 = vector.broadcast %select_n3A : i32 to vector<2048x128xi32>
      %add3A_66 = arith.addi %rem3A_55, %add3A_65 : vector<2048x128xi32>
      %select_n3A_67 = arith.select %and3A, %add3A_66, %rem3A_55 : vector<2048x128xi1>, vector<2048x128xi32>
      %eq3A_68 = arith.cmpi eq, %iota3A_51, %select_n3A_67 : vector<2048x128xi32>
      %jit3A_69 = arith.constant 0.000000e+00 : f32
      %broadcast_in_dim3A_70 = vector.broadcast %jit3A_69 : f32 to vector<2048x128xf32>
      %select_n3A_71 = arith.select %eq3A_68, %reshape3A, %broadcast_in_dim3A_70 : vector<2048x128xi1>, vector<2048x128xf32>
      %reduce_sum3A = arith.constant dense<0.000000e+00> : vector<2048xf32>
      %reduce_sum3A_72 = vector.multi_reduction <add>, %select_n3A_71, %reduce_sum3A [1] : vector<2048x128xf32> to vector<2048xf32>
      %broadcast_in_dim3A_73 = vector.shape_cast %reduce_sum3A_72 : vector<2048xf32> to vector<2048x1xf32>
      %mul3A_74 = vector.broadcast %broadcast_in_dim3A_73 : vector<2048x1xf32> to vector<2048x64xf32>
      %mul3A_75 = arith.mulf %dot_general3A_37, %mul3A_74 : vector<2048x64xf32>
      %slice3A_76 = vector.extract_strided_slice %mul3A_75 {offsets = [0, 0], sizes = [2048, 32], strides = [1, 1]} : vector<2048x64xf32> to vector<2048x32xf32>
      %swap3A = arith.constant 0 : index
      %swap3A_77 = arith.constant 0 : index
      %swap3A_78 = vector.load %arg8[%swap3A, %swap3A_77] : memref<2048x32xf32, #tpu.memory_space<vmem>>, vector<2048x32xf32>
      tpu.vector_store %arg8[%swap3A, %swap3A_77], %slice3A_76 {strides = array<i32>} : memref<2048x32xf32, #tpu.memory_space<vmem>>, vector<2048x32xf32>,
      %slice3A_79 = vector.extract_strided_slice %mul3A_75 {offsets = [0, 32], sizes = [2048, 32], strides = [1, 1]} : vector<2048x64xf32> to vector<2048x32xf32>
      %swap3A_80 = arith.constant 0 : index
      %swap3A_81 = arith.constant 0 : index
      %swap3A_82 = vector.load %arg9[%swap3A_80, %swap3A_81] : memref<2048x32xf32, #tpu.memory_space<vmem>>, vector<2048x32xf32>
      tpu.vector_store %arg9[%swap3A_80, %swap3A_81], %slice3A_79 {strides = array<i32>} : memref<2048x32xf32, #tpu.memory_space<vmem>>, vector<2048x32xf32>,
    } else {
    }
    return
  }
  func.func @transform_0(%arg0: i32, %arg1: i32) -> (i32, i32) {
    %c0_i32 = arith.constant 0 : i32
    %c0_i32_0 = arith.constant 0 : i32
    return %arg1, %c0_i32 : i32, i32
  }
  func.func @transform_1(%arg0: i32, %arg1: i32) -> (i32, i32) {
    %c0_i32 = arith.constant 0 : i32
    %c0_i32_0 = arith.constant 0 : i32
    %c0_i32_1 = arith.constant 0 : i32
    return %c0_i32, %c0_i32_0 : i32, i32
  }
  func.func @transform_2(%arg0: i32, %arg1: i32) -> (i32, i32) {
    %c0_i32 = arith.constant 0 : i32
    %c0_i32_0 = arith.constant 0 : i32
    %c0_i32_1 = arith.constant 0 : i32
    return %c0_i32, %c0_i32_0 : i32, i32
  }
  func.func @transform_3(%arg0: i32, %arg1: i32) -> (i32, i32) {
    %c0_i32 = arith.constant 0 : i32
    %c0_i32_0 = arith.constant 0 : i32
    %c0_i32_1 = arith.constant 0 : i32
    return %c0_i32, %c0_i32_0 : i32, i32
  }
  func.func @transform_4(%arg0: i32, %arg1: i32) -> (i32, i32) {
    %c0_i32 = arith.constant 0 : i32
    %c0_i32_0 = arith.constant 0 : i32
    return %arg1, %c0_i32 : i32, i32
  }
  func.func @transform_5(%arg0: i32, %arg1: i32) -> (i32, i32) {
    %c0_i32 = arith.constant 0 : i32
    %c0_i32_0 = arith.constant 0 : i32
    return %arg1, %c0_i32 : i32, i32
  }
  func.func @transform_6(%arg0: i32, %arg1: i32) -> (i32, i32) {
    %mul3A = arith.muli %arg0, %arg1 : i32
    %c0_i32 = arith.constant 0 : i32
    %c0_i32_0 = arith.constant 0 : i32
    return %mul3A, %c0_i32 : i32, i32
  }
  func.func @transform_7(%arg0: i32, %arg1: i32) -> (i32, i32) {
    %mul3A = arith.muli %arg0, %arg1 : i32
    %c0_i32 = arith.constant 0 : i32
    %c0_i32_0 = arith.constant 0 : i32
    return %mul3A, %c0_i32 : i32, i32
  }
}

module attributes {stable_mosaic.version = 14 : i64} {
  func.func @_final_body(%arg0: i32, %arg1: memref<2048x128xf32, #tpu.memory_space<vmem>>, %arg2: memref<16x128xf32, #tpu.memory_space<vmem>>, %arg3: memref<16x128xf32, #tpu.memory_space<vmem>>, %arg4: memref<1x64xf32, #tpu.memory_space<vmem>>, %arg5: memref<2048x64xf32, #tpu.memory_space<vmem>>) attributes {dimension_semantics = [#tpu.dimension_semantics<arbitrary>], iteration_bounds = array<i64: 25>, scalar_prefetch = 0 : i64, scratch_operands = 0 : i64, tpu.core_type = #tpu.core_type<tc>, window_params = [{transform_indices = @transform_0, window_bounds = array<i64: 2048, 128>}, {transform_indices = @transform_1, window_bounds = array<i64: 16, 128>}, {transform_indices = @transform_2, window_bounds = array<i64: 16, 128>}, {pipeline_mode = #tpu.pipeline_mode<synchronous>, transform_indices = @transform_3, window_bounds = array<i64: 1, 64>}, {transform_indices = @transform_4, window_bounds = array<i64: 2048, 64>}]} {
    %get3A = arith.constant 0 : index
    %get3A_0 = arith.constant 0 : index
    %get3A_1 = vector.load %arg2[%get3A, %get3A_0] : memref<16x128xf32, #tpu.memory_space<vmem>>, vector<16x128xf32>
    %get3A_2 = arith.constant 0 : index
    %get3A_3 = arith.constant 0 : index
    %get3A_4 = vector.load %arg3[%get3A_2, %get3A_3] : memref<16x128xf32, #tpu.memory_space<vmem>>, vector<16x128xf32>
    %add3A = arith.addf %get3A_1, %get3A_4 : vector<16x128xf32>
    %add3A_5 = arith.constant 1.000000e+00 : f32
    %add3A_6 = vector.broadcast %add3A_5 : f32 to vector<16x128xf32>
    %add3A_7 = arith.addf %add3A, %add3A_6 : vector<16x128xf32>
    %rsqrt3A = math.rsqrt %add3A_7 : vector<16x128xf32>
    %broadcast_in_dim3A = vector.shape_cast %rsqrt3A : vector<16x128xf32> to vector<16x1x128xf32>
    %broadcast_in_dim3A_8 = vector.shape_cast %broadcast_in_dim3A : vector<16x1x128xf32> to vector<16x1x128xf32>
    %broadcast_in_dim3A_9 = vector.broadcast %broadcast_in_dim3A_8 : vector<16x1x128xf32> to vector<16x128x128xf32>
    %reshape3A = vector.shape_cast %broadcast_in_dim3A_9 : vector<16x128x128xf32> to vector<2048x128xf32>
    %iota3A = tpu.iota {dimensions = array<i32: 0>} : vector<2048x128xi32>
    %iota3A_10 = tpu.iota {dimensions = array<i32: 1>} : vector<2048x128xi32>
    %jit3A = arith.constant 128 : i32
    %eq3A = arith.constant 0 : i32
    %eq3A_11 = arith.cmpi eq, %jit3A, %eq3A : i32
    %jit3A_12 = arith.constant 1 : i32
    %select_n3A = arith.select %eq3A_11, %jit3A_12, %jit3A : i32
    %rem3A = vector.broadcast %select_n3A : i32 to vector<2048x128xi32>
    %rem3A_13 = arith.remsi %iota3A, %rem3A : vector<2048x128xi32>
    %ne3A = arith.constant 0 : i32
    %ne3A_14 = vector.broadcast %ne3A : i32 to vector<2048x128xi32>
    %ne3A_15 = arith.cmpi ne, %rem3A_13, %ne3A_14 : vector<2048x128xi32>
    %lt3A = arith.constant 0 : i32
    %lt3A_16 = vector.broadcast %lt3A : i32 to vector<2048x128xi32>
    %lt3A_17 = arith.cmpi slt, %rem3A_13, %lt3A_16 : vector<2048x128xi32>
    %lt3A_18 = arith.constant 0 : i32
    %lt3A_19 = arith.cmpi slt, %select_n3A, %lt3A_18 : i32
    %ne3A_20 = vector.broadcast %lt3A_19 : i1 to vector<2048x128xi1>
    %ne3A_21 = vector.broadcast %ne3A_20 : vector<2048x128xi1> to vector<2048x128xi1>
    %ne3A_22 = arith.xori %lt3A_17, %ne3A_21 : vector<2048x128xi1>
    %and3A = arith.andi %ne3A_22, %ne3A_15 : vector<2048x128xi1>
    %add3A_23 = vector.broadcast %select_n3A : i32 to vector<2048x128xi32>
    %add3A_24 = arith.addi %rem3A_13, %add3A_23 : vector<2048x128xi32>
    %select_n3A_25 = arith.select %and3A, %add3A_24, %rem3A_13 : vector<2048x128xi1>, vector<2048x128xi32>
    %eq3A_26 = arith.cmpi eq, %iota3A_10, %select_n3A_25 : vector<2048x128xi32>
    %jit3A_27 = arith.constant 0.000000e+00 : f32
    %broadcast_in_dim3A_28 = vector.broadcast %jit3A_27 : f32 to vector<2048x128xf32>
    %select_n3A_29 = arith.select %eq3A_26, %reshape3A, %broadcast_in_dim3A_28 : vector<2048x128xi1>, vector<2048x128xf32>
    %reduce_sum3A = arith.constant dense<0.000000e+00> : vector<2048xf32>
    %reduce_sum3A_30 = vector.multi_reduction <add>, %select_n3A_29, %reduce_sum3A [1] : vector<2048x128xf32> to vector<2048xf32>
    %broadcast_in_dim3A_31 = vector.shape_cast %reduce_sum3A_30 : vector<2048xf32> to vector<2048x1xf32>
    %get3A_32 = arith.constant 0 : index
    %get3A_33 = arith.constant 0 : index
    %get3A_34 = vector.load %arg1[%get3A_32, %get3A_33] : memref<2048x128xf32, #tpu.memory_space<vmem>>, vector<2048x128xf32>
    %slice3A = vector.extract_strided_slice %get3A_34 {offsets = [0, 0], sizes = [2048, 64], strides = [1, 1]} : vector<2048x128xf32> to vector<2048x64xf32>
    %mul3A = vector.broadcast %broadcast_in_dim3A_31 : vector<2048x1xf32> to vector<2048x64xf32>
    %mul3A_35 = arith.mulf %slice3A, %mul3A : vector<2048x64xf32>
    %get3A_36 = arith.constant 0 : index
    %get3A_37 = arith.constant 0 : index
    %get3A_38 = vector.load %arg4[%get3A_36, %get3A_37] : memref<1x64xf32, #tpu.memory_space<vmem>>, vector<1x64xf32>
    %add3A_39 = vector.broadcast %get3A_38 : vector<1x64xf32> to vector<2048x64xf32>
    %add3A_40 = arith.addf %mul3A_35, %add3A_39 : vector<2048x64xf32>
    %max3A = arith.constant 0.000000e+00 : f32
    %max3A_41 = vector.broadcast %max3A : f32 to vector<2048x64xf32>
    %max3A_42 = arith.maximumf %add3A_40, %max3A_41 : vector<2048x64xf32>
    %swap3A = arith.constant 0 : index
    %swap3A_43 = arith.constant 0 : index
    %swap3A_44 = vector.load %arg5[%swap3A, %swap3A_43] : memref<2048x64xf32, #tpu.memory_space<vmem>>, vector<2048x64xf32>
    tpu.vector_store %arg5[%swap3A, %swap3A_43], %max3A_42 {strides = array<i32>} : memref<2048x64xf32, #tpu.memory_space<vmem>>, vector<2048x64xf32>,
    return
  }
  func.func @transform_0(%arg0: i32) -> (i32, i32) {
    %c0_i32 = arith.constant 0 : i32
    %c0_i32_0 = arith.constant 0 : i32
    return %arg0, %c0_i32 : i32, i32
  }
  func.func @transform_1(%arg0: i32) -> (i32, i32) {
    %c0_i32 = arith.constant 0 : i32
    %c0_i32_0 = arith.constant 0 : i32
    return %arg0, %c0_i32 : i32, i32
  }
  func.func @transform_2(%arg0: i32) -> (i32, i32) {
    %c0_i32 = arith.constant 0 : i32
    %c0_i32_0 = arith.constant 0 : i32
    return %arg0, %c0_i32 : i32, i32
  }
  func.func @transform_3(%arg0: i32) -> (i32, i32) {
    %c0_i32 = arith.constant 0 : i32
    %c0_i32_0 = arith.constant 0 : i32
    %c0_i32_1 = arith.constant 0 : i32
    return %c0_i32, %c0_i32_0 : i32, i32
  }
  func.func @transform_4(%arg0: i32) -> (i32, i32) {
    %c0_i32 = arith.constant 0 : i32
    %c0_i32_0 = arith.constant 0 : i32
    return %arg0, %c0_i32 : i32, i32
  }
}

</mosaic_0001>

<sc_bundles>
// kernel: kernel.6.cloned.1.call-start
scs
__scs_entry_jumppad:
0x0: {  	(pc) =	sbr.rel $0x88, $3  }
0x1: {  	(tag) =	ssettag $0x0;
	lr =	simm.s32 $0x1  }
0x2: {  	[smem:$0x3F9B] =	sst lr;
	_ =	strace $0xD0000000  }
0x3: {  	_ = 	snop  }
0x4: {  	_ = 	snop  }
0x5: {  	_ = 	snop  }
0x6: {  	_ = 	snop  }
0x7: {  	_ = 	snop  }
__scs_overlays_trampoline_lowered:
0x8: {  	[smem:$0x3FAA] =	sst s0  }
0x9: {  	[smem:$0x3FAB] =	sst s1  }
0xa: {  	[smem:$0x3FAC] =	sst s2  }
0xb: {  	[smem:$0x3FAD] =	sst s3  }
0xc: {  	[smem:$0x3FAE] =	sst s4  }
0xd: {  	[smem:$0x3FAF] =	sst s5  }
0xe: {  	[smem:$0x3FB0] =	sst s6  }
0xf: {  	[smem:$0x3FB1] =	sst s7  }
0x10: {  	[smem:$0x3FB2] =	sst s8  }
0x11: {  	[smem:$0x3FB3] =	sst s9;
	s0 =	simm.s32 @!p0 $0x0  }
0x12: {  	s1 =	sld [smem:$0x3F99];
	s0 =	simm.s32 @p0 $0x1  }
0x13: {  	[smem:$0x3FB4] =	sst s0;
	s0 =	simm.s32 @!p1 $0x0  }
0x14: {  	s2 =	sld [smem:$0x3F98];
	s0 =	simm.s32 @p1 $0x1  }
0x15: {  	[smem:$0x3FB5] =	sst s0;
	s0 =	simm.s32 @!p2 $0x0  }
0x16: {  	s3 =	sld [smem:$0x3FDB];
	s0 =	simm.s32 @p2 $0x1  }
0x17: {  	s4 =	simm.s32 $0x1BF5;
	[smem:$0x3FB7] =	sst s0  }
0x18: {  	s0 =	sld [smem:$0x3F9A];
	_ =	swait.ge [sflag:s4], $0x0  }
0x19: {  	s7 =	sld [smem:$0x3F9B]  }
0x1a: {  	s8 =	sadd.s32 $0xFFFFE003, lr  }
0x1b: {  	s9 =	sadd.s32 $0xFFFFFEF7, lr;
	s5 =	simm.s32 $0xFFFFFFFF;
	p2 =	slt.u32 s8, $0xFFFFF086  }
0x1c: {  	p1 =	slt.u32 s9, $0xF7A;
	s5 =	simm.s32 @!p2 $0x0  }
0x1d: {  	s5 =	simm.s32 @p1 $0x1;
	p0 =	seq.s32 s7, s2  }
0x1e: {  	s7 =	smul.u32 @!p0 $0xF7A, s2;
	p2 =	seq.s32 @!p0 s5, $0x0  }
0x1f: {  	s9 =	smul.u32 $0xF7A, s1;
	s8 =	simm.s32 @!p0 $0x1BF5;
	p2 =	por !p2, p0  }
0x20: {  	[sflag:s8] =	ssyncset.s32 @!p0 $0xFFFFF086;
	s6 =	sadd.s32 @!p0 s3, s7;
	s7 =	simm.s32 @!p0 $0x108  }
0x21: {  	s3 =	sadd.s32 s3, s9;
	s6 =	sadd.s32 @!p0 $0x88, s6;
	s7 =	simm.s32 @p2 $0x1082  }
0x22: {  	[simem:s7], [sflag:s8] =	dma.local @!p0 [hbm:s6], $0xF7A  }
0x23: {  	s9 =	sor.u32 $0xD0000000, s2;
	s6 =	simm.s32 $0x108;
	_ =	swait.ge @!p0 [sflag:s8], $0x0  }
0x24: {  	s3 =	sadd.s32 $0x88, s3;
	s6 =	simm.s32 @!p1 $0x1082;
	[sflag:s4] =	ssyncset.s32 $0xFFFFF086  }
0x25: {  	[simem:s6], [sflag:s4] =	dma.local [hbm:s3], $0xF7A  }
0x26: {  	[smem:$0x3F9B] =	sst s1;
	(tag) =	ssettag s2;
	_ =	strace s9  }
0x27: {  	s1 =	sld [smem:$0x3FAB]  }
0x28: {  	s2 =	sld [smem:$0x3FAC]  }
0x29: {  	s4 =	sld [smem:$0x3FAE]  }
0x2a: {  	p0 =	seq.s32 s5, $0x0;
	s5 =	sld [smem:$0x3FAF]  }
0x2b: {  	s6 =	sld [smem:$0x3FB0]  }
0x2c: {  	s7 =	sld [smem:$0x3FB1]  }
0x2d: {  	s3 =	simm.s32 $0x108;
	s8 =	sld [smem:$0x3FB2]  }
0x2e: {  	s3 =	simm.s32 @!p0 $0x1082;
	s9 =	sld [smem:$0x3FB3]  }
0x2f: {  	lr =	sadd.s32 s0, s3;
	s0 =	sld [smem:$0x3FAA]  }
0x30: {  	s3 =	sld [smem:$0x3FAD]  }
0x31: {  	[smem:$0x3FB6] =	sst s10  }
0x32: {  	s10 =	sld [smem:$0x3FB4];
	_ =	sdelay $0x3  }
0x33: {  	p0 =	seq.s32 s10, $0x1;
	s10 =	sld [smem:$0x3FB6];
	_ =	sdelay $0x3  }
0x34: {  	[smem:$0x3FB6] =	sst s10  }
0x35: {  	s10 =	sld [smem:$0x3FB5];
	_ =	sdelay $0x3  }
0x36: {  	p1 =	seq.s32 s10, $0x1;
	s10 =	sld [smem:$0x3FB6];
	_ =	sdelay $0x3  }
0x37: {  	[smem:$0x3FB6] =	sst s10  }
0x38: {  	s10 =	sld [smem:$0x3FB7]  }
0x39: {  	_ = 	snop;
	(pc) =	sbr.ind lr, $3  }
0x3a: {  	_ = 	snop  }
0x3b: {  	_ = 	snop  }
0x3c: {  	p2 =	seq.s32 s10, $0x1;
	s10 =	sld [smem:$0x3FB6]  }
0x3d: {  	_ =	shalt  }
0x3e: {  	_ =	shalt  }
0x3f: {  	_ =	shalt  }
0x40: {  	_ =	shalt  }
0x41: {  	_ =	shalt  }
0x42: {  	_ =	shalt  }
0x43: {  	_ =	shalt  }
0x44: {  	_ =	shalt  }
0x45: {  	_ =	shalt  }
0x46: {  	_ =	shalt  }
0x47: {  	_ =	shalt  }
0x48: {  	_ =	shalt  }
0x49: {  	_ =	shalt  }
0x4a: {  	_ =	shalt  }
0x4b: {  	_ =	shalt  }
0x4c: {  	_ =	shalt  }
0x4d: {  	_ =	shalt  }
0x4e: {  	_ =	shalt  }
0x4f: {  	_ =	shalt  }
0x50: {  	_ =	shalt  }
0x51: {  	_ =	shalt  }
0x52: {  	_ =	shalt  }
0x53: {  	_ =	shalt  }
0x54: {  	_ =	shalt  }
0x55: {  	_ =	shalt  }
0x56: {  	_ =	shalt  }
0x57: {  	_ =	shalt  }
0x58: {  	_ =	shalt  }
0x59: {  	_ =	shalt  }
0x5a: {  	_ =	shalt  }
0x5b: {  	_ =	shalt  }
0x5c: {  	_ =	shalt  }
0x5d: {  	_ =	shalt  }
0x5e: {  	_ =	shalt  }
0x5f: {  	_ =	shalt  }
0x60: {  	_ =	shalt  }
0x61: {  	_ =	shalt  }
0x62: {  	_ =	shalt  }
0x63: {  	_ =	shalt  }
0x64: {  	_ =	shalt  }
0x65: {  	_ =	shalt  }
0x66: {  	_ =	shalt  }
0x67: {  	_ =	shalt  }
0x68: {  	_ =	shalt  }
0x69: {  	_ =	shalt  }
0x6a: {  	_ =	shalt  }
0x6b: {  	_ =	shalt  }
0x6c: {  	_ =	shalt  }
0x6d: {  	_ =	shalt  }
0x6e: {  	_ =	shalt  }
0x6f: {  	_ =	shalt  }
0x70: {  	_ =	shalt  }
0x71: {  	_ =	shalt  }
0x72: {  	_ =	shalt  }
0x73: {  	_ =	shalt  }
0x74: {  	_ =	shalt  }
0x75: {  	_ =	shalt  }
0x76: {  	_ =	shalt  }
0x77: {  	_ =	shalt  }
0x78: {  	_ =	shalt  }
0x79: {  	_ =	shalt  }
0x7a: {  	_ =	shalt  }
0x7b: {  	_ =	shalt  }
0x7c: {  	_ =	shalt  }
0x7d: {  	_ =	shalt  }
0x7e: {  	_ =	shalt  }
0x7f: {  	_ =	shalt  }
0x80: {  	_ =	shalt  }
0x81: {  	_ =	shalt  }
0x82: {  	_ =	shalt  }
0x83: {  	_ =	shalt  }
0x84: {  	_ =	shalt  }
0x85: {  	_ =	shalt  }
0x86: {  	_ =	shalt  }
0x87: {  	_ =	shalt  }
.Lfunc_end0:
.L_simem_size_0:
called_computation_lowered:
.L_overlay_start_0:
0x88: {  	s2 =	sld [smem:$0x3FD9]  }
0x89: {  	s3 =	sld [smem:$0x3FFE];
	_ =	sdelay $0x1  }
0x8a: {  	s1 =	srdreg.scid  }
0x8b: {  	s0 =	sand.u32 $0x1, s1  }
0x8c: {  	s17 =	sshll.u32 s0, $0xA;
	s2 =	sadd.s32 s3, s2  }
0x8d: {  	s2 =	sadd.s32 s2, s17  }
0x8e: {  	[smem:$0x3FC2] =	sst s2  }
0x8f: {  	_ = 	snop  }
0x90: {  	s2 =	sld [smem:$0x3FD0];
	(tm) =	ssettm $0x1  }
0x91: {  	s18 =	sld [smem:$0x3FFB];
	_ =	sdelay $0x3  }
0x92: {  	_ =	strace s18  }
0x93: {  	s3 =	sld [smem:$0x3FFC];
	_ =	sdelay $0x3  }
0x94: {  	_ =	strace s3  }
0x95: {  	s3 =	sld [smem:$0x3FFD];
	_ =	sdelay $0x3  }
0x96: {  	_ =	strace s3  }
0x97: {  	_ =	strace $0x8FFFFFFF  }
0x98: {  	s19 =	sld [smem:$0x3FDB];
	_ =	sdelay $0x1  }
0x99: {  	s4 =	simm.s32 $_scs_section_size  }
0x9a: {  	s5 =	simm.s32 $_size__tile_overlayer_lowered;
	s6 =	simm.s32 $_tile_overlayer_lowered  }
0x9b: {  	s22 =	simm.s32 $0x1BFF;
	s21 =	sshll.u32 s6, $0x1;
	s3 =	sadd.s32 s4, s19  }
0x9c: {  	s7 =	simm.s32 $0x0;
	s20 =	sshll.u32 s5, $0x1;
	s5 =	sadd.s32 s21, s3  }
0x9d: {  	[timem:s7], [sflag:s22] =	dma.local [hbm:s5], s20  }
0x9e: {  	_ =	swait.ge [sflag:s22], s20  }
0x9f: {  	s4 =	ssub.s32 $0x0, s20;
	[sflag:s22] =	ssyncset.done $0x0  }
0xa0: {  	[sflag:s22] =	ssyncadd.s32 s4;
	_ =	sdelay $0x1  }
0xa1: {  	s23 =	simm.s32 $0x1B8B  }
0xa2: {  	_ =	swait.ge [sflag:s23], $0x1  }
0xa3: {  	[sflag:s23] =	ssyncset.done $0x0  }
0xa4: {  	s25 =	simm.s32 $0x1B8E;
	s24 =	sld [smem:$0x3FFE];
	[sflag:s23] =	ssyncadd.s32 $0xFFFFFFFF  }
0xa5: {  	s26 =	simm.s32 $execute0_lowered;
	[smem:$0x3FD2] =	sst s25  }
0xa6: {  	s5 =	sshll.u32 s26, $0x1;
	_ =	strace $0x80000046;
	[dreg:$0x1] =	wrdreg $0xFFFFFFFF  }
0xa7: {  	s28 =	simm.s32 $_size_execute0_lowered;
	s3 =	sadd.s32 s3, s5;
	[dreg:$0x0] =	wrdreg $0x0  }
0xa8: {  	s5 =	sshll.u32 s28, $0x1;
	[dreg:$0x2] =	wrdreg s3  }
0xa9: {  	[dreg:$0x3] =	wrdreg s5  }
0xaa: {  	[dreg:$0x4] =	wrdreg $0xC0  }
0xab: {  	_ =	task [dreg:s7], $0x5FFFF  }
0xac: {  	[dreg:$0x1] =	wrdreg $0xFFFFFFFF  }
0xad: {  	[dreg:$0x0] =	wrdreg $0x60  }
0xae: {  	[dreg:$0x2] =	wrdreg s24  }
0xaf: {  	[dreg:$0x3] =	wrdreg s2  }
0xb0: {  	[dreg:$0x4] =	wrdreg $0x6EC00  }
0xb1: {  	[dreg:$0x5] =	wrdreg $0x9  }
0xb2: {  	_ =	task.clear_ibuf [dreg:s7], $0x6FFFF;
	_ =	strace $0x90000046  }
0xb3: {  	s29 =	simm.s32 $0x9;
	_ =	strace $0x80000048  }
0xb4: {  	_ =	swait.ge [sflag:s29], $0x1  }
0xb5: {  	[sflag:s29] =	ssyncadd.s32 $0xFFFFFFFF  }
0xb6: {  	_ =	strace $0x90000048  }
0xb7: {  	_ =	sfence  }
0xb8: {  	s30 =	sld [smem:$0x0];
	_ =	sdelay $0x2  }
0xb9: {  	s31 =	sshll.u32 s1, $0xD;
	s1 =	sshrl.u32 s1, $0x2  }
0xba: {  	s3 =	sand.u32 $0x4000, s31;
	s1 =	sadd.s32 s1, s30  }
0xbb: {  	s0 =	sor.u32 s3, s0;
	s1 =	sshll.u32 s1, $0x11  }
0xbc: {  	s0 =	sor.u32 s1, s0  }
0xbd: {  	s0 =	sadd.s32 $0x8F2B, s0  }
0xbe: {  	[sflag:s0] =	ssyncadd.remote.s32 $0x1  }
0xbf: {  	_ =	sfence.sel $0xFFFF  }
0xc0: {  	[dreg:$0x0] =	wrdreg $0xFFFFFFFF;
	(pc) =	sbr.abs _section_cstart, $3  }
0xc1: {  	[dreg:$0x1] =	wrdreg $0xFFFFFFFF  }
0xc2: {  	_ =	task.clear_ibuf [dreg:s7], $0x2FFFF;
	_ =	strace $0x9FFFFFFF  }
0xc3: {  	(tm) =	ssettm $0x7FFFFFFF  }
tec
execute0_lowered:
.L_overlay_start_1:
0x0: {  	(tag) =	ssettag $0x1  }
0x1: {  	s0 =	srdreg.scid;
	s3 =	rddreg [dreg:$0x0]  }
0x2: {  	s5 =	rddreg [dreg:$0x1];
	s10 =	stileid.u32  }
0x3: {  	s1 =	rddreg [dreg:$0x2];
	s2 =	simm.s32 $0x0;
	s11 =	simm.s32 $0x1  }
0x4: {  	s4 =	sand.u32 $0x1, s0;
	[smem:$0x7FF] =	sst s2;
	s7 =	smul.u32 $0x3200, s10  }
0x5: {  	p0 =	sne.s32 s10, $0x0;
	s0 =	sshll.u32 s4, $0x4;
	s31 =	ssub.s32 $0x2, s4  }
0x6: {  	s9 =	smul.u32 $0x1900, s4;
	s12 =	sshrl.u32 @!p0 s1, $0x3;
	s6 =	sor.u32 s10, s0  }
0x7: {  	s0 =	rddreg [dreg:$0x3];
	_ =	strace $0x80000047;
	s8 =	sshrl.u32 s31, $0x1  }
0x8: {  	s7 =	sshrl.u32 s7, $0x2;
	s10 =	simm.s32 $0x6200;
	s6 =	smul.u32 $0xC40, s6  }
0x9: {  	s8 =	ssub.s32 s31, s8;
	s5 =	sadd.s32 s5, s9;
	s9 =	simm.s32 $0x40  }
0xa: {  	s6 =	sadd.s32 s6, s3;
	s3 =	sadd.s32 s7, s1;
	s7 =	simm.s32 $0x6240  }
0xb: {  	v0 =	vimm.f32 $0.0e+00;
	v1 =	vimm.f32 $1.000000000e+00;
	s4 =	sadd.s32 $0x1800, s6;
	s6 =	smax.u32 s8, $0x1;
	s8 =	simm.s32 $0x2  }
.LBB2_1:
0xc: {  	s13 =	simm.s32 $0x40;
	s14 =	simm.s32 $0x0  }
.LBB2_2:
0xd: {  	p1 =	sne.s32 s13, $0x31C0;
	[tilespmem:s14+$0x6240] =	vst v0;
	s14 =	smov.u32 s13;
	s13 =	sadd.s32 $0x40, s13  }
.Ltmp0:
0xe: {  	(pc) =	sbr.rel @p1 .LBB2_2-.Ltmp0, $2  }
0xf: {  	_ =	sdelay $0x2  }
0x10: {  	s14 =	sshra.s32 s14, $0x2  }
0x11: {  	[tilespmem:s14+$0x6240] =	vst v0  }
0x12: {  	[tilespmem:$0x6200] =	vst v1  }
0x13: {  	[tilespmem:$0x6210] =	vst v1  }
0x14: {  	[tilespmem:$0x6220] =	vst v1  }
0x15: {  	[tilespmem:$0x6230] =	vst v1  }
0x16: {  	[spmem:s3] =	stream.linear.scatter [tilespmem:s7], [sflag:$0x2], $0xC80, $0x38;
	[tilespmem:$0x7B40] =	vst v63  }
0x17: {  	_ =	swait.ge [sflag:s8], $0xC80  }
0x18: {  	[sflag:s8] =	ssyncset.done $0x0  }
0x19: {  	s13 =	simm.s32 $0x0;
	[sflag:s8] =	ssyncadd.s32 $0xFFFFF380  }
0x1a: {  	[tilespmem:s13], [sflag:$0x2] =	stream.linear.gather [hbm4b:s4+s13], $0x6200, $0x38;
	[tilespmem:$0x7B40] =	vst v63  }
0x1b: {  	_ =	swait.ge [sflag:s8], $0x6200  }
0x1c: {  	[sflag:s8] =	ssyncset.done $0x0  }
0x1d: {  	[sflag:s8] =	ssyncadd.s32 $0xFFFF9E00  }
0x1e: {  	[bflag:$0x0] =	sbarrier.arrive $0xFFFF  }
.LBB2_4:
0x1f: {  	p1 =	sne.s32 s13, $0x18700  }
.Ltmp1:
0x20: {  	_ = 	snop;
	(pc) =	sbr.rel @p1 .LBB2_4-.Ltmp1, $3  }
0x21: {  	_ =	sdelay $0x1  }
0x22: {  	s14 =	sshra.s32 s13, $0x2;
	s13 =	sadd.s32 $0x100, s13  }
0x23: {  	[spmem:s1] =	stream.indirect.scatter.add.f32 [tilespmem:s10], [sflag:$0x1], $0x1, s14, s9, $0xb8;
	[tilespmem:$0x7B40] =	vst v63  }
0x24: {  	_ =	swait.ge [sflag:s11], $0x40  }
0x25: {  	s13 =	simm.s32 $0x187;
	[sflag:s11] =	ssyncset.done $0x0  }
.LBB2_6:
0x26: {  	p1 =	sne.s32 s13, $0x1;
	s13 =	sadd.s32 $0xFFFFFFFF, s13;
	[sflag:s11] =	ssyncadd.s32 $0xFFFFFFC0  }
.Ltmp2:
0x27: {  	(pc) =	sbr.rel @p1 .LBB2_6-.Ltmp2, $3  }
0x28: {  	_ =	sdelay $0x1  }
0x29: {  	_ =	swait.ge [sflag:s11], $0x40  }
0x2a: {  	[sflag:s11] =	ssyncset.done $0x0  }
0x2b: {  	[sflag:s11] =	ssyncadd.s32 $0xFFFFFFC0;
	s2 =	sadd.s32 $0x1, s2  }
0x2c: {  	s13 =	simm.s32 @!p0 $0x1C02;
	[bflag:$0x0] =	sbarrier.arrive $0xFFFF;
	p1 =	sne.s32 s2, s6  }
0x2d: {  	[hbm:s5], [sflag:s13] =	dma.local @!p0 [spmem:s12], $0x1900  }
.Ltmp3:
0x2e: {  	_ = 	snop;
	(pc) =	sbr.rel @p1 .LBB2_1-.Ltmp3, $4  }
0x2f: {  	s13 =	simm.s32 @!p0 $0x2  }
0x30: {  	_ =	swait.ge @!p0 [sflag:s13], $0x1900  }
0x31: {  	[sflag:s13] =	ssyncset.done @!p0 $0x0  }
0x32: {  	[sflag:s13] =	ssyncadd.s32 @!p0 $0xFFFFE700  }
0x33: {  	_ =	sfence.sel $0x180000  }
0x34: {  	[bflag:$0x0] =	sbarrier.arrive $0xFFFF  }
0x35: {  	_ =	strace $0x90000047  }
0x36: {  	s0 =	sadd.s32 @!p0 $0x100000, s0;
	[bflag:$0x2] =	sbarrier.arrive $0xFFFF  }
0x37: {  	[sflag:s0] =	ssyncadd.tile.s32 @!p0 $0x1;
	_ =	shalt  }
.Lfunc_end2:
_tile_overlayer_lowered:
.L_overlay_start_2:
0x38: {  	(tag) =	ssettag $0x2  }
0x39: {  	s0 =	rddreg [dreg:$0x0];
	s2 =	stileid.u32  }
0x3a: {  	s1 =	rddreg [dreg:$0x1];
	p0 =	sne.s32 s2, $0x0  }
0x3b: {  	s3 =	rddreg [dreg:$0x2];
	[bflag:$0x3] =	sbarrier.arrive $0xFFFF;
	s2 =	simm.s32 @!p0 $0x1C02  }
0x3c: {  	[timem:s3], [sflag:s2] =	dma.local @!p0 [hbm:s0], s1  }
0x3d: {  	s0 =	simm.s32 @!p0 $0x2  }
0x3e: {  	_ =	swait.ge @!p0 [sflag:s0], s1  }
0x3f: {  	s1 =	ssub.s32 @!p0 $0x0, s1;
	[sflag:s0] =	ssyncset.done @!p0 $0x0  }
0x40: {  	[sflag:s0] =	ssyncadd.s32 @!p0 s1  }
0x41: {  	[bflag:$0x3] =	sbarrier.arrive $0xFFFF  }
0x42: {  	_ =	shalt  }

// kernel: kernel.9.cloned.1.call-start
scs
__scs_entry_jumppad:
0x0: {  	(pc) =	sbr.rel $0x88, $3  }
0x1: {  	(tag) =	ssettag $0x0;
	lr =	simm.s32 $0x1  }
0x2: {  	[smem:$0x3F9B] =	sst lr;
	_ =	strace $0xD0000000  }
0x3: {  	_ = 	snop  }
0x4: {  	_ = 	snop  }
0x5: {  	_ = 	snop  }
0x6: {  	_ = 	snop  }
0x7: {  	_ = 	snop  }
__scs_overlays_trampoline_lowered:
0x8: {  	[smem:$0x3FAA] =	sst s0  }
0x9: {  	[smem:$0x3FAB] =	sst s1  }
0xa: {  	[smem:$0x3FAC] =	sst s2  }
0xb: {  	[smem:$0x3FAD] =	sst s3  }
0xc: {  	[smem:$0x3FAE] =	sst s4  }
0xd: {  	[smem:$0x3FAF] =	sst s5  }
0xe: {  	[smem:$0x3FB0] =	sst s6  }
0xf: {  	[smem:$0x3FB1] =	sst s7  }
0x10: {  	[smem:$0x3FB2] =	sst s8  }
0x11: {  	[smem:$0x3FB3] =	sst s9;
	s0 =	simm.s32 @!p0 $0x0  }
0x12: {  	s1 =	sld [smem:$0x3F99];
	s0 =	simm.s32 @p0 $0x1  }
0x13: {  	[smem:$0x3FB4] =	sst s0;
	s0 =	simm.s32 @!p1 $0x0  }
0x14: {  	s2 =	sld [smem:$0x3F98];
	s0 =	simm.s32 @p1 $0x1  }
0x15: {  	[smem:$0x3FB5] =	sst s0;
	s0 =	simm.s32 @!p2 $0x0  }
0x16: {  	s3 =	sld [smem:$0x3FDB];
	s0 =	simm.s32 @p2 $0x1  }
0x17: {  	s4 =	simm.s32 $0x1BF5;
	[smem:$0x3FB7] =	sst s0  }
0x18: {  	s0 =	sld [smem:$0x3F9A];
	_ =	swait.ge [sflag:s4], $0x0  }
0x19: {  	s7 =	sld [smem:$0x3F9B]  }
0x1a: {  	s8 =	sadd.s32 $0xFFFFE003, lr  }
0x1b: {  	s9 =	sadd.s32 $0xFFFFFEF7, lr;
	s5 =	simm.s32 $0xFFFFFFFF;
	p2 =	slt.u32 s8, $0xFFFFF086  }
0x1c: {  	p1 =	slt.u32 s9, $0xF7A;
	s5 =	simm.s32 @!p2 $0x0  }
0x1d: {  	s5 =	simm.s32 @p1 $0x1;
	p0 =	seq.s32 s7, s2  }
0x1e: {  	s7 =	smul.u32 @!p0 $0xF7A, s2;
	p2 =	seq.s32 @!p0 s5, $0x0  }
0x1f: {  	s9 =	smul.u32 $0xF7A, s1;
	s8 =	simm.s32 @!p0 $0x1BF5;
	p2 =	por !p2, p0  }
0x20: {  	[sflag:s8] =	ssyncset.s32 @!p0 $0xFFFFF086;
	s6 =	sadd.s32 @!p0 s3, s7;
	s7 =	simm.s32 @!p0 $0x108  }
0x21: {  	s3 =	sadd.s32 s3, s9;
	s6 =	sadd.s32 @!p0 $0x88, s6;
	s7 =	simm.s32 @p2 $0x1082  }
0x22: {  	[simem:s7], [sflag:s8] =	dma.local @!p0 [hbm:s6], $0xF7A  }
0x23: {  	s9 =	sor.u32 $0xD0000000, s2;
	s6 =	simm.s32 $0x108;
	_ =	swait.ge @!p0 [sflag:s8], $0x0  }
0x24: {  	s3 =	sadd.s32 $0x88, s3;
	s6 =	simm.s32 @!p1 $0x1082;
	[sflag:s4] =	ssyncset.s32 $0xFFFFF086  }
0x25: {  	[simem:s6], [sflag:s4] =	dma.local [hbm:s3], $0xF7A  }
0x26: {  	[smem:$0x3F9B] =	sst s1;
	(tag) =	ssettag s2;
	_ =	strace s9  }
0x27: {  	s1 =	sld [smem:$0x3FAB]  }
0x28: {  	s2 =	sld [smem:$0x3FAC]  }
0x29: {  	s4 =	sld [smem:$0x3FAE]  }
0x2a: {  	p0 =	seq.s32 s5, $0x0;
	s5 =	sld [smem:$0x3FAF]  }
0x2b: {  	s6 =	sld [smem:$0x3FB0]  }
0x2c: {  	s7 =	sld [smem:$0x3FB1]  }
0x2d: {  	s3 =	simm.s32 $0x108;
	s8 =	sld [smem:$0x3FB2]  }
0x2e: {  	s3 =	simm.s32 @!p0 $0x1082;
	s9 =	sld [smem:$0x3FB3]  }
0x2f: {  	lr =	sadd.s32 s0, s3;
	s0 =	sld [smem:$0x3FAA]  }
0x30: {  	s3 =	sld [smem:$0x3FAD]  }
0x31: {  	[smem:$0x3FB6] =	sst s10  }
0x32: {  	s10 =	sld [smem:$0x3FB4];
	_ =	sdelay $0x3  }
0x33: {  	p0 =	seq.s32 s10, $0x1;
	s10 =	sld [smem:$0x3FB6];
	_ =	sdelay $0x3  }
0x34: {  	[smem:$0x3FB6] =	sst s10  }
0x35: {  	s10 =	sld [smem:$0x3FB5];
	_ =	sdelay $0x3  }
0x36: {  	p1 =	seq.s32 s10, $0x1;
	s10 =	sld [smem:$0x3FB6];
	_ =	sdelay $0x3  }
0x37: {  	[smem:$0x3FB6] =	sst s10  }
0x38: {  	s10 =	sld [smem:$0x3FB7]  }
0x39: {  	_ = 	snop;
	(pc) =	sbr.ind lr, $3  }
0x3a: {  	_ = 	snop  }
0x3b: {  	_ = 	snop  }
0x3c: {  	p2 =	seq.s32 s10, $0x1;
	s10 =	sld [smem:$0x3FB6]  }
0x3d: {  	_ =	shalt  }
0x3e: {  	_ =	shalt  }
0x3f: {  	_ =	shalt  }
0x40: {  	_ =	shalt  }
0x41: {  	_ =	shalt  }
0x42: {  	_ =	shalt  }
0x43: {  	_ =	shalt  }
0x44: {  	_ =	shalt  }
0x45: {  	_ =	shalt  }
0x46: {  	_ =	shalt  }
0x47: {  	_ =	shalt  }
0x48: {  	_ =	shalt  }
0x49: {  	_ =	shalt  }
0x4a: {  	_ =	shalt  }
0x4b: {  	_ =	shalt  }
0x4c: {  	_ =	shalt  }
0x4d: {  	_ =	shalt  }
0x4e: {  	_ =	shalt  }
0x4f: {  	_ =	shalt  }
0x50: {  	_ =	shalt  }
0x51: {  	_ =	shalt  }
0x52: {  	_ =	shalt  }
0x53: {  	_ =	shalt  }
0x54: {  	_ =	shalt  }
0x55: {  	_ =	shalt  }
0x56: {  	_ =	shalt  }
0x57: {  	_ =	shalt  }
0x58: {  	_ =	shalt  }
0x59: {  	_ =	shalt  }
0x5a: {  	_ =	shalt  }
0x5b: {  	_ =	shalt  }
0x5c: {  	_ =	shalt  }
0x5d: {  	_ =	shalt  }
0x5e: {  	_ =	shalt  }
0x5f: {  	_ =	shalt  }
0x60: {  	_ =	shalt  }
0x61: {  	_ =	shalt  }
0x62: {  	_ =	shalt  }
0x63: {  	_ =	shalt  }
0x64: {  	_ =	shalt  }
0x65: {  	_ =	shalt  }
0x66: {  	_ =	shalt  }
0x67: {  	_ =	shalt  }
0x68: {  	_ =	shalt  }
0x69: {  	_ =	shalt  }
0x6a: {  	_ =	shalt  }
0x6b: {  	_ =	shalt  }
0x6c: {  	_ =	shalt  }
0x6d: {  	_ =	shalt  }
0x6e: {  	_ =	shalt  }
0x6f: {  	_ =	shalt  }
0x70: {  	_ =	shalt  }
0x71: {  	_ =	shalt  }
0x72: {  	_ =	shalt  }
0x73: {  	_ =	shalt  }
0x74: {  	_ =	shalt  }
0x75: {  	_ =	shalt  }
0x76: {  	_ =	shalt  }
0x77: {  	_ =	shalt  }
0x78: {  	_ =	shalt  }
0x79: {  	_ =	shalt  }
0x7a: {  	_ =	shalt  }
0x7b: {  	_ =	shalt  }
0x7c: {  	_ =	shalt  }
0x7d: {  	_ =	shalt  }
0x7e: {  	_ =	shalt  }
0x7f: {  	_ =	shalt  }
0x80: {  	_ =	shalt  }
0x81: {  	_ =	shalt  }
0x82: {  	_ =	shalt  }
0x83: {  	_ =	shalt  }
0x84: {  	_ =	shalt  }
0x85: {  	_ =	shalt  }
0x86: {  	_ =	shalt  }
0x87: {  	_ =	shalt  }
.Lfunc_end0:
.L_simem_size_0:
called_computation.1_lowered:
.L_overlay_start_0:
0x88: {  	s2 =	sld [smem:$0x3FD9]  }
0x89: {  	s3 =	sld [smem:$0x3FFE];
	_ =	sdelay $0x1  }
0x8a: {  	s1 =	srdreg.scid  }
0x8b: {  	s0 =	sand.u32 $0x1, s1  }
0x8c: {  	s17 =	sshll.u32 s0, $0xA;
	s2 =	sadd.s32 s3, s2  }
0x8d: {  	s2 =	sadd.s32 s2, s17  }
0x8e: {  	[smem:$0x3FC2] =	sst s2  }
0x8f: {  	_ = 	snop  }
0x90: {  	s2 =	sld [smem:$0x3FD0];
	(tm) =	ssettm $0x1  }
0x91: {  	s18 =	sld [smem:$0x3FFB];
	_ =	sdelay $0x3  }
0x92: {  	_ =	strace s18  }
0x93: {  	s3 =	sld [smem:$0x3FFC];
	_ =	sdelay $0x3  }
0x94: {  	_ =	strace s3  }
0x95: {  	s3 =	sld [smem:$0x3FFD];
	_ =	sdelay $0x3  }
0x96: {  	_ =	strace s3  }
0x97: {  	_ =	strace $0x8FFFFFFF  }
0x98: {  	s19 =	sld [smem:$0x3FDB];
	_ =	sdelay $0x1  }
0x99: {  	s4 =	simm.s32 $_scs_section_size  }
0x9a: {  	s5 =	simm.s32 $_size__tile_overlayer_lowered;
	s6 =	simm.s32 $_tile_overlayer_lowered  }
0x9b: {  	s22 =	simm.s32 $0x1BFF;
	s21 =	sshll.u32 s6, $0x1;
	s3 =	sadd.s32 s4, s19  }
0x9c: {  	s7 =	simm.s32 $0x0;
	s20 =	sshll.u32 s5, $0x1;
	s5 =	sadd.s32 s21, s3  }
0x9d: {  	[timem:s7], [sflag:s22] =	dma.local [hbm:s5], s20  }
0x9e: {  	_ =	swait.ge [sflag:s22], s20  }
0x9f: {  	s4 =	ssub.s32 $0x0, s20;
	[sflag:s22] =	ssyncset.done $0x0  }
0xa0: {  	[sflag:s22] =	ssyncadd.s32 s4;
	_ =	sdelay $0x1  }
0xa1: {  	s23 =	simm.s32 $0x1B8B  }
0xa2: {  	_ =	swait.ge [sflag:s23], $0x1  }
0xa3: {  	[sflag:s23] =	ssyncset.done $0x0  }
0xa4: {  	s25 =	simm.s32 $0x1B8E;
	s24 =	sld [smem:$0x3FFE];
	[sflag:s23] =	ssyncadd.s32 $0xFFFFFFFF  }
0xa5: {  	s26 =	simm.s32 $execute0_lowered;
	[smem:$0x3FD2] =	sst s25  }
0xa6: {  	s5 =	sshll.u32 s26, $0x1;
	_ =	strace $0x80000049;
	[dreg:$0x1] =	wrdreg $0xFFFFFFFF  }
0xa7: {  	s28 =	simm.s32 $_size_execute0_lowered;
	s3 =	sadd.s32 s3, s5;
	[dreg:$0x0] =	wrdreg $0x0  }
0xa8: {  	s5 =	sshll.u32 s28, $0x1;
	[dreg:$0x2] =	wrdreg s3  }
0xa9: {  	[dreg:$0x3] =	wrdreg s5  }
0xaa: {  	[dreg:$0x4] =	wrdreg $0xC0  }
0xab: {  	_ =	task [dreg:s7], $0x5FFFF  }
0xac: {  	[dreg:$0x1] =	wrdreg $0xFFFFFFFF  }
0xad: {  	[dreg:$0x0] =	wrdreg $0x60  }
0xae: {  	[dreg:$0x2] =	wrdreg s2  }
0xaf: {  	[dreg:$0x3] =	wrdreg s24  }
0xb0: {  	[dreg:$0x4] =	wrdreg $0x50000  }
0xb1: {  	[dreg:$0x5] =	wrdreg $0x9  }
0xb2: {  	_ =	task.clear_ibuf [dreg:s7], $0x6FFFF;
	_ =	strace $0x90000049  }
0xb3: {  	s29 =	simm.s32 $0x9;
	_ =	strace $0x8000004B  }
0xb4: {  	_ =	swait.ge [sflag:s29], $0x1  }
0xb5: {  	[sflag:s29] =	ssyncadd.s32 $0xFFFFFFFF  }
0xb6: {  	_ =	strace $0x9000004B  }
0xb7: {  	_ =	sfence  }
0xb8: {  	s30 =	sld [smem:$0x0];
	_ =	sdelay $0x2  }
0xb9: {  	s31 =	sshll.u32 s1, $0xD;
	s1 =	sshrl.u32 s1, $0x2  }
0xba: {  	s3 =	sand.u32 $0x4000, s31;
	s1 =	sadd.s32 s1, s30  }
0xbb: {  	s0 =	sor.u32 s3, s0;
	s1 =	sshll.u32 s1, $0x11  }
0xbc: {  	s0 =	sor.u32 s1, s0  }
0xbd: {  	s0 =	sadd.s32 $0x8F2B, s0  }
0xbe: {  	[sflag:s0] =	ssyncadd.remote.s32 $0x1  }
0xbf: {  	_ =	sfence.sel $0xFFFF  }
0xc0: {  	[dreg:$0x0] =	wrdreg $0xFFFFFFFF;
	(pc) =	sbr.abs _section_cstart, $3  }
0xc1: {  	[dreg:$0x1] =	wrdreg $0xFFFFFFFF  }
0xc2: {  	_ =	task.clear_ibuf [dreg:s7], $0x2FFFF;
	_ =	strace $0x9FFFFFFF  }
0xc3: {  	(tm) =	ssettm $0x7FFFFFFF  }
tec
execute0_lowered:
.L_overlay_start_1:
0x0: {  	(tag) =	ssettag $0x1  }
0x1: {  	s2 =	rddreg [dreg:$0x0]  }
0x2: {  	s0 =	rddreg [dreg:$0x1]  }
0x3: {  	s3 =	rddreg [dreg:$0x2];
	s12 =	stileid.u32;
	s4 =	simm.s32 $0x0  }
0x4: {  	s5 =	srdreg.scid;
	s16 =	simm.s32 $0x6;
	s17 =	simm.s32 $0x400  }
0x5: {  	s18 =	simm.s32 $0x1;
	s19 =	simm.s32 $0x80;
	s28 =	simm.s32 $0x2  }
0x6: {  	s31 =	simm.s32 $0x3;
	s15 =	simm.s32 $0x0;
	s1 =	smul.u32 $0x1880, s12  }
0x7: {  	[smem:$0x7FF] =	sst s4;
	s6 =	sand.u32 $0x1, s5;
	s7 =	smul.u32 $0x64000, s12  }
0x8: {  	s5 =	sadd.s32 $0x1A000, s0;
	s11 =	smul.u32 $0x19000, s12;
	s25 =	sshll.u32 s12, $0x6  }
0x9: {  	_ =	strace $0x8000004A;
	s8 =	sshll.u32 s6, $0x5;
	s9 =	ssub.s32 $0x2, s6  }
0xa: {  	p0 =	seq.s32 s6, $0x0;
	s12 =	sor.u32 $0x1C06, s25;
	s1 =	sadd.s32 s1, s0  }
0xb: {  	s8 =	sor.u32 s8, s7;
	s10 =	sshrl.u32 s9, $0x1;
	s21 =	sadd.s32 s11, s3  }
0xc: {  	s11 =	sshrl.u32 s11, $0x3;
	s24 =	sshrl.u32 s7, $0x2;
	s7 =	simm.s32 $0x380  }
0xd: {  	[dreg:$0x9] =	wrdreg s12;
	s8 =	sshrl.u32 s8, $0x3;
	s20 =	ssub.s32 s9, s10  }
0xe: {  	s22 =	sadd.s32 $0xDD600, s1;
	s23 =	sadd.s32 $0x1800, s1;
	s9 =	smov.u32 s5  }
0xf: {  	s29 =	sadd.s32 $0x1880, s1;
	s1 =	sadd.s32 $0xDD680, s1;
	[dreg:$0x4] =	wrdreg s22  }
0x10: {  	s30 =	sshrl.u32 s21, $0x3;
	s21 =	simm.s32 $0x2000;
	[dreg:$0x5] =	wrdreg s23  }
0x11: {  	s10 =	simm.s32 $0x680;
	s0 =	sadd.s32 s8, s0;
	[dreg:$0xa] =	wrdreg s29  }
0x12: {  	s9 =	smov.u32 @p0 s2;
	s8 =	smax.u32 s20, $0x1;
	[dreg:$0xb] =	wrdreg s1  }
0x13: {  	[dreg:$0xc] =	wrdreg s30;
	s20 =	simm.s32 $0x1000;
	s23 =	simm.s32 $0x3000  }
.Ltmp0:
0x14: {  	p0 =	sne.s32 s6, $0x0;
	s6 =	simm.s32 $0x580;
	(pc) =	sbr.rel .LBB2_1-.Ltmp0, $4  }
0x15: {  	s0 =	sadd.s32 $0xF5E00, s0;
	[dreg:$0x7] =	wrdreg s8;
	s26 =	sadd.s32 s9, s11  }
0x16: {  	s8 =	simm.s32 $0x5;
	[dreg:$0x6] =	wrdreg s0;
	s0 =	sadd.s32 s24, s3  }
0x17: {  	s11 =	simm.s32 $0x780;
	[dreg:$0x8] =	wrdreg s26;
	s0 =	sshrl.u32 s0, $0x3  }
0x18: {  	s26 =	simm.s32 $0x4000;
	s24 =	simm.s32 $0x4;
	[dreg:$0xd] =	wrdreg s0  }
.LBB2_7:
0x19: {  	[bflag:$0x0] =	sbarrier.arrive $0xFFFF  }
0x1a: {  	s0 =	rddreg [dreg:$0x6]  }
0x1b: {  	s12 =	rddreg [dreg:$0x9]  }
0x1c: {  	s13 =	simm.s32 $0x10;
	s1 =	rddreg [dreg:$0xd]  }
0x1d: {  	[hbm:s0@s13], [sflag:s12] =	dma.strided [spmem:s1@s24], $0x3200, s18, $0x4   }
0x1e: {  	_ =	swait.ge [sflag:s16], $0x3200  }
0x1f: {  	s15 =	sadd.s32 $0x1, s15;
	s30 =	rddreg [dreg:$0x7]  }
0x20: {  	p1 =	sne.s32 s15, s30  }
.Ltmp1:
0x21: {  	_ = 	snop;
	(pc) =	sbr.rel @!p1 .LBB2_8-.Ltmp1, $3  }
0x22: {  	_ =	sdelay $0x1  }
0x23: {  	[sflag:s16] =	ssyncset.done $0x0  }
0x24: {  	[sflag:s16] =	ssyncadd.s32 $0xFFFFCE00  }
.LBB2_1:
0x25: {  	s0 =	rddreg [dreg:$0x8]  }
0x26: {  	s1 =	rddreg [dreg:$0xc]  }
0x27: {  	[spmem:s1], [sflag:s12] =	dma.local [hbm:s0], $0x3200  }
0x28: {  	_ =	swait.ge [sflag:s16], $0x3200  }
0x29: {  	[sflag:s16] =	ssyncset.done $0x0  }
0x2a: {  	s22 =	rddreg [dreg:$0x4];
	[sflag:s16] =	ssyncadd.s32 $0xFFFFCE00  }
0x2b: {  	[tilespmem:s4], [sflag:$0x1] =	stream.linear.gather [hbm4b:s22+s4], $0x400, $0x38;
	[tilespmem:$0x1E000] =	vst v63  }
0x2c: {  	s25 =	rddreg [dreg:$0x5]  }
0x2d: {  	[tilespmem:s17], [sflag:$0x1] =	stream.linear.gather [hbm4b:s25+s4], $0x400, $0x38;
	[tilespmem:$0x1E000] =	vst v63  }
0x2e: {  	_ =	swait.ge [sflag:s18], $0x400  }
0x2f: {  	[sflag:s18] =	ssyncset.done $0x0  }
0x30: {  	[sflag:s18] =	ssyncadd.s32 $0xFFFFFC00  }
0x31: {  	_ =	swait.ge [sflag:s18], $0x400  }
0x32: {  	[sflag:s18] =	ssyncset.done $0x0  }
0x33: {  	[sflag:s18] =	ssyncadd.s32 $0xFFFFFC00  }
0x34: {  	[bflag:$0x0] =	sbarrier.arrive $0xFFFF  }
0x35: {  	[tilespmem:s20], [sflag:$0x2] =	stream.indirect.gather [hbm4b:s9+s19], $0x20, s4, s19, $0xb8;
	[tilespmem:$0x1E000] =	vst v63  }
0x36: {  	_ = 	snop  }
0x37: {  	[tilespmem:s21], [sflag:$0x3] =	stream.indirect.gather [hbm4b:s9+s19], $0x20, s19, s19, $0xb8;
	[tilespmem:$0x1E000] =	vst v63  }
.Ltmp2:
0x38: {  	_ = 	snop;
	(pc) =	sbr.rel .LBB2_2-.Ltmp2, $4  }
0x39: {  	s29 =	simm.s32 $0x100;
	s13 =	rddreg [dreg:$0xb]  }
0x3a: {  	[tilespmem:s23], [sflag:$0x4] =	stream.indirect.gather [hbm4b:s9+s19], $0x20, s29, s19, $0xb8;
	[tilespmem:$0x1E000] =	vst v63  }
0x3b: {  	s30 =	simm.s32 $0x180;
	s25 =	simm.s32 $0x0;
	s14 =	rddreg [dreg:$0xa]  }
0x3c: {  	[tilespmem:s26], [sflag:$0x5] =	stream.indirect.gather [hbm4b:s9+s19], $0x20, s30, s19, $0xb8;
	[tilespmem:$0x1E000] =	vst v63  }
.LBB2_5:
0x3d: {  	[tilespmem:s4], [sflag:$0x1] =	stream.linear.gather [hbm4b:s13+s4], $0x400, $0x38;
	[tilespmem:$0x1E000] =	vst v63  }
0x3e: {  	_ = 	snop  }
0x3f: {  	[tilespmem:s17], [sflag:$0x1] =	stream.linear.gather [hbm4b:s14+s4], $0x400, $0x38;
	[tilespmem:$0x1E000] =	vst v63  }
0x40: {  	_ =	swait.ge [sflag:s28], $0x1000  }
0x41: {  	[sflag:s28] =	ssyncset.done $0x0  }
0x42: {  	s0 =	simm.s32 $0xC00;
	[sflag:s28] =	ssyncadd.s32 $0xFFFFF000  }
0x43: {  	[spmem:s3] =	stream.indirect.scatter.add.f32 [tilespmem:s20], [sflag:$0x6], $0x20, s0, s19, $0xb8;
	[tilespmem:$0x1E000] =	vst v63  }
0x44: {  	_ =	swait.ge [sflag:s16], $0x1000  }
0x45: {  	[sflag:s16] =	ssyncset.done $0x0  }
0x46: {  	s29 =	simm.s32 $0xA00;
	[sflag:s16] =	ssyncadd.s32 $0xFFFFF000  }
0x47: {  	[tilespmem:s20], [sflag:$0x2] =	stream.indirect.gather [hbm4b:s9+s19], $0x20, s29, s19, $0xb8;
	[tilespmem:$0x1E000] =	vst v63  }
0x48: {  	_ =	swait.ge [sflag:s31], $0x1000  }
0x49: {  	[sflag:s31] =	ssyncset.done $0x0  }
0x4a: {  	s30 =	simm.s32 $0xC80;
	[sflag:s31] =	ssyncadd.s32 $0xFFFFF000  }
0x4b: {  	[spmem:s3] =	stream.indirect.scatter.add.f32 [tilespmem:s21], [sflag:$0x6], $0x20, s30, s19, $0xb8;
	[tilespmem:$0x1E000] =	vst v63  }
0x4c: {  	_ =	swait.ge [sflag:s16], $0x1000  }
0x4d: {  	[sflag:s16] =	ssyncset.done $0x0  }
0x4e: {  	s1 =	simm.s32 $0xA80;
	[sflag:s16] =	ssyncadd.s32 $0xFFFFF000  }
0x4f: {  	[tilespmem:s21], [sflag:$0x3] =	stream.indirect.gather [hbm4b:s9+s19], $0x20, s1, s19, $0xb8;
	[tilespmem:$0x1E000] =	vst v63  }
0x50: {  	_ =	swait.ge [sflag:s24], $0x1000  }
0x51: {  	[sflag:s24] =	ssyncset.done $0x0  }
0x52: {  	s12 =	simm.s32 $0xD00;
	[sflag:s24] =	ssyncadd.s32 $0xFFFFF000  }
0x53: {  	[spmem:s3] =	stream.indirect.scatter.add.f32 [tilespmem:s23], [sflag:$0x6], $0x20, s12, s19, $0xb8;
	[tilespmem:$0x1E000] =	vst v63  }
0x54: {  	_ =	swait.ge [sflag:s16], $0x1000  }
0x55: {  	[sflag:s16] =	ssyncset.done $0x0  }
0x56: {  	s22 =	simm.s32 $0xB00;
	[sflag:s16] =	ssyncadd.s32 $0xFFFFF000  }
0x57: {  	[tilespmem:s23], [sflag:$0x4] =	stream.indirect.gather [hbm4b:s9+s19], $0x20, s22, s19, $0xb8;
	[tilespmem:$0x1E000] =	vst v63  }
0x58: {  	_ =	swait.ge [sflag:s8], $0x1000  }
0x59: {  	[sflag:s8] =	ssyncset.done $0x0  }
0x5a: {  	s29 =	simm.s32 $0xD80;
	[sflag:s8] =	ssyncadd.s32 $0xFFFFF000  }
0x5b: {  	[spmem:s3] =	stream.indirect.scatter.add.f32 [tilespmem:s26], [sflag:$0x6], $0x20, s29, s19, $0xb8;
	[tilespmem:$0x1E000] =	vst v63  }
0x5c: {  	_ =	swait.ge [sflag:s16], $0x1000  }
0x5d: {  	[sflag:s16] =	ssyncset.done $0x0  }
0x5e: {  	s30 =	simm.s32 $0xB80;
	[sflag:s16] =	ssyncadd.s32 $0xFFFFF000  }
0x5f: {  	[tilespmem:s26], [sflag:$0x5] =	stream.indirect.gather [hbm4b:s9+s19], $0x20, s30, s19, $0xb8;
	[tilespmem:$0x1E000] =	vst v63  }
0x60: {  	_ =	swait.ge [sflag:s18], $0x400  }
0x61: {  	[sflag:s18] =	ssyncset.done $0x0  }
0x62: {  	[sflag:s18] =	ssyncadd.s32 $0xFFFFFC00  }
0x63: {  	_ =	swait.ge [sflag:s18], $0x400  }
0x64: {  	[sflag:s18] =	ssyncset.done $0x0  }
0x65: {  	[sflag:s18] =	ssyncadd.s32 $0xFFFFFC00  }
0x66: {  	_ =	swait.ge [sflag:s28], $0x1000  }
0x67: {  	[sflag:s28] =	ssyncset.done $0x0  }
0x68: {  	s1 =	simm.s32 $0xE00;
	[sflag:s28] =	ssyncadd.s32 $0xFFFFF000  }
0x69: {  	[spmem:s3] =	stream.indirect.scatter.add.f32 [tilespmem:s20], [sflag:$0x6], $0x20, s1, s19, $0xb8;
	[tilespmem:$0x1E000] =	vst v63  }
0x6a: {  	_ =	swait.ge [sflag:s16], $0x1000  }
0x6b: {  	[sflag:s16] =	ssyncset.done $0x0  }
0x6c: {  	[sflag:s16] =	ssyncadd.s32 $0xFFFFF000  }
0x6d: {  	[tilespmem:s20], [sflag:$0x2] =	stream.indirect.gather [hbm4b:s9+s19], $0x20, s4, s19, $0xb8;
	[tilespmem:$0x1E000] =	vst v63  }
0x6e: {  	_ =	swait.ge [sflag:s31], $0x1000  }
0x6f: {  	[sflag:s31] =	ssyncset.done $0x0  }
0x70: {  	s12 =	simm.s32 $0xE80;
	[sflag:s31] =	ssyncadd.s32 $0xFFFFF000  }
0x71: {  	[spmem:s3] =	stream.indirect.scatter.add.f32 [tilespmem:s21], [sflag:$0x6], $0x20, s12, s19, $0xb8;
	[tilespmem:$0x1E000] =	vst v63  }
0x72: {  	_ =	swait.ge [sflag:s16], $0x1000  }
0x73: {  	[sflag:s16] =	ssyncset.done $0x0  }
0x74: {  	[sflag:s16] =	ssyncadd.s32 $0xFFFFF000  }
0x75: {  	[tilespmem:s21], [sflag:$0x3] =	stream.indirect.gather [hbm4b:s9+s19], $0x20, s19, s19, $0xb8;
	[tilespmem:$0x1E000] =	vst v63  }
0x76: {  	_ =	swait.ge [sflag:s24], $0x1000  }
0x77: {  	[sflag:s24] =	ssyncset.done $0x0  }
0x78: {  	s22 =	simm.s32 $0xF00;
	[sflag:s24] =	ssyncadd.s32 $0xFFFFF000  }
0x79: {  	[spmem:s3] =	stream.indirect.scatter.add.f32 [tilespmem:s23], [sflag:$0x6], $0x20, s22, s19, $0xb8;
	[tilespmem:$0x1E000] =	vst v63  }
0x7a: {  	_ =	swait.ge [sflag:s16], $0x1000  }
0x7b: {  	[sflag:s16] =	ssyncset.done $0x0  }
0x7c: {  	s29 =	simm.s32 $0x100;
	[sflag:s16] =	ssyncadd.s32 $0xFFFFF000  }
0x7d: {  	[tilespmem:s23], [sflag:$0x4] =	stream.indirect.gather [hbm4b:s9+s19], $0x20, s29, s19, $0xb8;
	[tilespmem:$0x1E000] =	vst v63  }
0x7e: {  	_ =	swait.ge [sflag:s8], $0x1000  }
0x7f: {  	[sflag:s8] =	ssyncset.done $0x0  }
0x80: {  	s30 =	simm.s32 $0xF80;
	[sflag:s8] =	ssyncadd.s32 $0xFFFFF000  }
0x81: {  	[spmem:s3] =	stream.indirect.scatter.add.f32 [tilespmem:s26], [sflag:$0x6], $0x20, s30, s19, $0xb8;
	[tilespmem:$0x1E000] =	vst v63  }
0x82: {  	_ =	swait.ge [sflag:s16], $0x1000  }
0x83: {  	s0 =	simm.s32 @p0 $0x80;
	[sflag:s16] =	ssyncset.done $0x0  }
0x84: {  	s1 =	simm.s32 @p0 $0x180;
	s12 =	simm.s32 @p0 $0x4000;
	[sflag:s16] =	ssyncadd.s32 $0xFFFFF000  }
0x85: {  	[tilespmem:s12], [sflag:$0x5] =	stream.indirect.gather @p0 [hbm4b:s5+s0], $0x20, s1, s0, $0xb8;
	[tilespmem:$0x1E000] =	vst v63  }
0x86: {  	s0 =	simm.s32 @!p0 $0x80;
	s1 =	simm.s32 @!p0 $0x180;
	s12 =	simm.s32 @!p0 $0x4000  }
0x87: {  	[tilespmem:s12], [sflag:$0x5] =	stream.indirect.gather @!p0 [hbm4b:s2+s0], $0x20, s1, s0, $0xb8;
	[tilespmem:$0x1E000] =	vst v63  }
.LBB2_6:
0x88: {  	s25 =	sadd.s32 $0x1, s25  }
0x89: {  	p1 =	sne.s32 s25, $0x31  }
.Ltmp3:
0x8a: {  	_ = 	snop;
	(pc) =	sbr.rel @!p1 .LBB2_7-.Ltmp3, $2  }
0x8b: {  	_ =	sdelay $0x2  }
0x8c: {  	s14 =	sadd.s32 $0x80, s14;
	s13 =	sadd.s32 $0x80, s13  }
.LBB2_2:
0x8d: {  	s12 =	sand.u32 $0x1, s25  }
0x8e: {  	p1 =	seq.s32 s12, $0x1  }
.Ltmp4:
0x8f: {  	_ = 	snop;
	(pc) =	sbr.rel @p1 .LBB2_5-.Ltmp4, $1  }
0x90: {  	_ =	sdelay $0x3  }
0x91: {  	p1 =	seq.s32 s25, $0x30  }
0x92: {  	s29 =	simm.s32 @!p1 $0x0;
	s12 =	simm.s32 @!p1 $0x800  }
0x93: {  	[tilespmem:s12], [sflag:$0x1] =	stream.linear.gather @!p1 [hbm4b:s13+s29], $0x400, $0x38;
	[tilespmem:$0x1E000] =	vst v63  }
0x94: {  	s30 =	simm.s32 @!p1 $0xC00  }
0x95: {  	[tilespmem:s30], [sflag:$0x1] =	stream.linear.gather @!p1 [hbm4b:s14+s29], $0x400, $0x38;
	[tilespmem:$0x1E000] =	vst v63  }
0x96: {  	_ =	swait.ge [sflag:s28], $0x1000  }
0x97: {  	[sflag:s28] =	ssyncset.done $0x0  }
0x98: {  	[sflag:s28] =	ssyncadd.s32 $0xFFFFF000  }
0x99: {  	[spmem:s3] =	stream.indirect.scatter.add.f32 [tilespmem:s20], [sflag:$0x6], $0x20, s17, s19, $0xb8;
	[tilespmem:$0x1E000] =	vst v63  }
0x9a: {  	_ =	swait.ge [sflag:s16], $0x1000  }
0x9b: {  	[sflag:s16] =	ssyncset.done $0x0  }
0x9c: {  	s0 =	simm.s32 $0x200;
	[sflag:s16] =	ssyncadd.s32 $0xFFFFF000  }
0x9d: {  	[tilespmem:s20], [sflag:$0x2] =	stream.indirect.gather [hbm4b:s9+s19], $0x20, s0, s19, $0xb8;
	[tilespmem:$0x1E000] =	vst v63  }
0x9e: {  	_ =	swait.ge [sflag:s31], $0x1000  }
0x9f: {  	[sflag:s31] =	ssyncset.done $0x0  }
0xa0: {  	s1 =	simm.s32 $0x480;
	[sflag:s31] =	ssyncadd.s32 $0xFFFFF000  }
0xa1: {  	[spmem:s3] =	stream.indirect.scatter.add.f32 [tilespmem:s21], [sflag:$0x6], $0x20, s1, s19, $0xb8;
	[tilespmem:$0x1E000] =	vst v63  }
0xa2: {  	_ =	swait.ge [sflag:s16], $0x1000  }
0xa3: {  	[sflag:s16] =	ssyncset.done $0x0  }
0xa4: {  	s22 =	simm.s32 $0x280;
	[sflag:s16] =	ssyncadd.s32 $0xFFFFF000  }
0xa5: {  	[tilespmem:s21], [sflag:$0x3] =	stream.indirect.gather [hbm4b:s9+s19], $0x20, s22, s19, $0xb8;
	[tilespmem:$0x1E000] =	vst v63  }
0xa6: {  	_ =	swait.ge [sflag:s24], $0x1000  }
0xa7: {  	[sflag:s24] =	ssyncset.done $0x0  }
0xa8: {  	s29 =	simm.s32 $0x500;
	[sflag:s24] =	ssyncadd.s32 $0xFFFFF000  }
0xa9: {  	[spmem:s3] =	stream.indirect.scatter.add.f32 [tilespmem:s23], [sflag:$0x6], $0x20, s29, s19, $0xb8;
	[tilespmem:$0x1E000] =	vst v63  }
0xaa: {  	_ =	swait.ge [sflag:s16], $0x1000  }
0xab: {  	[sflag:s16] =	ssyncset.done $0x0  }
0xac: {  	s30 =	simm.s32 $0x300;
	[sflag:s16] =	ssyncadd.s32 $0xFFFFF000  }
0xad: {  	[tilespmem:s23], [sflag:$0x4] =	stream.indirect.gather [hbm4b:s9+s19], $0x20, s30, s19, $0xb8;
	[tilespmem:$0x1E000] =	vst v63  }
0xae: {  	_ =	swait.ge [sflag:s8], $0x1000  }
0xaf: {  	[sflag:s8] =	ssyncset.done $0x0  }
0xb0: {  	[sflag:s8] =	ssyncadd.s32 $0xFFFFF000  }
0xb1: {  	[spmem:s3] =	stream.indirect.scatter.add.f32 [tilespmem:s26], [sflag:$0x6], $0x20, s6, s19, $0xb8;
	[tilespmem:$0x1E000] =	vst v63  }
0xb2: {  	_ =	swait.ge [sflag:s16], $0x1000  }
0xb3: {  	[sflag:s16] =	ssyncset.done $0x0  }
0xb4: {  	s29 =	simm.s32 @p1 $0x2;
	[sflag:s16] =	ssyncadd.s32 $0xFFFFF000  }
0xb5: {  	[tilespmem:s26], [sflag:$0x5] =	stream.indirect.gather [hbm4b:s9+s19], $0x20, s7, s19, $0xb8;
	[tilespmem:$0x1E000] =	vst v63  }
0xb6: {  	_ =	swait.ge @p1 [sflag:s29], $0x1000  }
0xb7: {  	s22 =	simm.s32 @p1 $0x1000;
	[sflag:s29] =	ssyncset.done @p1 $0x0  }
0xb8: {  	s30 =	simm.s32 @p1 $0x600;
	[sflag:s29] =	ssyncadd.s32 @p1 $0xFFFFF000;
	s29 =	simm.s32 @p1 $0x80  }
0xb9: {  	[spmem:s3] =	stream.indirect.scatter.add.f32 @p1 [tilespmem:s22], [sflag:$0x6], $0x20, s30, s29, $0xb8;
	[tilespmem:$0x1E000] =	vst v63  }
0xba: {  	s22 =	simm.s32 @p1 $0x6  }
0xbb: {  	_ =	swait.ge @p1 [sflag:s22], $0x1000  }
0xbc: {  	[sflag:s22] =	ssyncset.done @p1 $0x0  }
0xbd: {  	s30 =	simm.s32 @!p1 $0x1;
	[sflag:s22] =	ssyncadd.s32 @p1 $0xFFFFF000  }
0xbe: {  	_ =	swait.ge @!p1 [sflag:s30], $0x400  }
0xbf: {  	[sflag:s30] =	ssyncset.done @!p1 $0x0  }
0xc0: {  	[sflag:s30] =	ssyncadd.s32 @!p1 $0xFFFFFC00  }
0xc1: {  	_ =	swait.ge @!p1 [sflag:s30], $0x400  }
0xc2: {  	[sflag:s30] =	ssyncset.done @!p1 $0x0  }
0xc3: {  	[sflag:s30] =	ssyncadd.s32 @!p1 $0xFFFFFC00;
	s30 =	simm.s32 @!p1 $0x2  }
0xc4: {  	_ =	swait.ge @!p1 [sflag:s30], $0x1000  }
0xc5: {  	s0 =	simm.s32 @!p1 $0x600;
	[sflag:s30] =	ssyncset.done @!p1 $0x0  }
0xc6: {  	s1 =	simm.s32 @!p1 $0x1000;
	[sflag:s30] =	ssyncadd.s32 @!p1 $0xFFFFF000;
	s30 =	simm.s32 @!p1 $0x80  }
0xc7: {  	[spmem:s3] =	stream.indirect.scatter.add.f32 @!p1 [tilespmem:s1], [sflag:$0x6], $0x20, s0, s30, $0xb8;
	[tilespmem:$0x1E000] =	vst v63  }
0xc8: {  	s0 =	simm.s32 @!p1 $0x6  }
0xc9: {  	_ =	swait.ge @!p1 [sflag:s0], $0x1000  }
0xca: {  	[sflag:s0] =	ssyncset.done @!p1 $0x0  }
0xcb: {  	[sflag:s0] =	ssyncadd.s32 @!p1 $0xFFFFF000  }
0xcc: {  	[tilespmem:s1], [sflag:$0x2] =	stream.indirect.gather @!p1 [hbm4b:s9+s30], $0x20, s12, s30, $0xb8;
	[tilespmem:$0x1E000] =	vst v63  }
0xcd: {  	_ =	swait.ge [sflag:s31], $0x1000  }
0xce: {  	[sflag:s31] =	ssyncset.done $0x0  }
0xcf: {  	[sflag:s31] =	ssyncadd.s32 $0xFFFFF000  }
0xd0: {  	[spmem:s3] =	stream.indirect.scatter.add.f32 [tilespmem:s21], [sflag:$0x6], $0x20, s10, s19, $0xb8;
	[tilespmem:$0x1E000] =	vst v63  }
0xd1: {  	_ =	swait.ge [sflag:s16], $0x1000  }
0xd2: {  	[sflag:s16] =	ssyncset.done $0x0  }
0xd3: {  	s1 =	simm.s32 @p1 $0x4;
	[sflag:s16] =	ssyncadd.s32 $0xFFFFF000  }
0xd4: {  	_ =	swait.ge @p1 [sflag:s1], $0x1000  }
0xd5: {  	[sflag:s1] =	ssyncset.done @p1 $0x0  }
0xd6: {  	s12 =	simm.s32 @p1 $0x3000;
	[sflag:s1] =	ssyncadd.s32 @p1 $0xFFFFF000;
	s1 =	simm.s32 @p1 $0x700  }
0xd7: {  	[spmem:s3] =	stream.indirect.scatter.add.f32 @p1 [tilespmem:s12], [sflag:$0x6], $0x20, s1, s29, $0xb8;
	[tilespmem:$0x1E000] =	vst v63  }
0xd8: {  	_ =	swait.ge @p1 [sflag:s22], $0x1000  }
0xd9: {  	[sflag:s22] =	ssyncset.done @p1 $0x0  }
0xda: {  	s1 =	simm.s32 @!p1 $0x880;
	s12 =	simm.s32 @!p1 $0x2000;
	[sflag:s22] =	ssyncadd.s32 @p1 $0xFFFFF000  }
0xdb: {  	[tilespmem:s12], [sflag:$0x3] =	stream.indirect.gather @!p1 [hbm4b:s9+s30], $0x20, s1, s30, $0xb8;
	[tilespmem:$0x1E000] =	vst v63  }
0xdc: {  	s1 =	simm.s32 @!p1 $0x4  }
0xdd: {  	_ =	swait.ge @!p1 [sflag:s1], $0x1000  }
0xde: {  	[sflag:s1] =	ssyncset.done @!p1 $0x0  }
0xdf: {  	s12 =	simm.s32 @!p1 $0x3000;
	[sflag:s1] =	ssyncadd.s32 @!p1 $0xFFFFF000;
	s1 =	simm.s32 @!p1 $0x700  }
0xe0: {  	[spmem:s3] =	stream.indirect.scatter.add.f32 @!p1 [tilespmem:s12], [sflag:$0x6], $0x20, s1, s30, $0xb8;
	[tilespmem:$0x1E000] =	vst v63  }
0xe1: {  	_ =	swait.ge @!p1 [sflag:s0], $0x1000  }
0xe2: {  	[sflag:s0] =	ssyncset.done @!p1 $0x0  }
0xe3: {  	[sflag:s0] =	ssyncadd.s32 @!p1 $0xFFFFF000;
	s0 =	simm.s32 @!p1 $0x900  }
0xe4: {  	[tilespmem:s12], [sflag:$0x4] =	stream.indirect.gather @!p1 [hbm4b:s9+s30], $0x20, s0, s30, $0xb8;
	[tilespmem:$0x1E000] =	vst v63  }
0xe5: {  	_ =	swait.ge [sflag:s8], $0x1000  }
0xe6: {  	[sflag:s8] =	ssyncset.done $0x0  }
.Ltmp5:
0xe7: {  	[sflag:s8] =	ssyncadd.s32 $0xFFFFF000;
	(pc) =	sbr.rel @p1 .LBB2_7-.Ltmp5, $4  }
0xe8: {  	[spmem:s3] =	stream.indirect.scatter.add.f32 [tilespmem:s26], [sflag:$0x6], $0x20, s11, s19, $0xb8;
	[tilespmem:$0x1E000] =	vst v63  }
0xe9: {  	_ =	swait.ge [sflag:s16], $0x1000  }
0xea: {  	[sflag:s16] =	ssyncset.done $0x0  }
0xeb: {  	[sflag:s16] =	ssyncadd.s32 $0xFFFFF000  }
.Ltmp6:
0xec: {  	(pc) =	sbr.rel .LBB2_6-.Ltmp6, $4  }
0xed: {  	s0 =	simm.s32 @p0 $0x80;
	s1 =	simm.s32 @p0 $0x980;
	s12 =	simm.s32 @p0 $0x4000  }
0xee: {  	[tilespmem:s12], [sflag:$0x5] =	stream.indirect.gather @p0 [hbm4b:s5+s0], $0x20, s1, s0, $0xb8;
	[tilespmem:$0x1E000] =	vst v63  }
0xef: {  	s0 =	simm.s32 @!p0 $0x80;
	s1 =	simm.s32 @!p0 $0x980;
	s12 =	simm.s32 @!p0 $0x4000  }
0xf0: {  	[tilespmem:s12], [sflag:$0x5] =	stream.indirect.gather @!p0 [hbm4b:s2+s0], $0x20, s1, s0, $0xb8;
	[tilespmem:$0x1E000] =	vst v63  }
.LBB2_8:
0xf1: {  	_ =	sfence.sel $0x180000  }
0xf2: {  	[bflag:$0x0] =	sbarrier.arrive $0xFFFF  }
0xf3: {  	_ =	strace $0x9000004A  }
0xf4: {  	s0 =	stileid.u32;
	[bflag:$0x2] =	sbarrier.arrive $0xFFFF  }
0xf5: {  	p0 =	sne.s32 s0, $0x0;
	s0 =	rddreg [dreg:$0x3]  }
0xf6: {  	s0 =	sadd.s32 @!p0 $0x100000, s0  }
0xf7: {  	[sflag:s0] =	ssyncadd.tile.s32 @!p0 $0x1;
	_ =	shalt  }
.Lfunc_end2:
_tile_overlayer_lowered:
.L_overlay_start_2:
0xf8: {  	(tag) =	ssettag $0x2  }
0xf9: {  	s0 =	rddreg [dreg:$0x0];
	s2 =	stileid.u32  }
0xfa: {  	s1 =	rddreg [dreg:$0x1];
	p0 =	sne.s32 s2, $0x0  }
0xfb: {  	s3 =	rddreg [dreg:$0x2];
	[bflag:$0x3] =	sbarrier.arrive $0xFFFF;
	s2 =	simm.s32 @!p0 $0x1C06  }
0xfc: {  	[timem:s3], [sflag:s2] =	dma.local @!p0 [hbm:s0], s1  }
0xfd: {  	s0 =	simm.s32 @!p0 $0x6  }
0xfe: {  	_ =	swait.ge @!p0 [sflag:s0], s1  }
0xff: {  	s1 =	ssub.s32 @!p0 $0x0, s1;
	[sflag:s0] =	ssyncset.done @!p0 $0x0  }
0x100: {  	[sflag:s0] =	ssyncadd.s32 @!p0 s1  }
0x101: {  	[bflag:$0x3] =	sbarrier.arrive $0xFFFF  }
0x102: {  	_ =	shalt  }

</sc_bundles>
